<compile_context>
chip_gen: v7x
topology: tpu7x:2x2x1
jax: 0.10.2.dev20260603
libtpu: 0.0.44.dev20260713+nightly
codegen_flags: <defaults>
</compile_context>

<pallas_src>
import functools

import jax
import jax.numpy as jnp
from jax import lax
from jax.experimental import pallas as pl
from jax.experimental.pallas import tpu as pltpu
from jax.experimental.pallas import tpu_sc as plsc

_B, _ST, _SS, _P, _D = 2, 8, 4, 1369, 1024
_R = 128
_S = 128
_K = 4
_SHT = (2, 4, 6)
_SHS = (1, 2, 3)
_EPS = 1e-8
_RK = _R * _K
_PC = 344
_NC = 4
_NCAND = _NC * _K


def _sc_perm_gather_t(tt3, perm_tab):
    info = plsc.get_sparse_core_info()
    nw = info.num_cores * info.num_subcores
    n_rows = 8 * _R
    per_w = n_rows // nw
    mesh = plsc.VectorSubcoreMesh(core_axis_name="c", subcore_axis_name="s")

    @functools.partial(
        pl.kernel,
        out_type=(
            jax.ShapeDtypeStruct((_B, _R, _D), jnp.float32),
            jax.ShapeDtypeStruct((len(_SHT), _B, _S, _D), jnp.float32),
        ),
        mesh=mesh,
        scratch_types=[
            pltpu.VMEM((per_w,), jnp.int32),
            pltpu.VMEM((per_w,), jnp.int32),
            pltpu.VMEM((per_w, _D), jnp.float32),
            pltpu.SemaphoreType.DMA,
        ],
    )
    def k(t_hbm, ptab_hbm, oref_hbm, osh_hbm, idx_v, idx2_v, rows_v, sem):
        wid = lax.axis_index("s") * info.num_cores + lax.axis_index("c")
        g = wid // 4
        part = wid % 4
        is_ref = g < 2
        b = jnp.where(is_ref, g, (g - 2) % 2)
        i = (g - 2) // 2
        f_t = jnp.where(is_ref, 0, 2 + 2 * i)
        psel = jnp.where(is_ref, 0, 1)
        pltpu.sync_copy(ptab_hbm.at[psel, pl.ds(part * per_w, per_w)], idx_v)
        for c in range(per_w // 16):
            sl = pl.ds(c * 16, 16)
            idx2_v[sl] = idx_v[sl] * _ST + f_t
        pltpu.async_copy(t_hbm.at[b].at[idx2_v], rows_v, sem).wait()
        row0 = part * per_w

        @pl.when(is_ref)
        def _():
            pltpu.sync_copy(rows_v, oref_hbm.at[b, pl.ds(row0, per_w)])

        @pl.when(jnp.logical_not(is_ref))
        def _():
            pltpu.sync_copy(rows_v, osh_hbm.at[i, b, pl.ds(row0, per_w)])

    return k(tt3, perm_tab)


def _sc_perm_gather_s(st4, perm_tab):
    info = plsc.get_sparse_core_info()
    nw = info.num_cores * info.num_subcores
    n_rows = 8 * _R
    per_w = n_rows // nw
    half = per_w // 2
    mesh = plsc.VectorSubcoreMesh(core_axis_name="c", subcore_axis_name="s")

    @functools.partial(
        pl.kernel,
        out_type=(
            jax.ShapeDtypeStruct((_B, _R, _D), jnp.float32),
            jax.ShapeDtypeStruct((len(_SHS), _B, _S, _D), jnp.float32),
        ),
        mesh=mesh,
        scratch_types=[
            pltpu.VMEM((per_w,), jnp.int32),
            pltpu.VMEM((half,), jnp.int32),
            pltpu.VMEM((half, _SS, _D), jnp.float32),
            pltpu.SemaphoreType.DMA,
        ],
    )
    def k(s_hbm, ptab_hbm, oref_hbm, osh_hbm, idx_v, idxh_v, slabs_v, sem):
        wid = lax.axis_index("s") * info.num_cores + lax.axis_index("c")
        g = wid // 4
        part = wid % 4
        is_ref = g < 2
        b = jnp.where(is_ref, g, (g - 2) % 2)
        i = (g - 2) // 2
        f_s = jnp.where(is_ref, 0, 1 + i)
        psel = jnp.where(is_ref, 0, 1)
        pltpu.sync_copy(ptab_hbm.at[psel, pl.ds(part * per_w, per_w)], idx_v)
        for r in range(2):
            idxh_v[...] = idx_v[pl.ds(r * half, half)]
            pltpu.async_copy(s_hbm.at[b].at[idxh_v], slabs_v, sem).wait()
            row0 = part * per_w + r * half

            @pl.when(is_ref)
            def _():
                pltpu.sync_copy(slabs_v.at[:, f_s],
                                oref_hbm.at[b, pl.ds(row0, half)])

            @pl.when(jnp.logical_not(is_ref))
            def _():
                pltpu.sync_copy(slabs_v.at[:, f_s],
                                osh_hbm.at[i, b, pl.ds(row0, half)])

    return k(st4, perm_tab)


def _simtopk_body(t_ref, r_ref, out_i_ref, scr_v, scr_i):
    b = pl.program_id(0)
    c = pl.program_id(1)

    @pl.when(c == 0)
    def _init():
        scr_v[...] = jnp.full((_R, _NCAND), -jnp.inf, jnp.float32)
        scr_i[...] = jnp.zeros((_R, _NCAND), jnp.int32)

    nl = _PC * _ST
    fa = t_ref[0].reshape(nl, _D)
    fn = jnp.maximum(jnp.sqrt(jnp.sum(fa * fa, axis=-1, keepdims=True)),
                     1e-12)
    rec_row = lax.transpose(1.0 / fn, (1, 0))
    raw = lax.dot_general(r_ref[0], fa, (((1,), (1,)), ((), ())),
                          preferred_element_type=jnp.float32)
    sim = raw * rec_row

    iota = lax.broadcasted_iota(jnp.int32, (_R, nl), 1)
    valid = ((iota & 1) == 1) & (iota < (_P - c * _PC) * _ST)
    sim = jnp.where(valid, sim, -jnp.inf)

    lane = lax.broadcasted_iota(jnp.int32, (_R, _NCAND), 1)
    base = c * (_PC * _ST)
    sv = scr_v[...]
    si = scr_i[...]
    for j in range(_K):
        m = jnp.max(sim, axis=1, keepdims=True)
        pos = jnp.min(jnp.where(sim == m, iota, jnp.int32(2 ** 30)),
                      axis=1, keepdims=True)
        sim = jnp.where(iota == pos, -jnp.inf, sim)
        slot = c * _K + j
        sv = jnp.where(lane == slot, m, sv)
        si = jnp.where(lane == slot, pos + base, si)
    scr_v[...] = sv
    scr_i[...] = si

    @pl.when(c == _NC - 1)
    def _emit():
        v = scr_v[...]
        ci = scr_i[...]
        lane4 = lax.broadcasted_iota(jnp.int32, (_R, _K), 1)
        res = jnp.zeros((_R, _K), jnp.int32)
        for j in range(_K):
            m = jnp.max(v, axis=1, keepdims=True)
            pos = jnp.min(jnp.where(v == m, lane, jnp.int32(2 ** 30)),
                          axis=1, keepdims=True)
            sel = jnp.sum(jnp.where(lane == pos, ci, 0), axis=1, keepdims=True)
            res = jnp.where(lane4 == j, sel, res)
            v = jnp.where(lane == pos, -jnp.inf, v)
        out_i_ref[0] = res


def _tc_sim_topk(tt4, ref_t):
    return pl.pallas_call(
        _simtopk_body,
        grid=(_B, _NC),
        in_specs=[
            pl.BlockSpec((1, _PC, _ST, _D), lambda b, c: (b, c, 0, 0)),
            pl.BlockSpec((1, _R, _D), lambda b, c: (b, 0, 0)),
        ],
        out_specs=pl.BlockSpec((1, _R, _K), lambda b, c: (b, 0, 0)),
        out_shape=jax.ShapeDtypeStruct((_B, _R, _K), jnp.int32),
        scratch_shapes=[
            pltpu.VMEM((_R, _NCAND), jnp.float32),
            pltpu.VMEM((_R, _NCAND), jnp.int32),
        ],
        compiler_params=pltpu.CompilerParams(
            dimension_semantics=("arbitrary", "arbitrary")),
    )(tt4, ref_t)


def _sc_topk_gather(gidx, tt3):
    info = plsc.get_sparse_core_info()
    nw = info.num_cores * info.num_subcores
    n_rows = gidx.shape[0]
    per_w = n_rows // nw
    w_per_b = nw // _B
    mesh = plsc.VectorSubcoreMesh(core_axis_name="c", subcore_axis_name="s")

    @functools.partial(
        pl.kernel,
        out_type=jax.ShapeDtypeStruct((n_rows, _D), jnp.float32),
        mesh=mesh,
        scratch_types=[
            pltpu.VMEM((per_w,), jnp.int32),
            pltpu.VMEM((per_w, _D), jnp.float32),
            pltpu.SemaphoreType.DMA,
        ],
    )
    def k(i_hbm, t_hbm, out_hbm, idx_v, rows_v, sem):
        wid = lax.axis_index("s") * info.num_cores + lax.axis_index("c")
        base = wid * per_w
        b = wid // w_per_b
        pltpu.sync_copy(i_hbm.at[pl.ds(base, per_w)], idx_v)
        pltpu.async_copy(t_hbm.at[b].at[idx_v], rows_v, sem).wait()
        pltpu.sync_copy(rows_v, out_hbm.at[pl.ds(base, per_w)])

    return k(gidx, tt3)


def _huber(pred, target):
    e = pred - target
    ae = jnp.abs(e)
    return jnp.where(ae <= 1.0, 0.5 * e * e, ae - 0.5)


def _angles_body(rt_ref, rs_ref, sht_ref, shs_ref, h_ref, out_ref):
    cd = (((1,), (1,)), ((), ()))
    row = lax.broadcasted_iota(jnp.int32, (_RK, _R), 0)
    col = lax.broadcasted_iota(jnp.int32, (_RK, _R), 1)
    repmask = (row // _K == col)
    E = repmask.astype(jnp.float32)
    ones = jnp.ones((1, _D), jnp.float32)

    def _mm(a, bm):
        return lax.dot_general(a, bm, cd, preferred_element_type=jnp.float32)

    def _rep(x):
        return lax.dot_general(E, x, (((1,), (0,)), ((), ())),
                               preferred_element_type=jnp.float32)

    b = pl.program_id(0)
    acc = jnp.float32(0.0)
    if True:
        H = h_ref[0]
        hh = jnp.sum(H * H, axis=-1, keepdims=True)
        side = []
        for r_ref_ in (rt_ref, rs_ref):
            ref = r_ref_[0]
            rhm = _mm(H, ref)
            rh = jnp.sum(jnp.where(repmask, rhm, 0.0),
                         axis=1, keepdims=True)
            rr = _rep(jnp.sum(ref * ref, axis=-1, keepdims=True))
            side.append((ref, rh, rr))
        for i in range(len(_SHT)):
            angles = []
            for (sh_ref_, (ref, rh, rr)) in ((sht_ref, side[0]),
                                             (shs_ref, side[1])):
                sh = sh_ref_[i, 0]
                rs2 = _rep(_mm(ref, sh))
                sh2 = _mm(H, sh)
                ss = _mm(ones, sh * sh)
                dot1 = sh2 - rs2 - rh + rr
                na1 = jnp.maximum(jnp.sqrt(jnp.maximum(ss + rr - 2.0 * rs2, 0.0)), _EPS)
                nb1 = jnp.maximum(jnp.sqrt(jnp.maximum(hh + rr - 2.0 * rh, 0.0)), _EPS)
                a1 = dot1 / (na1 * nb1)
                dot2 = rs2 - sh2 - rh + hh
                na2 = jnp.maximum(jnp.sqrt(jnp.maximum(rr + hh - 2.0 * rh, 0.0)), _EPS)
                nb2 = jnp.maximum(jnp.sqrt(jnp.maximum(ss + hh - 2.0 * sh2, 1e-12)), _EPS)
                a2 = dot2 / (na2 * nb2)
                dot3 = rh - sh2 - rs2 + ss
                na3 = jnp.maximum(jnp.sqrt(jnp.maximum(rr + ss - 2.0 * rs2, 0.0)), _EPS)
                nb3 = jnp.maximum(jnp.sqrt(jnp.maximum(hh + ss - 2.0 * sh2, 1e-12)), _EPS)
                a3 = dot3 / (na3 * nb3)
                angles.append((a1, a2, a3))
            (t1, t2, t3), (s1, s2, s3) = angles
            acc = acc + jnp.sum(_huber(s1, t1)) + jnp.sum(_huber(s2, t2)) \
                      + jnp.sum(_huber(s3, t3))
    total = float(len(_SHT) * _B * _R * _S * _K)
    part = jnp.reshape(acc / total, (1, 1))

    @pl.when(b == 0)
    def _():
        out_ref[...] = part

    @pl.when(b != 0)
    def _():
        out_ref[...] = out_ref[...] + part


def _tc_angles(ref_t, ref_s, shared_t, shared_s, h):
    return pl.pallas_call(
        _angles_body,
        grid=(_B,),
        in_specs=[
            pl.BlockSpec((1, _R, _D), lambda b: (b, 0, 0)),
            pl.BlockSpec((1, _R, _D), lambda b: (b, 0, 0)),
            pl.BlockSpec((len(_SHT), 1, _S, _D), lambda b: (0, b, 0, 0)),
            pl.BlockSpec((len(_SHS), 1, _S, _D), lambda b: (0, b, 0, 0)),
            pl.BlockSpec((1, _RK, _D), lambda b: (b, 0, 0)),
        ],
        out_specs=pl.BlockSpec((1, 1), lambda b: (0, 0)),
        out_shape=jax.ShapeDtypeStruct((1, 1), jnp.float32),
        compiler_params=pltpu.CompilerParams(
            dimension_semantics=("arbitrary",)),
    )(ref_t, ref_s, shared_t, shared_s, h)


def kernel(teacher_feats, student_feats, ref_perm, shared_perm):
    perm_tab = jnp.stack([ref_perm, shared_perm])

    tt4 = jnp.transpose(teacher_feats, (0, 2, 1, 3))
    tt3 = tt4.reshape(_B, _P * _ST, _D)
    st4 = jnp.transpose(student_feats, (0, 2, 1, 3))

    ref_t, shared_t = _sc_perm_gather_t(tt3, perm_tab)
    ref_s, shared_s = _sc_perm_gather_s(st4, perm_tab)

    gidx = _tc_sim_topk(tt4, ref_t)
    h = _sc_topk_gather(gidx.reshape(_B * _R * _K), tt3).reshape(_B, _RK, _D)

    out = _tc_angles(ref_t, ref_s, shared_t, shared_s, h)
    return out[0, 0]

# --- scband reference (transcript-rebuilt; emitter-appended) ---
"""Pipeline reference for scband-vggtcross-frame-rkdangle-loss-66176856097252 (READ-ONLY COPY).

The authoritative reference and input builder live on the scoring server;
editing this copy changes nothing except your own understanding.
"""

import jax, jax.numpy as jnp
import numpy as np

B, S_T, S_S, P, D = 2, 8, 4, 1369, 1024
NUM_REF = 128
NUM_SHARED = 128
TOPK = 4
EXTRA_FRAMES = [1, 3, 5, 7]
SHARED_T = [2, 4, 6]
SHARED_S = [1, 2, 3]
EPS = 1e-08
DELTA = 1.0


def setup_inputs(seed: int = 0):
    key = jax.random.key(seed)
    k1, k2, k3, k4 = jax.random.split(key, 4)
    teacher_feats = jax.random.normal(k1, (B, S_T, P, D), dtype=jnp.float32)
    student_feats = jax.random.normal(k2, (B, S_S, P, D), dtype=jnp.float32)
    ref_perm = jax.random.randint(k3, (NUM_REF,), 0, P, dtype=jnp.int32)
    shared_perm = jax.random.randint(k4, (NUM_SHARED,), 0, P, dtype=jnp.int32)
    return {"teacher_feats": teacher_feats, "student_feats": student_feats,
            "ref_perm": ref_perm, "shared_perm": shared_perm}


def _norm(x):
    return jnp.sqrt(jnp.sum(x * x, axis=-1))


def _huber(pred, target):
    e = pred - target
    ae = jnp.abs(e)
    return jnp.where(ae <= DELTA, 0.5 * e * e, DELTA * (ae - 0.5 * DELTA))


def _cos_vertex_ref(ref, shared, h):
    # cos(shared - ref, h - ref); ref [B,R,D], shared [B,S,D], h [B,R,K,D] -> [B,R,S,K]
    a = shared[:, None, :, :] - ref[:, :, None, :]
    b = h - ref[:, :, None, :]
    dot = jnp.einsum('brsd,brkd->brsk', a, b)
    na = jnp.maximum(_norm(a), EPS)
    nb = jnp.maximum(_norm(b), EPS)
    return dot / (na[..., None] * nb[:, :, None, :])


def _cos_vertex_h(ref, shared, h):
    # cos(ref - h, shared - h); avoids materializing [B,R,S,K,D]
    a = ref[:, :, None, :] - h
    dot = jnp.einsum('brkd,bsd->brsk', a, shared) - jnp.sum(a * h, axis=-1)[:, :, None, :]
    na = jnp.maximum(_norm(a), EPS)
    st2 = jnp.sum(shared * shared, axis=-1)
    h2 = jnp.sum(h * h, axis=-1)
    cross = jnp.einsum('bsd,brkd->brsk', shared, h)
    nb2 = st2[:, None, :, None] + h2[:, :, None, :] - 2.0 * cross
    nb = jnp.maximum(jnp.sqrt(jnp.maximum(nb2, 1e-12)), EPS)
    return dot / (na[:, :, None, :] * nb)


def _cos_vertex_shared(ref, shared, h):
    # cos(ref - shared, h - shared)
    a = ref[:, :, None, :] - shared[:, None, :, :]
    dot = jnp.einsum('brsd,brkd->brsk', a, h) - jnp.einsum('brsd,bsd->brs', a, shared)[..., None]
    na = jnp.maximum(_norm(a), EPS)
    st2 = jnp.sum(shared * shared, axis=-1)
    h2 = jnp.sum(h * h, axis=-1)
    cross = jnp.einsum('brkd,bsd->brsk', h, shared)
    nb2 = h2[:, :, None, :] + st2[:, None, :, None] - 2.0 * cross
    nb = jnp.maximum(jnp.sqrt(jnp.maximum(nb2, 1e-12)), EPS)
    return dot / (na[..., None] * nb)


def _forward(teacher_feats, student_feats, ref_perm, shared_perm):
    tfe = jax.lax.stop_gradient(teacher_feats)
    Bv = teacher_feats.shape[0]
    ref_t = tfe[:, 0][:, ref_perm, :]
    ref_s = student_feats[:, 0][:, ref_perm, :]
    extra_t = jnp.concatenate([tfe[:, e] for e in EXTRA_FRAMES], axis=1)  # [B, 4P, D]
    rtn = ref_t / jnp.maximum(_norm(ref_t)[..., None], 1e-12)
    etn = extra_t / jnp.maximum(_norm(extra_t)[..., None], 1e-12)
    sim = jnp.einsum('brd,bnd->brn', rtn, etn)
    _, topi = jax.lax.top_k(sim, TOPK)  # [B, R, K]
    h = jnp.take_along_axis(extra_t, topi.reshape(Bv, -1)[:, :, None], axis=1).reshape(Bv, NUM_REF, TOPK, D)
    sum1 = jnp.float32(0.0)
    sum2 = jnp.float32(0.0)
    sum3 = jnp.float32(0.0)
    for t_idx, s_idx in zip(SHARED_T, SHARED_S):
        shared_t = tfe[:, t_idx][:, shared_perm, :]
        shared_s = student_feats[:, s_idx][:, shared_perm, :]
        a1_t = _cos_vertex_ref(ref_t, shared_t, h)
        a1_s = _cos_vertex_ref(ref_s, shared_s, h)
        sum1 = sum1 + jnp.sum(_huber(a1_s, jax.lax.stop_gradient(a1_t)))
        a2_t = _cos_vertex_h(ref_t, shared_t, h)
        a2_s = _cos_vertex_h(ref_s, shared_s, h)
        sum2 = sum2 + jnp.sum(_huber(a2_s, jax.lax.stop_gradient(a2_t)))
        a3_t = _cos_vertex_shared(ref_t, shared_t, h)
        a3_s = _cos_vertex_shared(ref_s, shared_s, h)
        sum3 = sum3 + jnp.sum(_huber(a3_s, jax.lax.stop_gradient(a3_t)))
    total = float(len(SHARED_T) * Bv * NUM_REF * NUM_SHARED * TOPK)
    loss = 1.0 * (sum1 / total) + 1.0 * (sum2 / total) + 1.0 * (sum3 / total)
    return loss


def reference(teacher_feats, student_feats, ref_perm, shared_perm):
    return _forward(teacher_feats, student_feats, ref_perm, shared_perm)

if __name__ == "__main__":
    import jax
    _d = setup_inputs()
    print(jax.jit(kernel)(*tuple(_d.values())))

</pallas_src>

<mosaic_0001>
#map = affine_map<(d0, d1) -> (0)>
#map1 = affine_map<(d0, d1) -> (0, 0, 0)>
#map2 = affine_map<(d0, d1) -> (0, 0)>
module attributes {stable_mosaic.version = 14 : i64} {
  func.func @k(%arg0: i32, %arg1: i32, %arg2: memref<1024xi32, #tpu.memory_space<hbm>>, %arg3: memref<2x10952x1024xf32, #tpu.memory_space<hbm>>, %arg4: memref<1024x1024xf32, #tpu.memory_space<hbm>>, %arg5: memref<32xi32, #tpu.memory_space<vmem>>, %arg6: memref<32x1024xf32, #tpu.memory_space<vmem>>, %arg7: memref<!tpu.dma_semaphore, #tpu.memory_space<semaphore_mem>>) attributes {dimension_semantics = [#tpu.dimension_semantics<core_parallel>, #tpu.dimension_semantics<subcore_parallel>], iteration_bounds = array<i64: 2, 16>, scalar_prefetch = 0 : i64, scratch_operands = 3 : i64, tpu.core_type = #tpu.core_type<sc_vector_subcore>, window_params = [{transform_indices = #map}, {transform_indices = #map1}, {transform_indices = #map2}]} {
    %mul3A = arith.constant 2 : i32
    %mul3A_0 = arith.muli %arg1, %mul3A : i32
    %add3A = arith.addi %mul3A_0, %arg0 : i32
    %mul3A_1 = arith.constant 32 : i32
    %mul3A_2 = arith.muli %add3A, %mul3A_1 : i32
    %jit3A = arith.constant 16 : i32
    %div3A = arith.divsi %add3A, %jit3A : i32
    %sign3A = arith.constant 0 : i32
    %sign3A_3 = arith.cmpi sgt, %add3A, %sign3A : i32
    %sign3A_4 = arith.extui %sign3A_3 : i1 to i32
    %sign3A_5 = arith.constant 0 : i32
    %sign3A_6 = arith.cmpi slt, %add3A, %sign3A_5 : i32
    %sign3A_7 = arith.extui %sign3A_6 : i1 to i32
    %sign3A_8 = arith.subi %sign3A_4, %sign3A_7 : i32
    %sign3A_9 = arith.constant 0 : i32
    %sign3A_10 = arith.cmpi sgt, %jit3A, %sign3A_9 : i32
    %sign3A_11 = arith.extui %sign3A_10 : i1 to i32
    %sign3A_12 = arith.constant 0 : i32
    %sign3A_13 = arith.cmpi slt, %jit3A, %sign3A_12 : i32
    %sign3A_14 = arith.extui %sign3A_13 : i1 to i32
    %sign3A_15 = arith.subi %sign3A_11, %sign3A_14 : i32
    %ne3A = arith.cmpi ne, %sign3A_8, %sign3A_15 : i32
    %rem3A = arith.remsi %add3A, %jit3A : i32
    %ne3A_16 = arith.constant 0 : i32
    %ne3A_17 = arith.cmpi ne, %rem3A, %ne3A_16 : i32
    %and3A = arith.andi %ne3A, %ne3A_17 : i1
    %sub3A = arith.constant 1 : i32
    %sub3A_18 = arith.subi %div3A, %sub3A : i32
    %select_n3A = arith.select %and3A, %sub3A_18, %div3A : i32
    "tpu.region"() ({
      %run_scoped3A = tpu.sem_alloc : memref<!tpu.dma_semaphore, #tpu.memory_space<semaphore_mem>>
      %dma_start3A_31 = tpu.memref_slice %arg2[%mul3A_2] : memref<1024xi32, #tpu.memory_space<hbm>> -> memref<32xi32, #tpu.memory_space<hbm>>
      %dma_start3A_32 = tpu.memref_slice %arg2[%mul3A_2] : memref<1024xi32, #tpu.memory_space<hbm>> -> memref<32xi32, #tpu.memory_space<hbm>>
      tpu.enqueue_dma source(%dma_start3A_32 : memref<32xi32, #tpu.memory_space<hbm>>) target(%arg5 : memref<32xi32, #tpu.memory_space<vmem>>) target_semaphore(%run_scoped3A : memref<!tpu.dma_semaphore, #tpu.memory_space<semaphore_mem>>)
      %dma_wait3A_33 = tpu.memref_slice %arg2[%mul3A_2] : memref<1024xi32, #tpu.memory_space<hbm>> -> memref<32xi32, #tpu.memory_space<hbm>>
      %dma_wait3A_34 = tpu.memref_slice %arg2[%mul3A_2] : memref<1024xi32, #tpu.memory_space<hbm>> -> memref<32xi32, #tpu.memory_space<hbm>>
      tpu.wait_dma2 semaphore(%run_scoped3A : memref<!tpu.dma_semaphore, #tpu.memory_space<semaphore_mem>>) src(%dma_wait3A_34 : memref<32xi32, #tpu.memory_space<hbm>>) dst(%arg5 : memref<32xi32, #tpu.memory_space<vmem>>)
      tpu.yield
    }) : () -> ()
    %dma_start3A = arith.constant 0 : i32
    %dma_start3A_19 = arith.constant 0 : i32
    %dma_start3A_20 = tpu.memref_slice %arg3[%select_n3A, %dma_start3A, %dma_start3A_19] : memref<2x10952x1024xf32, #tpu.memory_space<hbm>> -> memref<1x10952x1024xf32, #tpu.memory_space<hbm>>
    %dma_start3A_21 = tpu.memref_squeeze %dma_start3A_20 : memref<1x10952x1024xf32, #tpu.memory_space<hbm>> -> memref<10952x1024xf32, #tpu.memory_space<hbm>>
    %dma_start3A_22 = arith.constant 0 : i32
    %dma_start3A_23 = arith.constant 0 : i32
    %dma_start3A_24 = tpu.memref_slice %dma_start3A_21[%dma_start3A_22, %dma_start3A_23] : memref<10952x1024xf32, #tpu.memory_space<hbm>> -> memref<10952x1024xf32, #tpu.memory_space<hbm>>
    tpu.enqueue_indirect_dma source(%dma_start3A_24 : memref<10952x1024xf32, #tpu.memory_space<hbm>>) target(%arg6 : memref<32x1024xf32, #tpu.memory_space<vmem>>) offsets(%arg5 : memref<32xi32, #tpu.memory_space<vmem>>) semaphore(%arg7 : memref<!tpu.dma_semaphore, #tpu.memory_space<semaphore_mem>>)
    %dma_wait3A = arith.constant 0 : i32
    %dma_wait3A_25 = arith.constant 0 : i32
    %dma_wait3A_26 = tpu.memref_slice %arg3[%select_n3A, %dma_wait3A, %dma_wait3A_25] : memref<2x10952x1024xf32, #tpu.memory_space<hbm>> -> memref<1x10952x1024xf32, #tpu.memory_space<hbm>>
    %dma_wait3A_27 = tpu.memref_squeeze %dma_wait3A_26 : memref<1x10952x1024xf32, #tpu.memory_space<hbm>> -> memref<10952x1024xf32, #tpu.memory_space<hbm>>
    %dma_wait3A_28 = arith.constant 0 : i32
    %dma_wait3A_29 = arith.constant 0 : i32
    %dma_wait3A_30 = tpu.memref_slice %dma_wait3A_27[%dma_wait3A_28, %dma_wait3A_29] : memref<10952x1024xf32, #tpu.memory_space<hbm>> -> memref<10952x1024xf32, #tpu.memory_space<hbm>>
    tpu.wait_indirect_dma semaphore(%arg7 : memref<!tpu.dma_semaphore, #tpu.memory_space<semaphore_mem>>) src(%dma_wait3A_30 : memref<10952x1024xf32, #tpu.memory_space<hbm>>) dst(%arg6 : memref<32x1024xf32, #tpu.memory_space<vmem>>)
    "tpu.region"() ({
      %run_scoped3A = tpu.sem_alloc : memref<!tpu.dma_semaphore, #tpu.memory_space<semaphore_mem>>
      %dma_start3A_31 = arith.constant 0 : i32
      %dma_start3A_32 = tpu.memref_slice %arg4[%mul3A_2, %dma_start3A_31] : memref<1024x1024xf32, #tpu.memory_space<hbm>> -> memref<32x1024xf32, #tpu.memory_space<hbm>>
      %dma_start3A_33 = arith.constant 0 : i32
      %dma_start3A_34 = tpu.memref_slice %arg4[%mul3A_2, %dma_start3A_33] : memref<1024x1024xf32, #tpu.memory_space<hbm>> -> memref<32x1024xf32, #tpu.memory_space<hbm>>
      tpu.enqueue_dma source(%arg6 : memref<32x1024xf32, #tpu.memory_space<vmem>>) target(%dma_start3A_34 : memref<32x1024xf32, #tpu.memory_space<hbm>>) target_semaphore(%run_scoped3A : memref<!tpu.dma_semaphore, #tpu.memory_space<semaphore_mem>>)
      %dma_wait3A_35 = arith.constant 0 : i32
      %dma_wait3A_36 = tpu.memref_slice %arg4[%mul3A_2, %dma_wait3A_35] : memref<1024x1024xf32, #tpu.memory_space<hbm>> -> memref<32x1024xf32, #tpu.memory_space<hbm>>
      %dma_wait3A_37 = arith.constant 0 : i32
      %dma_wait3A_38 = tpu.memref_slice %arg4[%mul3A_2, %dma_wait3A_37] : memref<1024x1024xf32, #tpu.memory_space<hbm>> -> memref<32x1024xf32, #tpu.memory_space<hbm>>
      tpu.wait_dma2 semaphore(%run_scoped3A : memref<!tpu.dma_semaphore, #tpu.memory_space<semaphore_mem>>) src(%arg6 : memref<32x1024xf32, #tpu.memory_space<vmem>>) dst(%dma_wait3A_38 : memref<32x1024xf32, #tpu.memory_space<hbm>>)
      tpu.yield
    }) : () -> ()
    return
  }
}

#map = affine_map<(d0, d1) -> (0, 0, 0)>
#map1 = affine_map<(d0, d1) -> (0, 0)>
#map2 = affine_map<(d0, d1) -> (0, 0, 0, 0)>
module attributes {stable_mosaic.version = 14 : i64} {
  func.func @k(%arg0: i32, %arg1: i32, %arg2: memref<2x10952x1024xf32, #tpu.memory_space<hbm>>, %arg3: memref<2x128xi32, #tpu.memory_space<hbm>>, %arg4: memref<2x128x1024xf32, #tpu.memory_space<hbm>>, %arg5: memref<3x2x128x1024xf32, #tpu.memory_space<hbm>>, %arg6: memref<32xi32, #tpu.memory_space<vmem>>, %arg7: memref<32xi32, #tpu.memory_space<vmem>>, %arg8: memref<32x1024xf32, #tpu.memory_space<vmem>>, %arg9: memref<!tpu.dma_semaphore, #tpu.memory_space<semaphore_mem>>) attributes {dimension_semantics = [#tpu.dimension_semantics<core_parallel>, #tpu.dimension_semantics<subcore_parallel>], iteration_bounds = array<i64: 2, 16>, scalar_prefetch = 0 : i64, scratch_operands = 4 : i64, tpu.core_type = #tpu.core_type<sc_vector_subcore>, window_params = [{transform_indices = #map}, {transform_indices = #map1}, {transform_indices = #map}, {transform_indices = #map2}]} {
    %mul3A = arith.constant 2 : i32
    %mul3A_0 = arith.muli %arg1, %mul3A : i32
    %add3A = arith.addi %mul3A_0, %arg0 : i32
    %jit3A = arith.constant 4 : i32
    %div3A = arith.divsi %add3A, %jit3A : i32
    %sign3A = arith.constant 0 : i32
    %sign3A_1 = arith.cmpi sgt, %add3A, %sign3A : i32
    %sign3A_2 = arith.extui %sign3A_1 : i1 to i32
    %sign3A_3 = arith.constant 0 : i32
    %sign3A_4 = arith.cmpi slt, %add3A, %sign3A_3 : i32
    %sign3A_5 = arith.extui %sign3A_4 : i1 to i32
    %sign3A_6 = arith.subi %sign3A_2, %sign3A_5 : i32
    %sign3A_7 = arith.constant 0 : i32
    %sign3A_8 = arith.cmpi sgt, %jit3A, %sign3A_7 : i32
    %sign3A_9 = arith.extui %sign3A_8 : i1 to i32
    %sign3A_10 = arith.constant 0 : i32
    %sign3A_11 = arith.cmpi slt, %jit3A, %sign3A_10 : i32
    %sign3A_12 = arith.extui %sign3A_11 : i1 to i32
    %sign3A_13 = arith.subi %sign3A_9, %sign3A_12 : i32
    %ne3A = arith.cmpi ne, %sign3A_6, %sign3A_13 : i32
    %rem3A = arith.remsi %add3A, %jit3A : i32
    %ne3A_14 = arith.constant 0 : i32
    %ne3A_15 = arith.cmpi ne, %rem3A, %ne3A_14 : i32
    %and3A = arith.andi %ne3A, %ne3A_15 : i1
    %sub3A = arith.constant 1 : i32
    %sub3A_16 = arith.subi %div3A, %sub3A : i32
    %select_n3A = arith.select %and3A, %sub3A_16, %div3A : i32
    %jit3A_17 = arith.constant 4 : i32
    %eq3A = arith.constant 0 : i32
    %eq3A_18 = arith.cmpi eq, %jit3A_17, %eq3A : i32
    %jit3A_19 = arith.constant 1 : i32
    %select_n3A_20 = arith.select %eq3A_18, %jit3A_19, %jit3A_17 : i32
    %rem3A_21 = arith.remsi %add3A, %select_n3A_20 : i32
    %ne3A_22 = arith.constant 0 : i32
    %ne3A_23 = arith.cmpi ne, %rem3A_21, %ne3A_22 : i32
    %lt3A = arith.constant 0 : i32
    %lt3A_24 = arith.cmpi slt, %rem3A_21, %lt3A : i32
    %lt3A_25 = arith.constant 0 : i32
    %lt3A_26 = arith.cmpi slt, %select_n3A_20, %lt3A_25 : i32
    %ne3A_27 = arith.xori %lt3A_24, %lt3A_26 : i1
    %and3A_28 = arith.andi %ne3A_27, %ne3A_23 : i1
    %add3A_29 = arith.addi %rem3A_21, %select_n3A_20 : i32
    %select_n3A_30 = arith.select %and3A_28, %add3A_29, %rem3A_21 : i32
    %lt3A_31 = arith.constant 2 : i32
    %lt3A_32 = arith.cmpi slt, %select_n3A, %lt3A_31 : i32
    %sub3A_33 = arith.constant 2 : i32
    %sub3A_34 = arith.subi %select_n3A, %sub3A_33 : i32
    %jit3A_35 = arith.constant 2 : i32
    %eq3A_36 = arith.constant 0 : i32
    %eq3A_37 = arith.cmpi eq, %jit3A_35, %eq3A_36 : i32
    %jit3A_38 = arith.constant 1 : i32
    %select_n3A_39 = arith.select %eq3A_37, %jit3A_38, %jit3A_35 : i32
    %rem3A_40 = arith.remsi %sub3A_34, %select_n3A_39 : i32
    %ne3A_41 = arith.constant 0 : i32
    %ne3A_42 = arith.cmpi ne, %rem3A_40, %ne3A_41 : i32
    %lt3A_43 = arith.constant 0 : i32
    %lt3A_44 = arith.cmpi slt, %rem3A_40, %lt3A_43 : i32
    %lt3A_45 = arith.constant 0 : i32
    %lt3A_46 = arith.cmpi slt, %select_n3A_39, %lt3A_45 : i32
    %ne3A_47 = arith.xori %lt3A_44, %lt3A_46 : i1
    %and3A_48 = arith.andi %ne3A_47, %ne3A_42 : i1
    %add3A_49 = arith.addi %rem3A_40, %select_n3A_39 : i32
    %select_n3A_50 = arith.select %and3A_48, %add3A_49, %rem3A_40 : i32
    %select_n3A_51 = arith.select %lt3A_32, %select_n3A, %select_n3A_50 : i32
    %sub3A_52 = arith.constant 2 : i32
    %sub3A_53 = arith.subi %select_n3A, %sub3A_52 : i32
    %jit3A_54 = arith.constant 2 : i32
    %div3A_55 = arith.divsi %sub3A_53, %jit3A_54 : i32
    %sign3A_56 = arith.constant 0 : i32
    %sign3A_57 = arith.cmpi sgt, %sub3A_53, %sign3A_56 : i32
    %sign3A_58 = arith.extui %sign3A_57 : i1 to i32
    %sign3A_59 = arith.constant 0 : i32
    %sign3A_60 = arith.cmpi slt, %sub3A_53, %sign3A_59 : i32
    %sign3A_61 = arith.extui %sign3A_60 : i1 to i32
    %sign3A_62 = arith.subi %sign3A_58, %sign3A_61 : i32
    %sign3A_63 = arith.constant 0 : i32
    %sign3A_64 = arith.cmpi sgt, %jit3A_54, %sign3A_63 : i32
    %sign3A_65 = arith.extui %sign3A_64 : i1 to i32
    %sign3A_66 = arith.constant 0 : i32
    %sign3A_67 = arith.cmpi slt, %jit3A_54, %sign3A_66 : i32
    %sign3A_68 = arith.extui %sign3A_67 : i1 to i32
    %sign3A_69 = arith.subi %sign3A_65, %sign3A_68 : i32
    %ne3A_70 = arith.cmpi ne, %sign3A_62, %sign3A_69 : i32
    %rem3A_71 = arith.remsi %sub3A_53, %jit3A_54 : i32
    %ne3A_72 = arith.constant 0 : i32
    %ne3A_73 = arith.cmpi ne, %rem3A_71, %ne3A_72 : i32
    %and3A_74 = arith.andi %ne3A_70, %ne3A_73 : i1
    %sub3A_75 = arith.constant 1 : i32
    %sub3A_76 = arith.subi %div3A_55, %sub3A_75 : i32
    %select_n3A_77 = arith.select %and3A_74, %sub3A_76, %div3A_55 : i32
    %mul3A_78 = arith.constant 2 : i32
    %mul3A_79 = arith.muli %mul3A_78, %select_n3A_77 : i32
    %add3A_80 = arith.constant 2 : i32
    %add3A_81 = arith.addi %add3A_80, %mul3A_79 : i32
    %jit3A_82 = arith.constant 0 : i32
    %select_n3A_83 = arith.select %lt3A_32, %jit3A_82, %add3A_81 : i32
    %jit3A_84 = arith.constant 0 : i32
    %jit3A_85 = arith.constant 1 : i32
    %select_n3A_86 = arith.select %lt3A_32, %jit3A_84, %jit3A_85 : i32
    %mul3A_87 = arith.constant 32 : i32
    %mul3A_88 = arith.muli %select_n3A_30, %mul3A_87 : i32
    "tpu.region"() ({
      %run_scoped3A = tpu.sem_alloc : memref<!tpu.dma_semaphore, #tpu.memory_space<semaphore_mem>>
      %dma_start3A_130 = tpu.memref_slice %arg3[%select_n3A_86, %mul3A_88] : memref<2x128xi32, #tpu.memory_space<hbm>> -> memref<1x32xi32, #tpu.memory_space<hbm>>
      %dma_start3A_131 = tpu.memref_squeeze %dma_start3A_130 : memref<1x32xi32, #tpu.memory_space<hbm>> -> memref<32xi32, #tpu.memory_space<hbm>>
      %dma_start3A_132 = tpu.memref_slice %arg3[%select_n3A_86, %mul3A_88] : memref<2x128xi32, #tpu.memory_space<hbm>> -> memref<1x32xi32, #tpu.memory_space<hbm>>
      %dma_start3A_133 = tpu.memref_squeeze %dma_start3A_132 : memref<1x32xi32, #tpu.memory_space<hbm>> -> memref<32xi32, #tpu.memory_space<hbm>>
      tpu.enqueue_dma source(%dma_start3A_133 : memref<32xi32, #tpu.memory_space<hbm>>) target(%arg6 : memref<32xi32, #tpu.memory_space<vmem>>) target_semaphore(%run_scoped3A : memref<!tpu.dma_semaphore, #tpu.memory_space<semaphore_mem>>)
      %dma_wait3A_134 = tpu.memref_slice %arg3[%select_n3A_86, %mul3A_88] : memref<2x128xi32, #tpu.memory_space<hbm>> -> memref<1x32xi32, #tpu.memory_space<hbm>>
      %dma_wait3A_135 = tpu.memref_squeeze %dma_wait3A_134 : memref<1x32xi32, #tpu.memory_space<hbm>> -> memref<32xi32, #tpu.memory_space<hbm>>
      %dma_wait3A_136 = tpu.memref_slice %arg3[%select_n3A_86, %mul3A_88] : memref<2x128xi32, #tpu.memory_space<hbm>> -> memref<1x32xi32, #tpu.memory_space<hbm>>
      %dma_wait3A_137 = tpu.memref_squeeze %dma_wait3A_136 : memref<1x32xi32, #tpu.memory_space<hbm>> -> memref<32xi32, #tpu.memory_space<hbm>>
      tpu.wait_dma2 semaphore(%run_scoped3A : memref<!tpu.dma_semaphore, #tpu.memory_space<semaphore_mem>>) src(%dma_wait3A_137 : memref<32xi32, #tpu.memory_space<hbm>>) dst(%arg6 : memref<32xi32, #tpu.memory_space<vmem>>)
      tpu.yield
    }) : () -> ()
    %get3A = arith.constant 0 : index
    %get3A_89 = tpu.vector_load %arg6[%get3A] {strides = array<i32>} : memref<32xi32, #tpu.memory_space<vmem>>, vector<16xi32>,
    %get3A_90 = vector.shape_cast %get3A_89 : vector<16xi32> to vector<16xi32>
    %mul3A_91 = arith.constant 8 : i32
    %mul3A_92 = vector.broadcast %mul3A_91 : i32 to vector<16xi32>
    %mul3A_93 = arith.muli %get3A_90, %mul3A_92 : vector<16xi32>
    %add3A_94 = vector.broadcast %select_n3A_83 : i32 to vector<16xi32>
    %add3A_95 = arith.addi %mul3A_93, %add3A_94 : vector<16xi32>
    %swap3A = arith.constant 0 : index
    %swap3A_96 = tpu.vector_load %arg7[%swap3A] {strides = array<i32>} : memref<32xi32, #tpu.memory_space<vmem>>, vector<16xi32>,
    %swap3A_97 = vector.shape_cast %swap3A_96 : vector<16xi32> to vector<16xi32>
    %swap3A_98 = vector.shape_cast %add3A_95 : vector<16xi32> to vector<16xi32>
    tpu.vector_store %arg7[%swap3A], %swap3A_98 {strides = array<i32>} : memref<32xi32, #tpu.memory_space<vmem>>, vector<16xi32>,
    %get3A_99 = arith.constant 16 : index
    %get3A_100 = tpu.vector_load %arg6[%get3A_99] {strides = array<i32>} : memref<32xi32, #tpu.memory_space<vmem>>, vector<16xi32>,
    %get3A_101 = vector.shape_cast %get3A_100 : vector<16xi32> to vector<16xi32>
    %mul3A_102 = arith.constant 8 : i32
    %mul3A_103 = vector.broadcast %mul3A_102 : i32 to vector<16xi32>
    %mul3A_104 = arith.muli %get3A_101, %mul3A_103 : vector<16xi32>
    %add3A_105 = vector.broadcast %select_n3A_83 : i32 to vector<16xi32>
    %add3A_106 = arith.addi %mul3A_104, %add3A_105 : vector<16xi32>
    %swap3A_107 = arith.constant 16 : index
    %swap3A_108 = tpu.vector_load %arg7[%swap3A_107] {strides = array<i32>} : memref<32xi32, #tpu.memory_space<vmem>>, vector<16xi32>,
    %swap3A_109 = vector.shape_cast %swap3A_108 : vector<16xi32> to vector<16xi32>
    %swap3A_110 = vector.shape_cast %add3A_106 : vector<16xi32> to vector<16xi32>
    tpu.vector_store %arg7[%swap3A_107], %swap3A_110 {strides = array<i32>} : memref<32xi32, #tpu.memory_space<vmem>>, vector<16xi32>,
    %dma_start3A = arith.constant 0 : i32
    %dma_start3A_111 = arith.constant 0 : i32
    %dma_start3A_112 = tpu.memref_slice %arg2[%select_n3A_51, %dma_start3A, %dma_start3A_111] : memref<2x10952x1024xf32, #tpu.memory_space<hbm>> -> memref<1x10952x1024xf32, #tpu.memory_space<hbm>>
    %dma_start3A_113 = tpu.memref_squeeze %dma_start3A_112 : memref<1x10952x1024xf32, #tpu.memory_space<hbm>> -> memref<10952x1024xf32, #tpu.memory_space<hbm>>
    %dma_start3A_114 = arith.constant 0 : i32
    %dma_start3A_115 = arith.constant 0 : i32
    %dma_start3A_116 = tpu.memref_slice %dma_start3A_113[%dma_start3A_114, %dma_start3A_115] : memref<10952x1024xf32, #tpu.memory_space<hbm>> -> memref<10952x1024xf32, #tpu.memory_space<hbm>>
    tpu.enqueue_indirect_dma source(%dma_start3A_116 : memref<10952x1024xf32, #tpu.memory_space<hbm>>) target(%arg8 : memref<32x1024xf32, #tpu.memory_space<vmem>>) offsets(%arg7 : memref<32xi32, #tpu.memory_space<vmem>>) semaphore(%arg9 : memref<!tpu.dma_semaphore, #tpu.memory_space<semaphore_mem>>)
    %dma_wait3A = arith.constant 0 : i32
    %dma_wait3A_117 = arith.constant 0 : i32
    %dma_wait3A_118 = tpu.memref_slice %arg2[%select_n3A_51, %dma_wait3A, %dma_wait3A_117] : memref<2x10952x1024xf32, #tpu.memory_space<hbm>> -> memref<1x10952x1024xf32, #tpu.memory_space<hbm>>
    %dma_wait3A_119 = tpu.memref_squeeze %dma_wait3A_118 : memref<1x10952x1024xf32, #tpu.memory_space<hbm>> -> memref<10952x1024xf32, #tpu.memory_space<hbm>>
    %dma_wait3A_120 = arith.constant 0 : i32
    %dma_wait3A_121 = arith.constant 0 : i32
    %dma_wait3A_122 = tpu.memref_slice %dma_wait3A_119[%dma_wait3A_120, %dma_wait3A_121] : memref<10952x1024xf32, #tpu.memory_space<hbm>> -> memref<10952x1024xf32, #tpu.memory_space<hbm>>
    tpu.wait_indirect_dma semaphore(%arg9 : memref<!tpu.dma_semaphore, #tpu.memory_space<semaphore_mem>>) src(%dma_wait3A_122 : memref<10952x1024xf32, #tpu.memory_space<hbm>>) dst(%arg8 : memref<32x1024xf32, #tpu.memory_space<vmem>>)
    %mul3A_123 = arith.constant 32 : i32
    %mul3A_124 = arith.muli %select_n3A_30, %mul3A_123 : i32
    %convert_element_type3A = arith.extui %lt3A_32 : i1 to i32
    %cond3A = arith.constant 0 : i32
    %cond3A_125 = arith.cmpi ne, %convert_element_type3A, %cond3A : i32
    scf.if %cond3A_125 {
      "tpu.region"() ({
        %run_scoped3A = tpu.sem_alloc : memref<!tpu.dma_semaphore, #tpu.memory_space<semaphore_mem>>
        %dma_start3A_130 = arith.constant 0 : i32
        %dma_start3A_131 = tpu.memref_slice %arg4[%select_n3A_51, %mul3A_124, %dma_start3A_130] : memref<2x128x1024xf32, #tpu.memory_space<hbm>> -> memref<1x32x1024xf32, #tpu.memory_space<hbm>>
        %dma_start3A_132 = tpu.memref_squeeze %dma_start3A_131 : memref<1x32x1024xf32, #tpu.memory_space<hbm>> -> memref<32x1024xf32, #tpu.memory_space<hbm>>
        %dma_start3A_133 = arith.constant 0 : i32
        %dma_start3A_134 = tpu.memref_slice %arg4[%select_n3A_51, %mul3A_124, %dma_start3A_133] : memref<2x128x1024xf32, #tpu.memory_space<hbm>> -> memref<1x32x1024xf32, #tpu.memory_space<hbm>>
        %dma_start3A_135 = tpu.memref_squeeze %dma_start3A_134 : memref<1x32x1024xf32, #tpu.memory_space<hbm>> -> memref<32x1024xf32, #tpu.memory_space<hbm>>
        tpu.enqueue_dma source(%arg8 : memref<32x1024xf32, #tpu.memory_space<vmem>>) target(%dma_start3A_135 : memref<32x1024xf32, #tpu.memory_space<hbm>>) target_semaphore(%run_scoped3A : memref<!tpu.dma_semaphore, #tpu.memory_space<semaphore_mem>>)
        %dma_wait3A_136 = arith.constant 0 : i32
        %dma_wait3A_137 = tpu.memref_slice %arg4[%select_n3A_51, %mul3A_124, %dma_wait3A_136] : memref<2x128x1024xf32, #tpu.memory_space<hbm>> -> memref<1x32x1024xf32, #tpu.memory_space<hbm>>
        %dma_wait3A_138 = tpu.memref_squeeze %dma_wait3A_137 : memref<1x32x1024xf32, #tpu.memory_space<hbm>> -> memref<32x1024xf32, #tpu.memory_space<hbm>>
        %dma_wait3A_139 = arith.constant 0 : i32
        %dma_wait3A_140 = tpu.memref_slice %arg4[%select_n3A_51, %mul3A_124, %dma_wait3A_139] : memref<2x128x1024xf32, #tpu.memory_space<hbm>> -> memref<1x32x1024xf32, #tpu.memory_space<hbm>>
        %dma_wait3A_141 = tpu.memref_squeeze %dma_wait3A_140 : memref<1x32x1024xf32, #tpu.memory_space<hbm>> -> memref<32x1024xf32, #tpu.memory_space<hbm>>
        tpu.wait_dma2 semaphore(%run_scoped3A : memref<!tpu.dma_semaphore, #tpu.memory_space<semaphore_mem>>) src(%arg8 : memref<32x1024xf32, #tpu.memory_space<vmem>>) dst(%dma_wait3A_141 : memref<32x1024xf32, #tpu.memory_space<hbm>>)
        tpu.yield
      }) : () -> ()
    } else {
    }
    %not3A = arith.constant true
    %not3A_126 = arith.xori %lt3A_32, %not3A : i1
    %convert_element_type3A_127 = arith.extui %not3A_126 : i1 to i32
    %cond3A_128 = arith.constant 0 : i32
    %cond3A_129 = arith.cmpi ne, %convert_element_type3A_127, %cond3A_128 : i32
    scf.if %cond3A_129 {
      "tpu.region"() ({
        %run_scoped3A = tpu.sem_alloc : memref<!tpu.dma_semaphore, #tpu.memory_space<semaphore_mem>>
        %dma_start3A_130 = arith.constant 0 : i32
        %dma_start3A_131 = tpu.memref_slice %arg5[%select_n3A_77, %select_n3A_51, %mul3A_124, %dma_start3A_130] : memref<3x2x128x1024xf32, #tpu.memory_space<hbm>> -> memref<1x1x32x1024xf32, #tpu.memory_space<hbm>>
        %dma_start3A_132 = tpu.memref_squeeze %dma_start3A_131 : memref<1x1x32x1024xf32, #tpu.memory_space<hbm>> -> memref<32x1024xf32, #tpu.memory_space<hbm>>
        %dma_start3A_133 = arith.constant 0 : i32
        %dma_start3A_134 = tpu.memref_slice %arg5[%select_n3A_77, %select_n3A_51, %mul3A_124, %dma_start3A_133] : memref<3x2x128x1024xf32, #tpu.memory_space<hbm>> -> memref<1x1x32x1024xf32, #tpu.memory_space<hbm>>
        %dma_start3A_135 = tpu.memref_squeeze %dma_start3A_134 : memref<1x1x32x1024xf32, #tpu.memory_space<hbm>> -> memref<32x1024xf32, #tpu.memory_space<hbm>>
        tpu.enqueue_dma source(%arg8 : memref<32x1024xf32, #tpu.memory_space<vmem>>) target(%dma_start3A_135 : memref<32x1024xf32, #tpu.memory_space<hbm>>) target_semaphore(%run_scoped3A : memref<!tpu.dma_semaphore, #tpu.memory_space<semaphore_mem>>)
        %dma_wait3A_136 = arith.constant 0 : i32
        %dma_wait3A_137 = tpu.memref_slice %arg5[%select_n3A_77, %select_n3A_51, %mul3A_124, %dma_wait3A_136] : memref<3x2x128x1024xf32, #tpu.memory_space<hbm>> -> memref<1x1x32x1024xf32, #tpu.memory_space<hbm>>
        %dma_wait3A_138 = tpu.memref_squeeze %dma_wait3A_137 : memref<1x1x32x1024xf32, #tpu.memory_space<hbm>> -> memref<32x1024xf32, #tpu.memory_space<hbm>>
        %dma_wait3A_139 = arith.constant 0 : i32
        %dma_wait3A_140 = tpu.memref_slice %arg5[%select_n3A_77, %select_n3A_51, %mul3A_124, %dma_wait3A_139] : memref<3x2x128x1024xf32, #tpu.memory_space<hbm>> -> memref<1x1x32x1024xf32, #tpu.memory_space<hbm>>
        %dma_wait3A_141 = tpu.memref_squeeze %dma_wait3A_140 : memref<1x1x32x1024xf32, #tpu.memory_space<hbm>> -> memref<32x1024xf32, #tpu.memory_space<hbm>>
        tpu.wait_dma2 semaphore(%run_scoped3A : memref<!tpu.dma_semaphore, #tpu.memory_space<semaphore_mem>>) src(%arg8 : memref<32x1024xf32, #tpu.memory_space<vmem>>) dst(%dma_wait3A_141 : memref<32x1024xf32, #tpu.memory_space<hbm>>)
        tpu.yield
      }) : () -> ()
    } else {
    }
    return
  }
}

#map = affine_map<(d0, d1) -> (0, 0, 0, 0)>
#map1 = affine_map<(d0, d1) -> (0, 0)>
#map2 = affine_map<(d0, d1) -> (0, 0, 0)>
module attributes {stable_mosaic.version = 14 : i64} {
  func.func @k(%arg0: i32, %arg1: i32, %arg2: memref<2x1369x4x1024xf32, #tpu.memory_space<hbm>>, %arg3: memref<2x128xi32, #tpu.memory_space<hbm>>, %arg4: memref<2x128x1024xf32, #tpu.memory_space<hbm>>, %arg5: memref<3x2x128x1024xf32, #tpu.memory_space<hbm>>, %arg6: memref<32xi32, #tpu.memory_space<vmem>>, %arg7: memref<16xi32, #tpu.memory_space<vmem>>, %arg8: memref<16x4x1024xf32, #tpu.memory_space<vmem>>, %arg9: memref<!tpu.dma_semaphore, #tpu.memory_space<semaphore_mem>>) attributes {dimension_semantics = [#tpu.dimension_semantics<core_parallel>, #tpu.dimension_semantics<subcore_parallel>], iteration_bounds = array<i64: 2, 16>, scalar_prefetch = 0 : i64, scratch_operands = 4 : i64, tpu.core_type = #tpu.core_type<sc_vector_subcore>, window_params = [{transform_indices = #map}, {transform_indices = #map1}, {transform_indices = #map2}, {transform_indices = #map}]} {
    %mul3A = arith.constant 2 : i32
    %mul3A_0 = arith.muli %arg1, %mul3A : i32
    %add3A = arith.addi %mul3A_0, %arg0 : i32
    %jit3A = arith.constant 4 : i32
    %div3A = arith.divsi %add3A, %jit3A : i32
    %sign3A = arith.constant 0 : i32
    %sign3A_1 = arith.cmpi sgt, %add3A, %sign3A : i32
    %sign3A_2 = arith.extui %sign3A_1 : i1 to i32
    %sign3A_3 = arith.constant 0 : i32
    %sign3A_4 = arith.cmpi slt, %add3A, %sign3A_3 : i32
    %sign3A_5 = arith.extui %sign3A_4 : i1 to i32
    %sign3A_6 = arith.subi %sign3A_2, %sign3A_5 : i32
    %sign3A_7 = arith.constant 0 : i32
    %sign3A_8 = arith.cmpi sgt, %jit3A, %sign3A_7 : i32
    %sign3A_9 = arith.extui %sign3A_8 : i1 to i32
    %sign3A_10 = arith.constant 0 : i32
    %sign3A_11 = arith.cmpi slt, %jit3A, %sign3A_10 : i32
    %sign3A_12 = arith.extui %sign3A_11 : i1 to i32
    %sign3A_13 = arith.subi %sign3A_9, %sign3A_12 : i32
    %ne3A = arith.cmpi ne, %sign3A_6, %sign3A_13 : i32
    %rem3A = arith.remsi %add3A, %jit3A : i32
    %ne3A_14 = arith.constant 0 : i32
    %ne3A_15 = arith.cmpi ne, %rem3A, %ne3A_14 : i32
    %and3A = arith.andi %ne3A, %ne3A_15 : i1
    %sub3A = arith.constant 1 : i32
    %sub3A_16 = arith.subi %div3A, %sub3A : i32
    %select_n3A = arith.select %and3A, %sub3A_16, %div3A : i32
    %jit3A_17 = arith.constant 4 : i32
    %eq3A = arith.constant 0 : i32
    %eq3A_18 = arith.cmpi eq, %jit3A_17, %eq3A : i32
    %jit3A_19 = arith.constant 1 : i32
    %select_n3A_20 = arith.select %eq3A_18, %jit3A_19, %jit3A_17 : i32
    %rem3A_21 = arith.remsi %add3A, %select_n3A_20 : i32
    %ne3A_22 = arith.constant 0 : i32
    %ne3A_23 = arith.cmpi ne, %rem3A_21, %ne3A_22 : i32
    %lt3A = arith.constant 0 : i32
    %lt3A_24 = arith.cmpi slt, %rem3A_21, %lt3A : i32
    %lt3A_25 = arith.constant 0 : i32
    %lt3A_26 = arith.cmpi slt, %select_n3A_20, %lt3A_25 : i32
    %ne3A_27 = arith.xori %lt3A_24, %lt3A_26 : i1
    %and3A_28 = arith.andi %ne3A_27, %ne3A_23 : i1
    %add3A_29 = arith.addi %rem3A_21, %select_n3A_20 : i32
    %select_n3A_30 = arith.select %and3A_28, %add3A_29, %rem3A_21 : i32
    %lt3A_31 = arith.constant 2 : i32
    %lt3A_32 = arith.cmpi slt, %select_n3A, %lt3A_31 : i32
    %sub3A_33 = arith.constant 2 : i32
    %sub3A_34 = arith.subi %select_n3A, %sub3A_33 : i32
    %jit3A_35 = arith.constant 2 : i32
    %eq3A_36 = arith.constant 0 : i32
    %eq3A_37 = arith.cmpi eq, %jit3A_35, %eq3A_36 : i32
    %jit3A_38 = arith.constant 1 : i32
    %select_n3A_39 = arith.select %eq3A_37, %jit3A_38, %jit3A_35 : i32
    %rem3A_40 = arith.remsi %sub3A_34, %select_n3A_39 : i32
    %ne3A_41 = arith.constant 0 : i32
    %ne3A_42 = arith.cmpi ne, %rem3A_40, %ne3A_41 : i32
    %lt3A_43 = arith.constant 0 : i32
    %lt3A_44 = arith.cmpi slt, %rem3A_40, %lt3A_43 : i32
    %lt3A_45 = arith.constant 0 : i32
    %lt3A_46 = arith.cmpi slt, %select_n3A_39, %lt3A_45 : i32
    %ne3A_47 = arith.xori %lt3A_44, %lt3A_46 : i1
    %and3A_48 = arith.andi %ne3A_47, %ne3A_42 : i1
    %add3A_49 = arith.addi %rem3A_40, %select_n3A_39 : i32
    %select_n3A_50 = arith.select %and3A_48, %add3A_49, %rem3A_40 : i32
    %select_n3A_51 = arith.select %lt3A_32, %select_n3A, %select_n3A_50 : i32
    %sub3A_52 = arith.constant 2 : i32
    %sub3A_53 = arith.subi %select_n3A, %sub3A_52 : i32
    %jit3A_54 = arith.constant 2 : i32
    %div3A_55 = arith.divsi %sub3A_53, %jit3A_54 : i32
    %sign3A_56 = arith.constant 0 : i32
    %sign3A_57 = arith.cmpi sgt, %sub3A_53, %sign3A_56 : i32
    %sign3A_58 = arith.extui %sign3A_57 : i1 to i32
    %sign3A_59 = arith.constant 0 : i32
    %sign3A_60 = arith.cmpi slt, %sub3A_53, %sign3A_59 : i32
    %sign3A_61 = arith.extui %sign3A_60 : i1 to i32
    %sign3A_62 = arith.subi %sign3A_58, %sign3A_61 : i32
    %sign3A_63 = arith.constant 0 : i32
    %sign3A_64 = arith.cmpi sgt, %jit3A_54, %sign3A_63 : i32
    %sign3A_65 = arith.extui %sign3A_64 : i1 to i32
    %sign3A_66 = arith.constant 0 : i32
    %sign3A_67 = arith.cmpi slt, %jit3A_54, %sign3A_66 : i32
    %sign3A_68 = arith.extui %sign3A_67 : i1 to i32
    %sign3A_69 = arith.subi %sign3A_65, %sign3A_68 : i32
    %ne3A_70 = arith.cmpi ne, %sign3A_62, %sign3A_69 : i32
    %rem3A_71 = arith.remsi %sub3A_53, %jit3A_54 : i32
    %ne3A_72 = arith.constant 0 : i32
    %ne3A_73 = arith.cmpi ne, %rem3A_71, %ne3A_72 : i32
    %and3A_74 = arith.andi %ne3A_70, %ne3A_73 : i1
    %sub3A_75 = arith.constant 1 : i32
    %sub3A_76 = arith.subi %div3A_55, %sub3A_75 : i32
    %select_n3A_77 = arith.select %and3A_74, %sub3A_76, %div3A_55 : i32
    %add3A_78 = arith.constant 1 : i32
    %add3A_79 = arith.addi %add3A_78, %select_n3A_77 : i32
    %jit3A_80 = arith.constant 0 : i32
    %select_n3A_81 = arith.select %lt3A_32, %jit3A_80, %add3A_79 : i32
    %jit3A_82 = arith.constant 0 : i32
    %jit3A_83 = arith.constant 1 : i32
    %select_n3A_84 = arith.select %lt3A_32, %jit3A_82, %jit3A_83 : i32
    %mul3A_85 = arith.constant 32 : i32
    %mul3A_86 = arith.muli %select_n3A_30, %mul3A_85 : i32
    "tpu.region"() ({
      %run_scoped3A = tpu.sem_alloc : memref<!tpu.dma_semaphore, #tpu.memory_space<semaphore_mem>>
      %dma_start3A_154 = tpu.memref_slice %arg3[%select_n3A_84, %mul3A_86] : memref<2x128xi32, #tpu.memory_space<hbm>> -> memref<1x32xi32, #tpu.memory_space<hbm>>
      %dma_start3A_155 = tpu.memref_squeeze %dma_start3A_154 : memref<1x32xi32, #tpu.memory_space<hbm>> -> memref<32xi32, #tpu.memory_space<hbm>>
      %dma_start3A_156 = tpu.memref_slice %arg3[%select_n3A_84, %mul3A_86] : memref<2x128xi32, #tpu.memory_space<hbm>> -> memref<1x32xi32, #tpu.memory_space<hbm>>
      %dma_start3A_157 = tpu.memref_squeeze %dma_start3A_156 : memref<1x32xi32, #tpu.memory_space<hbm>> -> memref<32xi32, #tpu.memory_space<hbm>>
      tpu.enqueue_dma source(%dma_start3A_157 : memref<32xi32, #tpu.memory_space<hbm>>) target(%arg6 : memref<32xi32, #tpu.memory_space<vmem>>) target_semaphore(%run_scoped3A : memref<!tpu.dma_semaphore, #tpu.memory_space<semaphore_mem>>)
      %dma_wait3A_158 = tpu.memref_slice %arg3[%select_n3A_84, %mul3A_86] : memref<2x128xi32, #tpu.memory_space<hbm>> -> memref<1x32xi32, #tpu.memory_space<hbm>>
      %dma_wait3A_159 = tpu.memref_squeeze %dma_wait3A_158 : memref<1x32xi32, #tpu.memory_space<hbm>> -> memref<32xi32, #tpu.memory_space<hbm>>
      %dma_wait3A_160 = tpu.memref_slice %arg3[%select_n3A_84, %mul3A_86] : memref<2x128xi32, #tpu.memory_space<hbm>> -> memref<1x32xi32, #tpu.memory_space<hbm>>
      %dma_wait3A_161 = tpu.memref_squeeze %dma_wait3A_160 : memref<1x32xi32, #tpu.memory_space<hbm>> -> memref<32xi32, #tpu.memory_space<hbm>>
      tpu.wait_dma2 semaphore(%run_scoped3A : memref<!tpu.dma_semaphore, #tpu.memory_space<semaphore_mem>>) src(%dma_wait3A_161 : memref<32xi32, #tpu.memory_space<hbm>>) dst(%arg6 : memref<32xi32, #tpu.memory_space<vmem>>)
      tpu.yield
    }) : () -> ()
    %get3A = arith.constant 0 : index
    %get3A_87 = tpu.vector_load %arg6[%get3A] {strides = array<i32>} : memref<32xi32, #tpu.memory_space<vmem>>, vector<16xi32>,
    %get3A_88 = vector.shape_cast %get3A_87 : vector<16xi32> to vector<16xi32>
    %swap3A = arith.constant 0 : index
    %swap3A_89 = tpu.vector_load %arg7[%swap3A] {strides = array<i32>} : memref<16xi32, #tpu.memory_space<vmem>>, vector<16xi32>,
    %swap3A_90 = vector.shape_cast %swap3A_89 : vector<16xi32> to vector<16xi32>
    %swap3A_91 = vector.shape_cast %get3A_88 : vector<16xi32> to vector<16xi32>
    tpu.vector_store %arg7[%swap3A], %swap3A_91 {strides = array<i32>} : memref<16xi32, #tpu.memory_space<vmem>>, vector<16xi32>,
    %dma_start3A = arith.constant 0 : i32
    %dma_start3A_92 = arith.constant 0 : i32
    %dma_start3A_93 = arith.constant 0 : i32
    %dma_start3A_94 = tpu.memref_slice %arg2[%select_n3A_51, %dma_start3A, %dma_start3A_92, %dma_start3A_93] : memref<2x1369x4x1024xf32, #tpu.memory_space<hbm>> -> memref<1x1369x4x1024xf32, #tpu.memory_space<hbm>>
    %dma_start3A_95 = tpu.memref_squeeze %dma_start3A_94 : memref<1x1369x4x1024xf32, #tpu.memory_space<hbm>> -> memref<1369x4x1024xf32, #tpu.memory_space<hbm>>
    %dma_start3A_96 = arith.constant 0 : i32
    %dma_start3A_97 = arith.constant 0 : i32
    %dma_start3A_98 = arith.constant 0 : i32
    %dma_start3A_99 = tpu.memref_slice %dma_start3A_95[%dma_start3A_96, %dma_start3A_97, %dma_start3A_98] : memref<1369x4x1024xf32, #tpu.memory_space<hbm>> -> memref<1369x4x1024xf32, #tpu.memory_space<hbm>>
    tpu.enqueue_indirect_dma source(%dma_start3A_99 : memref<1369x4x1024xf32, #tpu.memory_space<hbm>>) target(%arg8 : memref<16x4x1024xf32, #tpu.memory_space<vmem>>) offsets(%arg7 : memref<16xi32, #tpu.memory_space<vmem>>) semaphore(%arg9 : memref<!tpu.dma_semaphore, #tpu.memory_space<semaphore_mem>>)
    %dma_wait3A = arith.constant 0 : i32
    %dma_wait3A_100 = arith.constant 0 : i32
    %dma_wait3A_101 = arith.constant 0 : i32
    %dma_wait3A_102 = tpu.memref_slice %arg2[%select_n3A_51, %dma_wait3A, %dma_wait3A_100, %dma_wait3A_101] : memref<2x1369x4x1024xf32, #tpu.memory_space<hbm>> -> memref<1x1369x4x1024xf32, #tpu.memory_space<hbm>>
    %dma_wait3A_103 = tpu.memref_squeeze %dma_wait3A_102 : memref<1x1369x4x1024xf32, #tpu.memory_space<hbm>> -> memref<1369x4x1024xf32, #tpu.memory_space<hbm>>
    %dma_wait3A_104 = arith.constant 0 : i32
    %dma_wait3A_105 = arith.constant 0 : i32
    %dma_wait3A_106 = arith.constant 0 : i32
    %dma_wait3A_107 = tpu.memref_slice %dma_wait3A_103[%dma_wait3A_104, %dma_wait3A_105, %dma_wait3A_106] : memref<1369x4x1024xf32, #tpu.memory_space<hbm>> -> memref<1369x4x1024xf32, #tpu.memory_space<hbm>>
    tpu.wait_indirect_dma semaphore(%arg9 : memref<!tpu.dma_semaphore, #tpu.memory_space<semaphore_mem>>) src(%dma_wait3A_107 : memref<1369x4x1024xf32, #tpu.memory_space<hbm>>) dst(%arg8 : memref<16x4x1024xf32, #tpu.memory_space<vmem>>)
    %mul3A_108 = arith.constant 32 : i32
    %mul3A_109 = arith.muli %select_n3A_30, %mul3A_108 : i32
    %add3A_110 = arith.constant 0 : i32
    %add3A_111 = arith.addi %mul3A_109, %add3A_110 : i32
    %convert_element_type3A = arith.extui %lt3A_32 : i1 to i32
    %cond3A = arith.constant 0 : i32
    %cond3A_112 = arith.cmpi ne, %convert_element_type3A, %cond3A : i32
    scf.if %cond3A_112 {
      "tpu.region"() ({
        %run_scoped3A = tpu.sem_alloc : memref<!tpu.dma_semaphore, #tpu.memory_space<semaphore_mem>>
        %dma_start3A_154 = arith.constant 0 : i32
        %dma_start3A_155 = arith.constant 0 : i32
        %dma_start3A_156 = tpu.memref_slice %arg8[%dma_start3A_154, %select_n3A_81, %dma_start3A_155] : memref<16x4x1024xf32, #tpu.memory_space<vmem>> -> memref<16x1x1024xf32, #tpu.memory_space<vmem>>
        %dma_start3A_157 = tpu.memref_squeeze %dma_start3A_156 : memref<16x1x1024xf32, #tpu.memory_space<vmem>> -> memref<16x1024xf32, #tpu.memory_space<vmem>>
        %dma_start3A_158 = arith.constant 0 : i32
        %dma_start3A_159 = tpu.memref_slice %arg4[%select_n3A_51, %add3A_111, %dma_start3A_158] : memref<2x128x1024xf32, #tpu.memory_space<hbm>> -> memref<1x16x1024xf32, #tpu.memory_space<hbm>>
        %dma_start3A_160 = tpu.memref_squeeze %dma_start3A_159 : memref<1x16x1024xf32, #tpu.memory_space<hbm>> -> memref<16x1024xf32, #tpu.memory_space<hbm>>
        %dma_start3A_161 = arith.constant 0 : i32
        %dma_start3A_162 = tpu.memref_slice %arg4[%select_n3A_51, %add3A_111, %dma_start3A_161] : memref<2x128x1024xf32, #tpu.memory_space<hbm>> -> memref<1x16x1024xf32, #tpu.memory_space<hbm>>
        %dma_start3A_163 = tpu.memref_squeeze %dma_start3A_162 : memref<1x16x1024xf32, #tpu.memory_space<hbm>> -> memref<16x1024xf32, #tpu.memory_space<hbm>>
        %dma_start3A_164 = arith.constant 0 : i32
        %dma_start3A_165 = arith.constant 0 : i32
        %dma_start3A_166 = tpu.memref_slice %arg8[%dma_start3A_164, %select_n3A_81, %dma_start3A_165] : memref<16x4x1024xf32, #tpu.memory_space<vmem>> -> memref<16x1x1024xf32, #tpu.memory_space<vmem>>
        %dma_start3A_167 = tpu.memref_squeeze %dma_start3A_166 : memref<16x1x1024xf32, #tpu.memory_space<vmem>> -> memref<16x1024xf32, #tpu.memory_space<vmem>>
        tpu.enqueue_dma source(%dma_start3A_167 : memref<16x1024xf32, #tpu.memory_space<vmem>>) target(%dma_start3A_163 : memref<16x1024xf32, #tpu.memory_space<hbm>>) target_semaphore(%run_scoped3A : memref<!tpu.dma_semaphore, #tpu.memory_space<semaphore_mem>>)
        %dma_wait3A_168 = arith.constant 0 : i32
        %dma_wait3A_169 = arith.constant 0 : i32
        %dma_wait3A_170 = tpu.memref_slice %arg8[%dma_wait3A_168, %select_n3A_81, %dma_wait3A_169] : memref<16x4x1024xf32, #tpu.memory_space<vmem>> -> memref<16x1x1024xf32, #tpu.memory_space<vmem>>
        %dma_wait3A_171 = tpu.memref_squeeze %dma_wait3A_170 : memref<16x1x1024xf32, #tpu.memory_space<vmem>> -> memref<16x1024xf32, #tpu.memory_space<vmem>>
        %dma_wait3A_172 = arith.constant 0 : i32
        %dma_wait3A_173 = tpu.memref_slice %arg4[%select_n3A_51, %add3A_111, %dma_wait3A_172] : memref<2x128x1024xf32, #tpu.memory_space<hbm>> -> memref<1x16x1024xf32, #tpu.memory_space<hbm>>
        %dma_wait3A_174 = tpu.memref_squeeze %dma_wait3A_173 : memref<1x16x1024xf32, #tpu.memory_space<hbm>> -> memref<16x1024xf32, #tpu.memory_space<hbm>>
        %dma_wait3A_175 = arith.constant 0 : i32
        %dma_wait3A_176 = tpu.memref_slice %arg4[%select_n3A_51, %add3A_111, %dma_wait3A_175] : memref<2x128x1024xf32, #tpu.memory_space<hbm>> -> memref<1x16x1024xf32, #tpu.memory_space<hbm>>
        %dma_wait3A_177 = tpu.memref_squeeze %dma_wait3A_176 : memref<1x16x1024xf32, #tpu.memory_space<hbm>> -> memref<16x1024xf32, #tpu.memory_space<hbm>>
        %dma_wait3A_178 = arith.constant 0 : i32
        %dma_wait3A_179 = arith.constant 0 : i32
        %dma_wait3A_180 = tpu.memref_slice %arg8[%dma_wait3A_178, %select_n3A_81, %dma_wait3A_179] : memref<16x4x1024xf32, #tpu.memory_space<vmem>> -> memref<16x1x1024xf32, #tpu.memory_space<vmem>>
        %dma_wait3A_181 = tpu.memref_squeeze %dma_wait3A_180 : memref<16x1x1024xf32, #tpu.memory_space<vmem>> -> memref<16x1024xf32, #tpu.memory_space<vmem>>
        tpu.wait_dma2 semaphore(%run_scoped3A : memref<!tpu.dma_semaphore, #tpu.memory_space<semaphore_mem>>) src(%dma_wait3A_181 : memref<16x1024xf32, #tpu.memory_space<vmem>>) dst(%dma_wait3A_177 : memref<16x1024xf32, #tpu.memory_space<hbm>>)
        tpu.yield
      }) : () -> ()
    } else {
    }
    %not3A = arith.constant true
    %not3A_113 = arith.xori %lt3A_32, %not3A : i1
    %convert_element_type3A_114 = arith.extui %not3A_113 : i1 to i32
    %cond3A_115 = arith.constant 0 : i32
    %cond3A_116 = arith.cmpi ne, %convert_element_type3A_114, %cond3A_115 : i32
    scf.if %cond3A_116 {
      "tpu.region"() ({
        %run_scoped3A = tpu.sem_alloc : memref<!tpu.dma_semaphore, #tpu.memory_space<semaphore_mem>>
        %dma_start3A_154 = arith.constant 0 : i32
        %dma_start3A_155 = arith.constant 0 : i32
        %dma_start3A_156 = tpu.memref_slice %arg8[%dma_start3A_154, %select_n3A_81, %dma_start3A_155] : memref<16x4x1024xf32, #tpu.memory_space<vmem>> -> memref<16x1x1024xf32, #tpu.memory_space<vmem>>
        %dma_start3A_157 = tpu.memref_squeeze %dma_start3A_156 : memref<16x1x1024xf32, #tpu.memory_space<vmem>> -> memref<16x1024xf32, #tpu.memory_space<vmem>>
        %dma_start3A_158 = arith.constant 0 : i32
        %dma_start3A_159 = tpu.memref_slice %arg5[%select_n3A_77, %select_n3A_51, %add3A_111, %dma_start3A_158] : memref<3x2x128x1024xf32, #tpu.memory_space<hbm>> -> memref<1x1x16x1024xf32, #tpu.memory_space<hbm>>
        %dma_start3A_160 = tpu.memref_squeeze %dma_start3A_159 : memref<1x1x16x1024xf32, #tpu.memory_space<hbm>> -> memref<16x1024xf32, #tpu.memory_space<hbm>>
        %dma_start3A_161 = arith.constant 0 : i32
        %dma_start3A_162 = tpu.memref_slice %arg5[%select_n3A_77, %select_n3A_51, %add3A_111, %dma_start3A_161] : memref<3x2x128x1024xf32, #tpu.memory_space<hbm>> -> memref<1x1x16x1024xf32, #tpu.memory_space<hbm>>
        %dma_start3A_163 = tpu.memref_squeeze %dma_start3A_162 : memref<1x1x16x1024xf32, #tpu.memory_space<hbm>> -> memref<16x1024xf32, #tpu.memory_space<hbm>>
        %dma_start3A_164 = arith.constant 0 : i32
        %dma_start3A_165 = arith.constant 0 : i32
        %dma_start3A_166 = tpu.memref_slice %arg8[%dma_start3A_164, %select_n3A_81, %dma_start3A_165] : memref<16x4x1024xf32, #tpu.memory_space<vmem>> -> memref<16x1x1024xf32, #tpu.memory_space<vmem>>
        %dma_start3A_167 = tpu.memref_squeeze %dma_start3A_166 : memref<16x1x1024xf32, #tpu.memory_space<vmem>> -> memref<16x1024xf32, #tpu.memory_space<vmem>>
        tpu.enqueue_dma source(%dma_start3A_167 : memref<16x1024xf32, #tpu.memory_space<vmem>>) target(%dma_start3A_163 : memref<16x1024xf32, #tpu.memory_space<hbm>>) target_semaphore(%run_scoped3A : memref<!tpu.dma_semaphore, #tpu.memory_space<semaphore_mem>>)
        %dma_wait3A_168 = arith.constant 0 : i32
        %dma_wait3A_169 = arith.constant 0 : i32
        %dma_wait3A_170 = tpu.memref_slice %arg8[%dma_wait3A_168, %select_n3A_81, %dma_wait3A_169] : memref<16x4x1024xf32, #tpu.memory_space<vmem>> -> memref<16x1x1024xf32, #tpu.memory_space<vmem>>
        %dma_wait3A_171 = tpu.memref_squeeze %dma_wait3A_170 : memref<16x1x1024xf32, #tpu.memory_space<vmem>> -> memref<16x1024xf32, #tpu.memory_space<vmem>>
        %dma_wait3A_172 = arith.constant 0 : i32
        %dma_wait3A_173 = tpu.memref_slice %arg5[%select_n3A_77, %select_n3A_51, %add3A_111, %dma_wait3A_172] : memref<3x2x128x1024xf32, #tpu.memory_space<hbm>> -> memref<1x1x16x1024xf32, #tpu.memory_space<hbm>>
        %dma_wait3A_174 = tpu.memref_squeeze %dma_wait3A_173 : memref<1x1x16x1024xf32, #tpu.memory_space<hbm>> -> memref<16x1024xf32, #tpu.memory_space<hbm>>
        %dma_wait3A_175 = arith.constant 0 : i32
        %dma_wait3A_176 = tpu.memref_slice %arg5[%select_n3A_77, %select_n3A_51, %add3A_111, %dma_wait3A_175] : memref<3x2x128x1024xf32, #tpu.memory_space<hbm>> -> memref<1x1x16x1024xf32, #tpu.memory_space<hbm>>
        %dma_wait3A_177 = tpu.memref_squeeze %dma_wait3A_176 : memref<1x1x16x1024xf32, #tpu.memory_space<hbm>> -> memref<16x1024xf32, #tpu.memory_space<hbm>>
        %dma_wait3A_178 = arith.constant 0 : i32
        %dma_wait3A_179 = arith.constant 0 : i32
        %dma_wait3A_180 = tpu.memref_slice %arg8[%dma_wait3A_178, %select_n3A_81, %dma_wait3A_179] : memref<16x4x1024xf32, #tpu.memory_space<vmem>> -> memref<16x1x1024xf32, #tpu.memory_space<vmem>>
        %dma_wait3A_181 = tpu.memref_squeeze %dma_wait3A_180 : memref<16x1x1024xf32, #tpu.memory_space<vmem>> -> memref<16x1024xf32, #tpu.memory_space<vmem>>
        tpu.wait_dma2 semaphore(%run_scoped3A : memref<!tpu.dma_semaphore, #tpu.memory_space<semaphore_mem>>) src(%dma_wait3A_181 : memref<16x1024xf32, #tpu.memory_space<vmem>>) dst(%dma_wait3A_177 : memref<16x1024xf32, #tpu.memory_space<hbm>>)
        tpu.yield
      }) : () -> ()
    } else {
    }
    %get3A_117 = arith.constant 16 : index
    %get3A_118 = tpu.vector_load %arg6[%get3A_117] {strides = array<i32>} : memref<32xi32, #tpu.memory_space<vmem>>, vector<16xi32>,
    %get3A_119 = vector.shape_cast %get3A_118 : vector<16xi32> to vector<16xi32>
    %swap3A_120 = arith.constant 0 : index
    %swap3A_121 = tpu.vector_load %arg7[%swap3A_120] {strides = array<i32>} : memref<16xi32, #tpu.memory_space<vmem>>, vector<16xi32>,
    %swap3A_122 = vector.shape_cast %swap3A_121 : vector<16xi32> to vector<16xi32>
    %swap3A_123 = vector.shape_cast %get3A_119 : vector<16xi32> to vector<16xi32>
    tpu.vector_store %arg7[%swap3A_120], %swap3A_123 {strides = array<i32>} : memref<16xi32, #tpu.memory_space<vmem>>, vector<16xi32>,
    %dma_start3A_124 = arith.constant 0 : i32
    %dma_start3A_125 = arith.constant 0 : i32
    %dma_start3A_126 = arith.constant 0 : i32
    %dma_start3A_127 = tpu.memref_slice %arg2[%select_n3A_51, %dma_start3A_124, %dma_start3A_125, %dma_start3A_126] : memref<2x1369x4x1024xf32, #tpu.memory_space<hbm>> -> memref<1x1369x4x1024xf32, #tpu.memory_space<hbm>>
    %dma_start3A_128 = tpu.memref_squeeze %dma_start3A_127 : memref<1x1369x4x1024xf32, #tpu.memory_space<hbm>> -> memref<1369x4x1024xf32, #tpu.memory_space<hbm>>
    %dma_start3A_129 = arith.constant 0 : i32
    %dma_start3A_130 = arith.constant 0 : i32
    %dma_start3A_131 = arith.constant 0 : i32
    %dma_start3A_132 = tpu.memref_slice %dma_start3A_128[%dma_start3A_129, %dma_start3A_130, %dma_start3A_131] : memref<1369x4x1024xf32, #tpu.memory_space<hbm>> -> memref<1369x4x1024xf32, #tpu.memory_space<hbm>>
    tpu.enqueue_indirect_dma source(%dma_start3A_132 : memref<1369x4x1024xf32, #tpu.memory_space<hbm>>) target(%arg8 : memref<16x4x1024xf32, #tpu.memory_space<vmem>>) offsets(%arg7 : memref<16xi32, #tpu.memory_space<vmem>>) semaphore(%arg9 : memref<!tpu.dma_semaphore, #tpu.memory_space<semaphore_mem>>)
    %dma_wait3A_133 = arith.constant 0 : i32
    %dma_wait3A_134 = arith.constant 0 : i32
    %dma_wait3A_135 = arith.constant 0 : i32
    %dma_wait3A_136 = tpu.memref_slice %arg2[%select_n3A_51, %dma_wait3A_133, %dma_wait3A_134, %dma_wait3A_135] : memref<2x1369x4x1024xf32, #tpu.memory_space<hbm>> -> memref<1x1369x4x1024xf32, #tpu.memory_space<hbm>>
    %dma_wait3A_137 = tpu.memref_squeeze %dma_wait3A_136 : memref<1x1369x4x1024xf32, #tpu.memory_space<hbm>> -> memref<1369x4x1024xf32, #tpu.memory_space<hbm>>
    %dma_wait3A_138 = arith.constant 0 : i32
    %dma_wait3A_139 = arith.constant 0 : i32
    %dma_wait3A_140 = arith.constant 0 : i32
    %dma_wait3A_141 = tpu.memref_slice %dma_wait3A_137[%dma_wait3A_138, %dma_wait3A_139, %dma_wait3A_140] : memref<1369x4x1024xf32, #tpu.memory_space<hbm>> -> memref<1369x4x1024xf32, #tpu.memory_space<hbm>>
    tpu.wait_indirect_dma semaphore(%arg9 : memref<!tpu.dma_semaphore, #tpu.memory_space<semaphore_mem>>) src(%dma_wait3A_141 : memref<1369x4x1024xf32, #tpu.memory_space<hbm>>) dst(%arg8 : memref<16x4x1024xf32, #tpu.memory_space<vmem>>)
    %mul3A_142 = arith.constant 32 : i32
    %mul3A_143 = arith.muli %select_n3A_30, %mul3A_142 : i32
    %add3A_144 = arith.constant 16 : i32
    %add3A_145 = arith.addi %mul3A_143, %add3A_144 : i32
    %convert_element_type3A_146 = arith.extui %lt3A_32 : i1 to i32
    %cond3A_147 = arith.constant 0 : i32
    %cond3A_148 = arith.cmpi ne, %convert_element_type3A_146, %cond3A_147 : i32
    scf.if %cond3A_148 {
      "tpu.region"() ({
        %run_scoped3A = tpu.sem_alloc : memref<!tpu.dma_semaphore, #tpu.memory_space<semaphore_mem>>
        %dma_start3A_154 = arith.constant 0 : i32
        %dma_start3A_155 = arith.constant 0 : i32
        %dma_start3A_156 = tpu.memref_slice %arg8[%dma_start3A_154, %select_n3A_81, %dma_start3A_155] : memref<16x4x1024xf32, #tpu.memory_space<vmem>> -> memref<16x1x1024xf32, #tpu.memory_space<vmem>>
        %dma_start3A_157 = tpu.memref_squeeze %dma_start3A_156 : memref<16x1x1024xf32, #tpu.memory_space<vmem>> -> memref<16x1024xf32, #tpu.memory_space<vmem>>
        %dma_start3A_158 = arith.constant 0 : i32
        %dma_start3A_159 = tpu.memref_slice %arg4[%select_n3A_51, %add3A_145, %dma_start3A_158] : memref<2x128x1024xf32, #tpu.memory_space<hbm>> -> memref<1x16x1024xf32, #tpu.memory_space<hbm>>
        %dma_start3A_160 = tpu.memref_squeeze %dma_start3A_159 : memref<1x16x1024xf32, #tpu.memory_space<hbm>> -> memref<16x1024xf32, #tpu.memory_space<hbm>>
        %dma_start3A_161 = arith.constant 0 : i32
        %dma_start3A_162 = tpu.memref_slice %arg4[%select_n3A_51, %add3A_145, %dma_start3A_161] : memref<2x128x1024xf32, #tpu.memory_space<hbm>> -> memref<1x16x1024xf32, #tpu.memory_space<hbm>>
        %dma_start3A_163 = tpu.memref_squeeze %dma_start3A_162 : memref<1x16x1024xf32, #tpu.memory_space<hbm>> -> memref<16x1024xf32, #tpu.memory_space<hbm>>
        %dma_start3A_164 = arith.constant 0 : i32
        %dma_start3A_165 = arith.constant 0 : i32
        %dma_start3A_166 = tpu.memref_slice %arg8[%dma_start3A_164, %select_n3A_81, %dma_start3A_165] : memref<16x4x1024xf32, #tpu.memory_space<vmem>> -> memref<16x1x1024xf32, #tpu.memory_space<vmem>>
        %dma_start3A_167 = tpu.memref_squeeze %dma_start3A_166 : memref<16x1x1024xf32, #tpu.memory_space<vmem>> -> memref<16x1024xf32, #tpu.memory_space<vmem>>
        tpu.enqueue_dma source(%dma_start3A_167 : memref<16x1024xf32, #tpu.memory_space<vmem>>) target(%dma_start3A_163 : memref<16x1024xf32, #tpu.memory_space<hbm>>) target_semaphore(%run_scoped3A : memref<!tpu.dma_semaphore, #tpu.memory_space<semaphore_mem>>)
        %dma_wait3A_168 = arith.constant 0 : i32
        %dma_wait3A_169 = arith.constant 0 : i32
        %dma_wait3A_170 = tpu.memref_slice %arg8[%dma_wait3A_168, %select_n3A_81, %dma_wait3A_169] : memref<16x4x1024xf32, #tpu.memory_space<vmem>> -> memref<16x1x1024xf32, #tpu.memory_space<vmem>>
        %dma_wait3A_171 = tpu.memref_squeeze %dma_wait3A_170 : memref<16x1x1024xf32, #tpu.memory_space<vmem>> -> memref<16x1024xf32, #tpu.memory_space<vmem>>
        %dma_wait3A_172 = arith.constant 0 : i32
        %dma_wait3A_173 = tpu.memref_slice %arg4[%select_n3A_51, %add3A_145, %dma_wait3A_172] : memref<2x128x1024xf32, #tpu.memory_space<hbm>> -> memref<1x16x1024xf32, #tpu.memory_space<hbm>>
        %dma_wait3A_174 = tpu.memref_squeeze %dma_wait3A_173 : memref<1x16x1024xf32, #tpu.memory_space<hbm>> -> memref<16x1024xf32, #tpu.memory_space<hbm>>
        %dma_wait3A_175 = arith.constant 0 : i32
        %dma_wait3A_176 = tpu.memref_slice %arg4[%select_n3A_51, %add3A_145, %dma_wait3A_175] : memref<2x128x1024xf32, #tpu.memory_space<hbm>> -> memref<1x16x1024xf32, #tpu.memory_space<hbm>>
        %dma_wait3A_177 = tpu.memref_squeeze %dma_wait3A_176 : memref<1x16x1024xf32, #tpu.memory_space<hbm>> -> memref<16x1024xf32, #tpu.memory_space<hbm>>
        %dma_wait3A_178 = arith.constant 0 : i32
        %dma_wait3A_179 = arith.constant 0 : i32
        %dma_wait3A_180 = tpu.memref_slice %arg8[%dma_wait3A_178, %select_n3A_81, %dma_wait3A_179] : memref<16x4x1024xf32, #tpu.memory_space<vmem>> -> memref<16x1x1024xf32, #tpu.memory_space<vmem>>
        %dma_wait3A_181 = tpu.memref_squeeze %dma_wait3A_180 : memref<16x1x1024xf32, #tpu.memory_space<vmem>> -> memref<16x1024xf32, #tpu.memory_space<vmem>>
        tpu.wait_dma2 semaphore(%run_scoped3A : memref<!tpu.dma_semaphore, #tpu.memory_space<semaphore_mem>>) src(%dma_wait3A_181 : memref<16x1024xf32, #tpu.memory_space<vmem>>) dst(%dma_wait3A_177 : memref<16x1024xf32, #tpu.memory_space<hbm>>)
        tpu.yield
      }) : () -> ()
    } else {
    }
    %not3A_149 = arith.constant true
    %not3A_150 = arith.xori %lt3A_32, %not3A_149 : i1
    %convert_element_type3A_151 = arith.extui %not3A_150 : i1 to i32
    %cond3A_152 = arith.constant 0 : i32
    %cond3A_153 = arith.cmpi ne, %convert_element_type3A_151, %cond3A_152 : i32
    scf.if %cond3A_153 {
      "tpu.region"() ({
        %run_scoped3A = tpu.sem_alloc : memref<!tpu.dma_semaphore, #tpu.memory_space<semaphore_mem>>
        %dma_start3A_154 = arith.constant 0 : i32
        %dma_start3A_155 = arith.constant 0 : i32
        %dma_start3A_156 = tpu.memref_slice %arg8[%dma_start3A_154, %select_n3A_81, %dma_start3A_155] : memref<16x4x1024xf32, #tpu.memory_space<vmem>> -> memref<16x1x1024xf32, #tpu.memory_space<vmem>>
        %dma_start3A_157 = tpu.memref_squeeze %dma_start3A_156 : memref<16x1x1024xf32, #tpu.memory_space<vmem>> -> memref<16x1024xf32, #tpu.memory_space<vmem>>
        %dma_start3A_158 = arith.constant 0 : i32
        %dma_start3A_159 = tpu.memref_slice %arg5[%select_n3A_77, %select_n3A_51, %add3A_145, %dma_start3A_158] : memref<3x2x128x1024xf32, #tpu.memory_space<hbm>> -> memref<1x1x16x1024xf32, #tpu.memory_space<hbm>>
        %dma_start3A_160 = tpu.memref_squeeze %dma_start3A_159 : memref<1x1x16x1024xf32, #tpu.memory_space<hbm>> -> memref<16x1024xf32, #tpu.memory_space<hbm>>
        %dma_start3A_161 = arith.constant 0 : i32
        %dma_start3A_162 = tpu.memref_slice %arg5[%select_n3A_77, %select_n3A_51, %add3A_145, %dma_start3A_161] : memref<3x2x128x1024xf32, #tpu.memory_space<hbm>> -> memref<1x1x16x1024xf32, #tpu.memory_space<hbm>>
        %dma_start3A_163 = tpu.memref_squeeze %dma_start3A_162 : memref<1x1x16x1024xf32, #tpu.memory_space<hbm>> -> memref<16x1024xf32, #tpu.memory_space<hbm>>
        %dma_start3A_164 = arith.constant 0 : i32
        %dma_start3A_165 = arith.constant 0 : i32
        %dma_start3A_166 = tpu.memref_slice %arg8[%dma_start3A_164, %select_n3A_81, %dma_start3A_165] : memref<16x4x1024xf32, #tpu.memory_space<vmem>> -> memref<16x1x1024xf32, #tpu.memory_space<vmem>>
        %dma_start3A_167 = tpu.memref_squeeze %dma_start3A_166 : memref<16x1x1024xf32, #tpu.memory_space<vmem>> -> memref<16x1024xf32, #tpu.memory_space<vmem>>
        tpu.enqueue_dma source(%dma_start3A_167 : memref<16x1024xf32, #tpu.memory_space<vmem>>) target(%dma_start3A_163 : memref<16x1024xf32, #tpu.memory_space<hbm>>) target_semaphore(%run_scoped3A : memref<!tpu.dma_semaphore, #tpu.memory_space<semaphore_mem>>)
        %dma_wait3A_168 = arith.constant 0 : i32
        %dma_wait3A_169 = arith.constant 0 : i32
        %dma_wait3A_170 = tpu.memref_slice %arg8[%dma_wait3A_168, %select_n3A_81, %dma_wait3A_169] : memref<16x4x1024xf32, #tpu.memory_space<vmem>> -> memref<16x1x1024xf32, #tpu.memory_space<vmem>>
        %dma_wait3A_171 = tpu.memref_squeeze %dma_wait3A_170 : memref<16x1x1024xf32, #tpu.memory_space<vmem>> -> memref<16x1024xf32, #tpu.memory_space<vmem>>
        %dma_wait3A_172 = arith.constant 0 : i32
        %dma_wait3A_173 = tpu.memref_slice %arg5[%select_n3A_77, %select_n3A_51, %add3A_145, %dma_wait3A_172] : memref<3x2x128x1024xf32, #tpu.memory_space<hbm>> -> memref<1x1x16x1024xf32, #tpu.memory_space<hbm>>
        %dma_wait3A_174 = tpu.memref_squeeze %dma_wait3A_173 : memref<1x1x16x1024xf32, #tpu.memory_space<hbm>> -> memref<16x1024xf32, #tpu.memory_space<hbm>>
        %dma_wait3A_175 = arith.constant 0 : i32
        %dma_wait3A_176 = tpu.memref_slice %arg5[%select_n3A_77, %select_n3A_51, %add3A_145, %dma_wait3A_175] : memref<3x2x128x1024xf32, #tpu.memory_space<hbm>> -> memref<1x1x16x1024xf32, #tpu.memory_space<hbm>>
        %dma_wait3A_177 = tpu.memref_squeeze %dma_wait3A_176 : memref<1x1x16x1024xf32, #tpu.memory_space<hbm>> -> memref<16x1024xf32, #tpu.memory_space<hbm>>
        %dma_wait3A_178 = arith.constant 0 : i32
        %dma_wait3A_179 = arith.constant 0 : i32
        %dma_wait3A_180 = tpu.memref_slice %arg8[%dma_wait3A_178, %select_n3A_81, %dma_wait3A_179] : memref<16x4x1024xf32, #tpu.memory_space<vmem>> -> memref<16x1x1024xf32, #tpu.memory_space<vmem>>
        %dma_wait3A_181 = tpu.memref_squeeze %dma_wait3A_180 : memref<16x1x1024xf32, #tpu.memory_space<vmem>> -> memref<16x1024xf32, #tpu.memory_space<vmem>>
        tpu.wait_dma2 semaphore(%run_scoped3A : memref<!tpu.dma_semaphore, #tpu.memory_space<semaphore_mem>>) src(%dma_wait3A_181 : memref<16x1024xf32, #tpu.memory_space<vmem>>) dst(%dma_wait3A_177 : memref<16x1024xf32, #tpu.memory_space<hbm>>)
        tpu.yield
      }) : () -> ()
    } else {
    }
    return
  }
}

module attributes {stable_mosaic.version = 14 : i64} {
  func.func @_simtopk_body(%arg0: i32, %arg1: i32, %arg2: memref<1x344x8x1024xf32, #tpu.memory_space<vmem>>, %arg3: memref<1x128x1024xf32, #tpu.memory_space<vmem>>, %arg4: memref<1x128x4xi32, #tpu.memory_space<vmem>>, %arg5: memref<128x16xf32, #tpu.memory_space<vmem>>, %arg6: memref<128x16xi32, #tpu.memory_space<vmem>>) attributes {dimension_semantics = [#tpu.dimension_semantics<arbitrary>, #tpu.dimension_semantics<arbitrary>], iteration_bounds = array<i64: 2, 4>, scalar_prefetch = 0 : i64, scratch_operands = 2 : i64, tpu.core_type = #tpu.core_type<tc>, window_params = [{transform_indices = @transform_0, window_bounds = array<i64: 1, 344, 8, 1024>}, {transform_indices = @transform_1, window_bounds = array<i64: 1, 128, 1024>}, {transform_indices = @transform_2, window_bounds = array<i64: 1, 128, 4>}]} {
    %eq3A = arith.constant 0 : i32
    %eq3A_0 = arith.cmpi eq, %arg1, %eq3A : i32
    %convert_element_type3A = arith.extui %eq3A_0 : i1 to i32
    %cond3A = arith.constant 0 : i32
    %cond3A_1 = arith.cmpi ne, %convert_element_type3A, %cond3A : i32
    scf.if %cond3A_1 {
      %broadcast_in_dim3A_172 = arith.constant 0xFF800000 : f32
      %broadcast_in_dim3A_173 = vector.broadcast %broadcast_in_dim3A_172 : f32 to vector<128x16xf32>
      %swap3A_174 = arith.constant 0 : index
      %swap3A_175 = arith.constant 0 : index
      %swap3A_176 = vector.load %arg5[%swap3A_174, %swap3A_175] : memref<128x16xf32, #tpu.memory_space<vmem>>, vector<128x16xf32>
      tpu.vector_store %arg5[%swap3A_174, %swap3A_175], %broadcast_in_dim3A_173 {strides = array<i32>} : memref<128x16xf32, #tpu.memory_space<vmem>>, vector<128x16xf32>,
      %broadcast_in_dim3A_177 = arith.constant 0 : i32
      %broadcast_in_dim3A_178 = vector.broadcast %broadcast_in_dim3A_177 : i32 to vector<128x16xi32>
      %swap3A_179 = arith.constant 0 : index
      %swap3A_180 = arith.constant 0 : index
      %swap3A_181 = vector.load %arg6[%swap3A_179, %swap3A_180] : memref<128x16xi32, #tpu.memory_space<vmem>>, vector<128x16xi32>
      tpu.vector_store %arg6[%swap3A_179, %swap3A_180], %broadcast_in_dim3A_178 {strides = array<i32>} : memref<128x16xi32, #tpu.memory_space<vmem>>, vector<128x16xi32>,
    } else {
    }
    %get3A = arith.constant 0 : index
    %get3A_2 = arith.constant 0 : index
    %get3A_3 = arith.constant 0 : index
    %get3A_4 = arith.constant 0 : index
    %get3A_5 = vector.load %arg2[%get3A, %get3A_2, %get3A_3, %get3A_4] : memref<1x344x8x1024xf32, #tpu.memory_space<vmem>>, vector<1x344x8x1024xf32>
    %get3A_6 = vector.shape_cast %get3A_5 : vector<1x344x8x1024xf32> to vector<344x8x1024xf32>
    %reshape3A = vector.shape_cast %get3A_6 : vector<344x8x1024xf32> to vector<2752x1024xf32>
    %mul3A = arith.mulf %reshape3A, %reshape3A : vector<2752x1024xf32>
    %reduce_sum3A = arith.constant dense<0.000000e+00> : vector<2752xf32>
    %reduce_sum3A_7 = vector.multi_reduction <add>, %mul3A, %reduce_sum3A [1] : vector<2752x1024xf32> to vector<2752xf32>
    %broadcast_in_dim3A = vector.shape_cast %reduce_sum3A_7 : vector<2752xf32> to vector<2752x1xf32>
    %sqrt3A = math.sqrt %broadcast_in_dim3A : vector<2752x1xf32>
    %max3A = arith.constant 9.99999996E-13 : f32
    %max3A_8 = vector.broadcast %max3A : f32 to vector<2752x1xf32>
    %max3A_9 = arith.maximumf %sqrt3A, %max3A_8 : vector<2752x1xf32>
    %div3A = arith.constant 1.000000e+00 : f32
    %div3A_10 = vector.broadcast %div3A : f32 to vector<2752x1xf32>
    %div3A_11 = arith.divf %div3A_10, %max3A_9 : vector<2752x1xf32>
    %transpose3A = tpu.transpose %div3A_11, [1, 0] : vector<2752x1xf32> -> vector<1x2752xf32>
    %get3A_12 = arith.constant 0 : index
    %get3A_13 = arith.constant 0 : index
    %get3A_14 = arith.constant 0 : index
    %get3A_15 = vector.load %arg3[%get3A_12, %get3A_13, %get3A_14] : memref<1x128x1024xf32, #tpu.memory_space<vmem>>, vector<1x128x1024xf32>
    %get3A_16 = vector.shape_cast %get3A_15 : vector<1x128x1024xf32> to vector<128x1024xf32>
    %dot_general3A = arith.constant dense<0.000000e+00> : vector<128x2752xf32>
    %dot_general3A_17 = tpu.matmul %get3A_16, %reshape3A, %dot_general3A {dimension_numbers = #tpu.dot_dimension_numbers<[1], [1], [0], [0], [0, 0, 1, 0], [], []>, transpose_lhs_hint = false} : vector<128x1024xf32>, vector<2752x1024xf32>, vector<128x2752xf32> -> vector<128x2752xf32>
    %mul3A_18 = vector.broadcast %transpose3A : vector<1x2752xf32> to vector<128x2752xf32>
    %mul3A_19 = arith.mulf %dot_general3A_17, %mul3A_18 : vector<128x2752xf32>
    %iota3A = tpu.iota {dimensions = array<i32: 1>} : vector<128x2752xi32>
    %and3A = arith.constant 1 : i32
    %and3A_20 = vector.broadcast %and3A : i32 to vector<128x2752xi32>
    %and3A_21 = arith.andi %iota3A, %and3A_20 : vector<128x2752xi32>
    %eq3A_22 = arith.constant 1 : i32
    %eq3A_23 = vector.broadcast %eq3A_22 : i32 to vector<128x2752xi32>
    %eq3A_24 = arith.cmpi eq, %and3A_21, %eq3A_23 : vector<128x2752xi32>
    %mul3A_25 = arith.constant 344 : i32
    %mul3A_26 = arith.muli %arg1, %mul3A_25 : i32
    %sub3A = arith.constant 1369 : i32
    %sub3A_27 = arith.subi %sub3A, %mul3A_26 : i32
    %mul3A_28 = arith.constant 8 : i32
    %mul3A_29 = arith.muli %sub3A_27, %mul3A_28 : i32
    %lt3A = vector.broadcast %mul3A_29 : i32 to vector<128x2752xi32>
    %lt3A_30 = arith.cmpi slt, %iota3A, %lt3A : vector<128x2752xi32>
    %and3A_31 = arith.andi %eq3A_24, %lt3A_30 : vector<128x2752xi1>
    %jit3A = arith.constant 0xFF800000 : f32
    %broadcast_in_dim3A_32 = vector.broadcast %jit3A : f32 to vector<128x2752xf32>
    %select_n3A = arith.select %and3A_31, %mul3A_19, %broadcast_in_dim3A_32 : vector<128x2752xi1>, vector<128x2752xf32>
    %iota3A_33 = tpu.iota {dimensions = array<i32: 1>} : vector<128x16xi32>
    %mul3A_34 = arith.constant 2752 : i32
    %mul3A_35 = arith.muli %arg1, %mul3A_34 : i32
    %get3A_36 = arith.constant 0 : index
    %get3A_37 = arith.constant 0 : index
    %get3A_38 = vector.load %arg5[%get3A_36, %get3A_37] : memref<128x16xf32, #tpu.memory_space<vmem>>, vector<128x16xf32>
    %get3A_39 = arith.constant 0 : index
    %get3A_40 = arith.constant 0 : index
    %get3A_41 = vector.load %arg6[%get3A_39, %get3A_40] : memref<128x16xi32, #tpu.memory_space<vmem>>, vector<128x16xi32>
    %reduce_max3A = arith.constant dense<0xFF800000> : vector<128xf32>
    %reduce_max3A_42 = vector.multi_reduction <maximumf>, %select_n3A, %reduce_max3A [1] : vector<128x2752xf32> to vector<128xf32>
    %broadcast_in_dim3A_43 = vector.shape_cast %reduce_max3A_42 : vector<128xf32> to vector<128x1xf32>
    %eq3A_44 = vector.broadcast %broadcast_in_dim3A_43 : vector<128x1xf32> to vector<128x2752xf32>
    %eq3A_45 = arith.cmpf oeq, %select_n3A, %eq3A_44 : vector<128x2752xf32>
    %jit3A_46 = arith.constant 1073741824 : i32
    %broadcast_in_dim3A_47 = vector.broadcast %jit3A_46 : i32 to vector<128x2752xi32>
    %select_n3A_48 = arith.select %eq3A_45, %iota3A, %broadcast_in_dim3A_47 : vector<128x2752xi1>, vector<128x2752xi32>
    %reduce_min3A = arith.constant dense<2147483647> : vector<128xi32>
    %reduce_min3A_49 = vector.multi_reduction <minsi>, %select_n3A_48, %reduce_min3A [1] : vector<128x2752xi32> to vector<128xi32>
    %broadcast_in_dim3A_50 = vector.shape_cast %reduce_min3A_49 : vector<128xi32> to vector<128x1xi32>
    %eq3A_51 = vector.broadcast %broadcast_in_dim3A_50 : vector<128x1xi32> to vector<128x2752xi32>
    %eq3A_52 = arith.cmpi eq, %iota3A, %eq3A_51 : vector<128x2752xi32>
    %jit3A_53 = arith.constant 0xFF800000 : f32
    %broadcast_in_dim3A_54 = vector.broadcast %jit3A_53 : f32 to vector<128x2752xf32>
    %select_n3A_55 = arith.select %eq3A_52, %broadcast_in_dim3A_54, %select_n3A : vector<128x2752xi1>, vector<128x2752xf32>
    %mul3A_56 = arith.constant 4 : i32
    %mul3A_57 = arith.muli %arg1, %mul3A_56 : i32
    %add3A = arith.constant 0 : i32
    %add3A_58 = arith.addi %mul3A_57, %add3A : i32
    %eq3A_59 = vector.broadcast %add3A_58 : i32 to vector<128x16xi32>
    %eq3A_60 = arith.cmpi eq, %iota3A_33, %eq3A_59 : vector<128x16xi32>
    %broadcast_in_dim3A_61 = vector.shape_cast %broadcast_in_dim3A_43 : vector<128x1xf32> to vector<128x1xf32>
    %broadcast_in_dim3A_62 = vector.broadcast %broadcast_in_dim3A_61 : vector<128x1xf32> to vector<128x16xf32>
    %select_n3A_63 = arith.select %eq3A_60, %broadcast_in_dim3A_62, %get3A_38 : vector<128x16xi1>, vector<128x16xf32>
    %eq3A_64 = vector.broadcast %add3A_58 : i32 to vector<128x16xi32>
    %eq3A_65 = arith.cmpi eq, %iota3A_33, %eq3A_64 : vector<128x16xi32>
    %add3A_66 = vector.broadcast %mul3A_35 : i32 to vector<128x1xi32>
    %add3A_67 = arith.addi %broadcast_in_dim3A_50, %add3A_66 : vector<128x1xi32>
    %broadcast_in_dim3A_68 = vector.shape_cast %add3A_67 : vector<128x1xi32> to vector<128x1xi32>
    %broadcast_in_dim3A_69 = vector.broadcast %broadcast_in_dim3A_68 : vector<128x1xi32> to vector<128x16xi32>
    %select_n3A_70 = arith.select %eq3A_65, %broadcast_in_dim3A_69, %get3A_41 : vector<128x16xi1>, vector<128x16xi32>
    %reduce_max3A_71 = arith.constant dense<0xFF800000> : vector<128xf32>
    %reduce_max3A_72 = vector.multi_reduction <maximumf>, %select_n3A_55, %reduce_max3A_71 [1] : vector<128x2752xf32> to vector<128xf32>
    %broadcast_in_dim3A_73 = vector.shape_cast %reduce_max3A_72 : vector<128xf32> to vector<128x1xf32>
    %eq3A_74 = vector.broadcast %broadcast_in_dim3A_73 : vector<128x1xf32> to vector<128x2752xf32>
    %eq3A_75 = arith.cmpf oeq, %select_n3A_55, %eq3A_74 : vector<128x2752xf32>
    %jit3A_76 = arith.constant 1073741824 : i32
    %broadcast_in_dim3A_77 = vector.broadcast %jit3A_76 : i32 to vector<128x2752xi32>
    %select_n3A_78 = arith.select %eq3A_75, %iota3A, %broadcast_in_dim3A_77 : vector<128x2752xi1>, vector<128x2752xi32>
    %reduce_min3A_79 = arith.constant dense<2147483647> : vector<128xi32>
    %reduce_min3A_80 = vector.multi_reduction <minsi>, %select_n3A_78, %reduce_min3A_79 [1] : vector<128x2752xi32> to vector<128xi32>
    %broadcast_in_dim3A_81 = vector.shape_cast %reduce_min3A_80 : vector<128xi32> to vector<128x1xi32>
    %eq3A_82 = vector.broadcast %broadcast_in_dim3A_81 : vector<128x1xi32> to vector<128x2752xi32>
    %eq3A_83 = arith.cmpi eq, %iota3A, %eq3A_82 : vector<128x2752xi32>
    %jit3A_84 = arith.constant 0xFF800000 : f32
    %broadcast_in_dim3A_85 = vector.broadcast %jit3A_84 : f32 to vector<128x2752xf32>
    %select_n3A_86 = arith.select %eq3A_83, %broadcast_in_dim3A_85, %select_n3A_55 : vector<128x2752xi1>, vector<128x2752xf32>
    %mul3A_87 = arith.constant 4 : i32
    %mul3A_88 = arith.muli %arg1, %mul3A_87 : i32
    %add3A_89 = arith.constant 1 : i32
    %add3A_90 = arith.addi %mul3A_88, %add3A_89 : i32
    %eq3A_91 = vector.broadcast %add3A_90 : i32 to vector<128x16xi32>
    %eq3A_92 = arith.cmpi eq, %iota3A_33, %eq3A_91 : vector<128x16xi32>
    %broadcast_in_dim3A_93 = vector.shape_cast %broadcast_in_dim3A_73 : vector<128x1xf32> to vector<128x1xf32>
    %broadcast_in_dim3A_94 = vector.broadcast %broadcast_in_dim3A_93 : vector<128x1xf32> to vector<128x16xf32>
    %select_n3A_95 = arith.select %eq3A_92, %broadcast_in_dim3A_94, %select_n3A_63 : vector<128x16xi1>, vector<128x16xf32>
    %eq3A_96 = vector.broadcast %add3A_90 : i32 to vector<128x16xi32>
    %eq3A_97 = arith.cmpi eq, %iota3A_33, %eq3A_96 : vector<128x16xi32>
    %add3A_98 = vector.broadcast %mul3A_35 : i32 to vector<128x1xi32>
    %add3A_99 = arith.addi %broadcast_in_dim3A_81, %add3A_98 : vector<128x1xi32>
    %broadcast_in_dim3A_100 = vector.shape_cast %add3A_99 : vector<128x1xi32> to vector<128x1xi32>
    %broadcast_in_dim3A_101 = vector.broadcast %broadcast_in_dim3A_100 : vector<128x1xi32> to vector<128x16xi32>
    %select_n3A_102 = arith.select %eq3A_97, %broadcast_in_dim3A_101, %select_n3A_70 : vector<128x16xi1>, vector<128x16xi32>
    %reduce_max3A_103 = arith.constant dense<0xFF800000> : vector<128xf32>
    %reduce_max3A_104 = vector.multi_reduction <maximumf>, %select_n3A_86, %reduce_max3A_103 [1] : vector<128x2752xf32> to vector<128xf32>
    %broadcast_in_dim3A_105 = vector.shape_cast %reduce_max3A_104 : vector<128xf32> to vector<128x1xf32>
    %eq3A_106 = vector.broadcast %broadcast_in_dim3A_105 : vector<128x1xf32> to vector<128x2752xf32>
    %eq3A_107 = arith.cmpf oeq, %select_n3A_86, %eq3A_106 : vector<128x2752xf32>
    %jit3A_108 = arith.constant 1073741824 : i32
    %broadcast_in_dim3A_109 = vector.broadcast %jit3A_108 : i32 to vector<128x2752xi32>
    %select_n3A_110 = arith.select %eq3A_107, %iota3A, %broadcast_in_dim3A_109 : vector<128x2752xi1>, vector<128x2752xi32>
    %reduce_min3A_111 = arith.constant dense<2147483647> : vector<128xi32>
    %reduce_min3A_112 = vector.multi_reduction <minsi>, %select_n3A_110, %reduce_min3A_111 [1] : vector<128x2752xi32> to vector<128xi32>
    %broadcast_in_dim3A_113 = vector.shape_cast %reduce_min3A_112 : vector<128xi32> to vector<128x1xi32>
    %eq3A_114 = vector.broadcast %broadcast_in_dim3A_113 : vector<128x1xi32> to vector<128x2752xi32>
    %eq3A_115 = arith.cmpi eq, %iota3A, %eq3A_114 : vector<128x2752xi32>
    %jit3A_116 = arith.constant 0xFF800000 : f32
    %broadcast_in_dim3A_117 = vector.broadcast %jit3A_116 : f32 to vector<128x2752xf32>
    %select_n3A_118 = arith.select %eq3A_115, %broadcast_in_dim3A_117, %select_n3A_86 : vector<128x2752xi1>, vector<128x2752xf32>
    %mul3A_119 = arith.constant 4 : i32
    %mul3A_120 = arith.muli %arg1, %mul3A_119 : i32
    %add3A_121 = arith.constant 2 : i32
    %add3A_122 = arith.addi %mul3A_120, %add3A_121 : i32
    %eq3A_123 = vector.broadcast %add3A_122 : i32 to vector<128x16xi32>
    %eq3A_124 = arith.cmpi eq, %iota3A_33, %eq3A_123 : vector<128x16xi32>
    %broadcast_in_dim3A_125 = vector.shape_cast %broadcast_in_dim3A_105 : vector<128x1xf32> to vector<128x1xf32>
    %broadcast_in_dim3A_126 = vector.broadcast %broadcast_in_dim3A_125 : vector<128x1xf32> to vector<128x16xf32>
    %select_n3A_127 = arith.select %eq3A_124, %broadcast_in_dim3A_126, %select_n3A_95 : vector<128x16xi1>, vector<128x16xf32>
    %eq3A_128 = vector.broadcast %add3A_122 : i32 to vector<128x16xi32>
    %eq3A_129 = arith.cmpi eq, %iota3A_33, %eq3A_128 : vector<128x16xi32>
    %add3A_130 = vector.broadcast %mul3A_35 : i32 to vector<128x1xi32>
    %add3A_131 = arith.addi %broadcast_in_dim3A_113, %add3A_130 : vector<128x1xi32>
    %broadcast_in_dim3A_132 = vector.shape_cast %add3A_131 : vector<128x1xi32> to vector<128x1xi32>
    %broadcast_in_dim3A_133 = vector.broadcast %broadcast_in_dim3A_132 : vector<128x1xi32> to vector<128x16xi32>
    %select_n3A_134 = arith.select %eq3A_129, %broadcast_in_dim3A_133, %select_n3A_102 : vector<128x16xi1>, vector<128x16xi32>
    %reduce_max3A_135 = arith.constant dense<0xFF800000> : vector<128xf32>
    %reduce_max3A_136 = vector.multi_reduction <maximumf>, %select_n3A_118, %reduce_max3A_135 [1] : vector<128x2752xf32> to vector<128xf32>
    %broadcast_in_dim3A_137 = vector.shape_cast %reduce_max3A_136 : vector<128xf32> to vector<128x1xf32>
    %eq3A_138 = vector.broadcast %broadcast_in_dim3A_137 : vector<128x1xf32> to vector<128x2752xf32>
    %eq3A_139 = arith.cmpf oeq, %select_n3A_118, %eq3A_138 : vector<128x2752xf32>
    %jit3A_140 = arith.constant 1073741824 : i32
    %broadcast_in_dim3A_141 = vector.broadcast %jit3A_140 : i32 to vector<128x2752xi32>
    %select_n3A_142 = arith.select %eq3A_139, %iota3A, %broadcast_in_dim3A_141 : vector<128x2752xi1>, vector<128x2752xi32>
    %reduce_min3A_143 = arith.constant dense<2147483647> : vector<128xi32>
    %reduce_min3A_144 = vector.multi_reduction <minsi>, %select_n3A_142, %reduce_min3A_143 [1] : vector<128x2752xi32> to vector<128xi32>
    %broadcast_in_dim3A_145 = vector.shape_cast %reduce_min3A_144 : vector<128xi32> to vector<128x1xi32>
    %mul3A_146 = arith.constant 4 : i32
    %mul3A_147 = arith.muli %arg1, %mul3A_146 : i32
    %add3A_148 = arith.constant 3 : i32
    %add3A_149 = arith.addi %mul3A_147, %add3A_148 : i32
    %eq3A_150 = vector.broadcast %add3A_149 : i32 to vector<128x16xi32>
    %eq3A_151 = arith.cmpi eq, %iota3A_33, %eq3A_150 : vector<128x16xi32>
    %broadcast_in_dim3A_152 = vector.shape_cast %broadcast_in_dim3A_137 : vector<128x1xf32> to vector<128x1xf32>
    %broadcast_in_dim3A_153 = vector.broadcast %broadcast_in_dim3A_152 : vector<128x1xf32> to vector<128x16xf32>
    %select_n3A_154 = arith.select %eq3A_151, %broadcast_in_dim3A_153, %select_n3A_127 : vector<128x16xi1>, vector<128x16xf32>
    %eq3A_155 = vector.broadcast %add3A_149 : i32 to vector<128x16xi32>
    %eq3A_156 = arith.cmpi eq, %iota3A_33, %eq3A_155 : vector<128x16xi32>
    %add3A_157 = vector.broadcast %mul3A_35 : i32 to vector<128x1xi32>
    %add3A_158 = arith.addi %broadcast_in_dim3A_145, %add3A_157 : vector<128x1xi32>
    %broadcast_in_dim3A_159 = vector.shape_cast %add3A_158 : vector<128x1xi32> to vector<128x1xi32>
    %broadcast_in_dim3A_160 = vector.broadcast %broadcast_in_dim3A_159 : vector<128x1xi32> to vector<128x16xi32>
    %select_n3A_161 = arith.select %eq3A_156, %broadcast_in_dim3A_160, %select_n3A_134 : vector<128x16xi1>, vector<128x16xi32>
    %swap3A = arith.constant 0 : index
    %swap3A_162 = arith.constant 0 : index
    %swap3A_163 = vector.load %arg5[%swap3A, %swap3A_162] : memref<128x16xf32, #tpu.memory_space<vmem>>, vector<128x16xf32>
    tpu.vector_store %arg5[%swap3A, %swap3A_162], %select_n3A_154 {strides = array<i32>} : memref<128x16xf32, #tpu.memory_space<vmem>>, vector<128x16xf32>,
    %swap3A_164 = arith.constant 0 : index
    %swap3A_165 = arith.constant 0 : index
    %swap3A_166 = vector.load %arg6[%swap3A_164, %swap3A_165] : memref<128x16xi32, #tpu.memory_space<vmem>>, vector<128x16xi32>
    tpu.vector_store %arg6[%swap3A_164, %swap3A_165], %select_n3A_161 {strides = array<i32>} : memref<128x16xi32, #tpu.memory_space<vmem>>, vector<128x16xi32>,
    %eq3A_167 = arith.constant 3 : i32
    %eq3A_168 = arith.cmpi eq, %arg1, %eq3A_167 : i32
    %convert_element_type3A_169 = arith.extui %eq3A_168 : i1 to i32
    %cond3A_170 = arith.constant 0 : i32
    %cond3A_171 = arith.cmpi ne, %convert_element_type3A_169, %cond3A_170 : i32
    scf.if %cond3A_171 {
      %get3A_172 = arith.constant 0 : index
      %get3A_173 = arith.constant 0 : index
      %get3A_174 = vector.load %arg5[%get3A_172, %get3A_173] : memref<128x16xf32, #tpu.memory_space<vmem>>, vector<128x16xf32>
      %get3A_175 = arith.constant 0 : index
      %get3A_176 = arith.constant 0 : index
      %get3A_177 = vector.load %arg6[%get3A_175, %get3A_176] : memref<128x16xi32, #tpu.memory_space<vmem>>, vector<128x16xi32>
      %iota3A_178 = tpu.iota {dimensions = array<i32: 1>} : vector<128x4xi32>
      %broadcast_in_dim3A_179 = arith.constant 0 : i32
      %broadcast_in_dim3A_180 = vector.broadcast %broadcast_in_dim3A_179 : i32 to vector<128x4xi32>
      %reduce_max3A_181 = arith.constant dense<0xFF800000> : vector<128xf32>
      %reduce_max3A_182 = vector.multi_reduction <maximumf>, %get3A_174, %reduce_max3A_181 [1] : vector<128x16xf32> to vector<128xf32>
      %broadcast_in_dim3A_183 = vector.shape_cast %reduce_max3A_182 : vector<128xf32> to vector<128x1xf32>
      %eq3A_184 = vector.broadcast %broadcast_in_dim3A_183 : vector<128x1xf32> to vector<128x16xf32>
      %eq3A_185 = arith.cmpf oeq, %get3A_174, %eq3A_184 : vector<128x16xf32>
      %jit3A_186 = arith.constant 1073741824 : i32
      %broadcast_in_dim3A_187 = vector.broadcast %jit3A_186 : i32 to vector<128x16xi32>
      %select_n3A_188 = arith.select %eq3A_185, %iota3A_33, %broadcast_in_dim3A_187 : vector<128x16xi1>, vector<128x16xi32>
      %reduce_min3A_189 = arith.constant dense<2147483647> : vector<128xi32>
      %reduce_min3A_190 = vector.multi_reduction <minsi>, %select_n3A_188, %reduce_min3A_189 [1] : vector<128x16xi32> to vector<128xi32>
      %broadcast_in_dim3A_191 = vector.shape_cast %reduce_min3A_190 : vector<128xi32> to vector<128x1xi32>
      %eq3A_192 = vector.broadcast %broadcast_in_dim3A_191 : vector<128x1xi32> to vector<128x16xi32>
      %eq3A_193 = arith.cmpi eq, %iota3A_33, %eq3A_192 : vector<128x16xi32>
      %jit3A_194 = arith.constant 0 : i32
      %broadcast_in_dim3A_195 = vector.broadcast %jit3A_194 : i32 to vector<128x16xi32>
      %select_n3A_196 = arith.select %eq3A_193, %get3A_177, %broadcast_in_dim3A_195 : vector<128x16xi1>, vector<128x16xi32>
      %reduce_sum3A_197 = arith.constant dense<0> : vector<128xi32>
      %reduce_sum3A_198 = vector.multi_reduction <add>, %select_n3A_196, %reduce_sum3A_197 [1] : vector<128x16xi32> to vector<128xi32>
      %broadcast_in_dim3A_199 = vector.shape_cast %reduce_sum3A_198 : vector<128xi32> to vector<128x1xi32>
      %eq3A_200 = arith.constant 0 : i32
      %eq3A_201 = vector.broadcast %eq3A_200 : i32 to vector<128x4xi32>
      %eq3A_202 = arith.cmpi eq, %iota3A_178, %eq3A_201 : vector<128x4xi32>
      %broadcast_in_dim3A_203 = vector.shape_cast %broadcast_in_dim3A_199 : vector<128x1xi32> to vector<128x1xi32>
      %broadcast_in_dim3A_204 = vector.broadcast %broadcast_in_dim3A_203 : vector<128x1xi32> to vector<128x4xi32>
      %select_n3A_205 = arith.select %eq3A_202, %broadcast_in_dim3A_204, %broadcast_in_dim3A_180 : vector<128x4xi1>, vector<128x4xi32>
      %eq3A_206 = vector.broadcast %broadcast_in_dim3A_191 : vector<128x1xi32> to vector<128x16xi32>
      %eq3A_207 = arith.cmpi eq, %iota3A_33, %eq3A_206 : vector<128x16xi32>
      %jit3A_208 = arith.constant 0xFF800000 : f32
      %broadcast_in_dim3A_209 = vector.broadcast %jit3A_208 : f32 to vector<128x16xf32>
      %select_n3A_210 = arith.select %eq3A_207, %broadcast_in_dim3A_209, %get3A_174 : vector<128x16xi1>, vector<128x16xf32>
      %reduce_max3A_211 = arith.constant dense<0xFF800000> : vector<128xf32>
      %reduce_max3A_212 = vector.multi_reduction <maximumf>, %select_n3A_210, %reduce_max3A_211 [1] : vector<128x16xf32> to vector<128xf32>
      %broadcast_in_dim3A_213 = vector.shape_cast %reduce_max3A_212 : vector<128xf32> to vector<128x1xf32>
      %eq3A_214 = vector.broadcast %broadcast_in_dim3A_213 : vector<128x1xf32> to vector<128x16xf32>
      %eq3A_215 = arith.cmpf oeq, %select_n3A_210, %eq3A_214 : vector<128x16xf32>
      %jit3A_216 = arith.constant 1073741824 : i32
      %broadcast_in_dim3A_217 = vector.broadcast %jit3A_216 : i32 to vector<128x16xi32>
      %select_n3A_218 = arith.select %eq3A_215, %iota3A_33, %broadcast_in_dim3A_217 : vector<128x16xi1>, vector<128x16xi32>
      %reduce_min3A_219 = arith.constant dense<2147483647> : vector<128xi32>
      %reduce_min3A_220 = vector.multi_reduction <minsi>, %select_n3A_218, %reduce_min3A_219 [1] : vector<128x16xi32> to vector<128xi32>
      %broadcast_in_dim3A_221 = vector.shape_cast %reduce_min3A_220 : vector<128xi32> to vector<128x1xi32>
      %eq3A_222 = vector.broadcast %broadcast_in_dim3A_221 : vector<128x1xi32> to vector<128x16xi32>
      %eq3A_223 = arith.cmpi eq, %iota3A_33, %eq3A_222 : vector<128x16xi32>
      %jit3A_224 = arith.constant 0 : i32
      %broadcast_in_dim3A_225 = vector.broadcast %jit3A_224 : i32 to vector<128x16xi32>
      %select_n3A_226 = arith.select %eq3A_223, %get3A_177, %broadcast_in_dim3A_225 : vector<128x16xi1>, vector<128x16xi32>
      %reduce_sum3A_227 = arith.constant dense<0> : vector<128xi32>
      %reduce_sum3A_228 = vector.multi_reduction <add>, %select_n3A_226, %reduce_sum3A_227 [1] : vector<128x16xi32> to vector<128xi32>
      %broadcast_in_dim3A_229 = vector.shape_cast %reduce_sum3A_228 : vector<128xi32> to vector<128x1xi32>
      %eq3A_230 = arith.constant 1 : i32
      %eq3A_231 = vector.broadcast %eq3A_230 : i32 to vector<128x4xi32>
      %eq3A_232 = arith.cmpi eq, %iota3A_178, %eq3A_231 : vector<128x4xi32>
      %broadcast_in_dim3A_233 = vector.shape_cast %broadcast_in_dim3A_229 : vector<128x1xi32> to vector<128x1xi32>
      %broadcast_in_dim3A_234 = vector.broadcast %broadcast_in_dim3A_233 : vector<128x1xi32> to vector<128x4xi32>
      %select_n3A_235 = arith.select %eq3A_232, %broadcast_in_dim3A_234, %select_n3A_205 : vector<128x4xi1>, vector<128x4xi32>
      %eq3A_236 = vector.broadcast %broadcast_in_dim3A_221 : vector<128x1xi32> to vector<128x16xi32>
      %eq3A_237 = arith.cmpi eq, %iota3A_33, %eq3A_236 : vector<128x16xi32>
      %jit3A_238 = arith.constant 0xFF800000 : f32
      %broadcast_in_dim3A_239 = vector.broadcast %jit3A_238 : f32 to vector<128x16xf32>
      %select_n3A_240 = arith.select %eq3A_237, %broadcast_in_dim3A_239, %select_n3A_210 : vector<128x16xi1>, vector<128x16xf32>
      %reduce_max3A_241 = arith.constant dense<0xFF800000> : vector<128xf32>
      %reduce_max3A_242 = vector.multi_reduction <maximumf>, %select_n3A_240, %reduce_max3A_241 [1] : vector<128x16xf32> to vector<128xf32>
      %broadcast_in_dim3A_243 = vector.shape_cast %reduce_max3A_242 : vector<128xf32> to vector<128x1xf32>
      %eq3A_244 = vector.broadcast %broadcast_in_dim3A_243 : vector<128x1xf32> to vector<128x16xf32>
      %eq3A_245 = arith.cmpf oeq, %select_n3A_240, %eq3A_244 : vector<128x16xf32>
      %jit3A_246 = arith.constant 1073741824 : i32
      %broadcast_in_dim3A_247 = vector.broadcast %jit3A_246 : i32 to vector<128x16xi32>
      %select_n3A_248 = arith.select %eq3A_245, %iota3A_33, %broadcast_in_dim3A_247 : vector<128x16xi1>, vector<128x16xi32>
      %reduce_min3A_249 = arith.constant dense<2147483647> : vector<128xi32>
      %reduce_min3A_250 = vector.multi_reduction <minsi>, %select_n3A_248, %reduce_min3A_249 [1] : vector<128x16xi32> to vector<128xi32>
      %broadcast_in_dim3A_251 = vector.shape_cast %reduce_min3A_250 : vector<128xi32> to vector<128x1xi32>
      %eq3A_252 = vector.broadcast %broadcast_in_dim3A_251 : vector<128x1xi32> to vector<128x16xi32>
      %eq3A_253 = arith.cmpi eq, %iota3A_33, %eq3A_252 : vector<128x16xi32>
      %jit3A_254 = arith.constant 0 : i32
      %broadcast_in_dim3A_255 = vector.broadcast %jit3A_254 : i32 to vector<128x16xi32>
      %select_n3A_256 = arith.select %eq3A_253, %get3A_177, %broadcast_in_dim3A_255 : vector<128x16xi1>, vector<128x16xi32>
      %reduce_sum3A_257 = arith.constant dense<0> : vector<128xi32>
      %reduce_sum3A_258 = vector.multi_reduction <add>, %select_n3A_256, %reduce_sum3A_257 [1] : vector<128x16xi32> to vector<128xi32>
      %broadcast_in_dim3A_259 = vector.shape_cast %reduce_sum3A_258 : vector<128xi32> to vector<128x1xi32>
      %eq3A_260 = arith.constant 2 : i32
      %eq3A_261 = vector.broadcast %eq3A_260 : i32 to vector<128x4xi32>
      %eq3A_262 = arith.cmpi eq, %iota3A_178, %eq3A_261 : vector<128x4xi32>
      %broadcast_in_dim3A_263 = vector.shape_cast %broadcast_in_dim3A_259 : vector<128x1xi32> to vector<128x1xi32>
      %broadcast_in_dim3A_264 = vector.broadcast %broadcast_in_dim3A_263 : vector<128x1xi32> to vector<128x4xi32>
      %select_n3A_265 = arith.select %eq3A_262, %broadcast_in_dim3A_264, %select_n3A_235 : vector<128x4xi1>, vector<128x4xi32>
      %eq3A_266 = vector.broadcast %broadcast_in_dim3A_251 : vector<128x1xi32> to vector<128x16xi32>
      %eq3A_267 = arith.cmpi eq, %iota3A_33, %eq3A_266 : vector<128x16xi32>
      %jit3A_268 = arith.constant 0xFF800000 : f32
      %broadcast_in_dim3A_269 = vector.broadcast %jit3A_268 : f32 to vector<128x16xf32>
      %select_n3A_270 = arith.select %eq3A_267, %broadcast_in_dim3A_269, %select_n3A_240 : vector<128x16xi1>, vector<128x16xf32>
      %reduce_max3A_271 = arith.constant dense<0xFF800000> : vector<128xf32>
      %reduce_max3A_272 = vector.multi_reduction <maximumf>, %select_n3A_270, %reduce_max3A_271 [1] : vector<128x16xf32> to vector<128xf32>
      %broadcast_in_dim3A_273 = vector.shape_cast %reduce_max3A_272 : vector<128xf32> to vector<128x1xf32>
      %eq3A_274 = vector.broadcast %broadcast_in_dim3A_273 : vector<128x1xf32> to vector<128x16xf32>
      %eq3A_275 = arith.cmpf oeq, %select_n3A_270, %eq3A_274 : vector<128x16xf32>
      %jit3A_276 = arith.constant 1073741824 : i32
      %broadcast_in_dim3A_277 = vector.broadcast %jit3A_276 : i32 to vector<128x16xi32>
      %select_n3A_278 = arith.select %eq3A_275, %iota3A_33, %broadcast_in_dim3A_277 : vector<128x16xi1>, vector<128x16xi32>
      %reduce_min3A_279 = arith.constant dense<2147483647> : vector<128xi32>
      %reduce_min3A_280 = vector.multi_reduction <minsi>, %select_n3A_278, %reduce_min3A_279 [1] : vector<128x16xi32> to vector<128xi32>
      %broadcast_in_dim3A_281 = vector.shape_cast %reduce_min3A_280 : vector<128xi32> to vector<128x1xi32>
      %eq3A_282 = vector.broadcast %broadcast_in_dim3A_281 : vector<128x1xi32> to vector<128x16xi32>
      %eq3A_283 = arith.cmpi eq, %iota3A_33, %eq3A_282 : vector<128x16xi32>
      %jit3A_284 = arith.constant 0 : i32
      %broadcast_in_dim3A_285 = vector.broadcast %jit3A_284 : i32 to vector<128x16xi32>
      %select_n3A_286 = arith.select %eq3A_283, %get3A_177, %broadcast_in_dim3A_285 : vector<128x16xi1>, vector<128x16xi32>
      %reduce_sum3A_287 = arith.constant dense<0> : vector<128xi32>
      %reduce_sum3A_288 = vector.multi_reduction <add>, %select_n3A_286, %reduce_sum3A_287 [1] : vector<128x16xi32> to vector<128xi32>
      %broadcast_in_dim3A_289 = vector.shape_cast %reduce_sum3A_288 : vector<128xi32> to vector<128x1xi32>
      %eq3A_290 = arith.constant 3 : i32
      %eq3A_291 = vector.broadcast %eq3A_290 : i32 to vector<128x4xi32>
      %eq3A_292 = arith.cmpi eq, %iota3A_178, %eq3A_291 : vector<128x4xi32>
      %broadcast_in_dim3A_293 = vector.shape_cast %broadcast_in_dim3A_289 : vector<128x1xi32> to vector<128x1xi32>
      %broadcast_in_dim3A_294 = vector.broadcast %broadcast_in_dim3A_293 : vector<128x1xi32> to vector<128x4xi32>
      %select_n3A_295 = arith.select %eq3A_292, %broadcast_in_dim3A_294, %select_n3A_265 : vector<128x4xi1>, vector<128x4xi32>
      %swap3A_296 = arith.constant 0 : index
      %swap3A_297 = arith.constant 0 : index
      %swap3A_298 = arith.constant 0 : index
      %swap3A_299 = vector.load %arg4[%swap3A_296, %swap3A_297, %swap3A_298] : memref<1x128x4xi32, #tpu.memory_space<vmem>>, vector<1x128x4xi32>
      %swap3A_300 = vector.shape_cast %swap3A_299 : vector<1x128x4xi32> to vector<128x4xi32>
      %swap3A_301 = vector.shape_cast %select_n3A_295 : vector<128x4xi32> to vector<1x128x4xi32>
      tpu.vector_store %arg4[%swap3A_296, %swap3A_297, %swap3A_298], %swap3A_301 {strides = array<i32>} : memref<1x128x4xi32, #tpu.memory_space<vmem>>, vector<1x128x4xi32>,
    } else {
    }
    return
  }
  func.func @transform_0(%arg0: i32, %arg1: i32) -> (i32, i32, i32, i32) {
    %c0_i32 = arith.constant 0 : i32
    %c0_i32_0 = arith.constant 0 : i32
    %c0_i32_1 = arith.constant 0 : i32
    return %arg0, %arg1, %c0_i32, %c0_i32_0 : i32, i32, i32, i32
  }
  func.func @transform_1(%arg0: i32, %arg1: i32) -> (i32, i32, i32) {
    %c0_i32 = arith.constant 0 : i32
    %c0_i32_0 = arith.constant 0 : i32
    %c0_i32_1 = arith.constant 0 : i32
    return %arg0, %c0_i32, %c0_i32_0 : i32, i32, i32
  }
  func.func @transform_2(%arg0: i32, %arg1: i32) -> (i32, i32, i32) {
    %c0_i32 = arith.constant 0 : i32
    %c0_i32_0 = arith.constant 0 : i32
    %c0_i32_1 = arith.constant 0 : i32
    return %arg0, %c0_i32, %c0_i32_0 : i32, i32, i32
  }
}

module attributes {stable_mosaic.version = 14 : i64} {
  func.func @_angles_body(%arg0: i32, %arg1: memref<1x128x1024xf32, #tpu.memory_space<vmem>>, %arg2: memref<1x128x1024xf32, #tpu.memory_space<vmem>>, %arg3: memref<3x1x128x1024xf32, #tpu.memory_space<vmem>>, %arg4: memref<3x1x128x1024xf32, #tpu.memory_space<vmem>>, %arg5: memref<1x512x1024xf32, #tpu.memory_space<vmem>>, %arg6: memref<1x1xf32, #tpu.memory_space<vmem>>) attributes {dimension_semantics = [#tpu.dimension_semantics<arbitrary>], iteration_bounds = array<i64: 2>, scalar_prefetch = 0 : i64, scratch_operands = 0 : i64, tpu.core_type = #tpu.core_type<tc>, window_params = [{transform_indices = @transform_0, window_bounds = array<i64: 1, 128, 1024>}, {transform_indices = @transform_1, window_bounds = array<i64: 1, 128, 1024>}, {transform_indices = @transform_2, window_bounds = array<i64: 3, 1, 128, 1024>}, {transform_indices = @transform_3, window_bounds = array<i64: 3, 1, 128, 1024>}, {transform_indices = @transform_4, window_bounds = array<i64: 1, 512, 1024>}, {pipeline_mode = #tpu.pipeline_mode<synchronous>, transform_indices = @transform_5, window_bounds = array<i64: 1, 1>}]} {
    %iota3A = tpu.iota {dimensions = array<i32: 0>} : vector<512x128xi32>
    %iota3A_0 = tpu.iota {dimensions = array<i32: 1>} : vector<512x128xi32>
    %jit3A = arith.constant 4 : i32
    %div3A = vector.broadcast %jit3A : i32 to vector<512x128xi32>
    %div3A_1 = arith.divsi %iota3A, %div3A : vector<512x128xi32>
    %sign3A = arith.constant 0 : i32
    %sign3A_2 = vector.broadcast %sign3A : i32 to vector<512x128xi32>
    %sign3A_3 = arith.cmpi sgt, %iota3A, %sign3A_2 : vector<512x128xi32>
    %sign3A_4 = arith.extui %sign3A_3 : vector<512x128xi1> to vector<512x128xi32>
    %sign3A_5 = arith.constant 0 : i32
    %sign3A_6 = vector.broadcast %sign3A_5 : i32 to vector<512x128xi32>
    %sign3A_7 = arith.cmpi slt, %iota3A, %sign3A_6 : vector<512x128xi32>
    %sign3A_8 = arith.extui %sign3A_7 : vector<512x128xi1> to vector<512x128xi32>
    %sign3A_9 = arith.subi %sign3A_4, %sign3A_8 : vector<512x128xi32>
    %sign3A_10 = arith.constant 0 : i32
    %sign3A_11 = arith.cmpi sgt, %jit3A, %sign3A_10 : i32
    %sign3A_12 = arith.extui %sign3A_11 : i1 to i32
    %sign3A_13 = arith.constant 0 : i32
    %sign3A_14 = arith.cmpi slt, %jit3A, %sign3A_13 : i32
    %sign3A_15 = arith.extui %sign3A_14 : i1 to i32
    %sign3A_16 = arith.subi %sign3A_12, %sign3A_15 : i32
    %ne3A = vector.broadcast %sign3A_16 : i32 to vector<512x128xi32>
    %ne3A_17 = arith.cmpi ne, %sign3A_9, %ne3A : vector<512x128xi32>
    %rem3A = vector.broadcast %jit3A : i32 to vector<512x128xi32>
    %rem3A_18 = arith.remsi %iota3A, %rem3A : vector<512x128xi32>
    %ne3A_19 = arith.constant 0 : i32
    %ne3A_20 = vector.broadcast %ne3A_19 : i32 to vector<512x128xi32>
    %ne3A_21 = arith.cmpi ne, %rem3A_18, %ne3A_20 : vector<512x128xi32>
    %and3A = arith.andi %ne3A_17, %ne3A_21 : vector<512x128xi1>
    %sub3A = arith.constant 1 : i32
    %sub3A_22 = vector.broadcast %sub3A : i32 to vector<512x128xi32>
    %sub3A_23 = arith.subi %div3A_1, %sub3A_22 : vector<512x128xi32>
    %select_n3A = arith.select %and3A, %sub3A_23, %div3A_1 : vector<512x128xi1>, vector<512x128xi32>
    %eq3A = arith.cmpi eq, %select_n3A, %iota3A_0 : vector<512x128xi32>
    %convert_element_type3A = arith.extui %eq3A : vector<512x128xi1> to vector<512x128xi32>
    %convert_element_type3A_24 = arith.sitofp %convert_element_type3A : vector<512x128xi32> to vector<512x128xf32>
    %broadcast_in_dim3A = arith.constant 1.000000e+00 : f32
    %broadcast_in_dim3A_25 = vector.broadcast %broadcast_in_dim3A : f32 to vector<1x1024xf32>
    %get3A = arith.constant 0 : index
    %get3A_26 = arith.constant 0 : index
    %get3A_27 = arith.constant 0 : index
    %get3A_28 = vector.load %arg5[%get3A, %get3A_26, %get3A_27] : memref<1x512x1024xf32, #tpu.memory_space<vmem>>, vector<1x512x1024xf32>
    %get3A_29 = vector.shape_cast %get3A_28 : vector<1x512x1024xf32> to vector<512x1024xf32>
    %mul3A = arith.mulf %get3A_29, %get3A_29 : vector<512x1024xf32>
    %reduce_sum3A = arith.constant dense<0.000000e+00> : vector<512xf32>
    %reduce_sum3A_30 = vector.multi_reduction <add>, %mul3A, %reduce_sum3A [1] : vector<512x1024xf32> to vector<512xf32>
    %broadcast_in_dim3A_31 = vector.shape_cast %reduce_sum3A_30 : vector<512xf32> to vector<512x1xf32>
    %get3A_32 = arith.constant 0 : index
    %get3A_33 = arith.constant 0 : index
    %get3A_34 = arith.constant 0 : index
    %get3A_35 = vector.load %arg1[%get3A_32, %get3A_33, %get3A_34] : memref<1x128x1024xf32, #tpu.memory_space<vmem>>, vector<1x128x1024xf32>
    %get3A_36 = vector.shape_cast %get3A_35 : vector<1x128x1024xf32> to vector<128x1024xf32>
    %dot_general3A = arith.constant dense<0.000000e+00> : vector<512x128xf32>
    %dot_general3A_37 = tpu.matmul %get3A_29, %get3A_36, %dot_general3A {dimension_numbers = #tpu.dot_dimension_numbers<[1], [1], [0], [0], [0, 0, 1, 0], [], []>, transpose_lhs_hint = false} : vector<512x1024xf32>, vector<128x1024xf32>, vector<512x128xf32> -> vector<512x128xf32>
    %jit3A_38 = arith.constant 0.000000e+00 : f32
    %broadcast_in_dim3A_39 = vector.broadcast %jit3A_38 : f32 to vector<512x128xf32>
    %select_n3A_40 = arith.select %eq3A, %dot_general3A_37, %broadcast_in_dim3A_39 : vector<512x128xi1>, vector<512x128xf32>
    %reduce_sum3A_41 = arith.constant dense<0.000000e+00> : vector<512xf32>
    %reduce_sum3A_42 = vector.multi_reduction <add>, %select_n3A_40, %reduce_sum3A_41 [1] : vector<512x128xf32> to vector<512xf32>
    %broadcast_in_dim3A_43 = vector.shape_cast %reduce_sum3A_42 : vector<512xf32> to vector<512x1xf32>
    %mul3A_44 = arith.mulf %get3A_36, %get3A_36 : vector<128x1024xf32>
    %reduce_sum3A_45 = arith.constant dense<0.000000e+00> : vector<128xf32>
    %reduce_sum3A_46 = vector.multi_reduction <add>, %mul3A_44, %reduce_sum3A_45 [1] : vector<128x1024xf32> to vector<128xf32>
    %broadcast_in_dim3A_47 = vector.shape_cast %reduce_sum3A_46 : vector<128xf32> to vector<128x1xf32>
    %dot_general3A_48 = arith.constant dense<0.000000e+00> : vector<512x1xf32>
    %dot_general3A_49 = tpu.matmul %convert_element_type3A_24, %broadcast_in_dim3A_47, %dot_general3A_48 {dimension_numbers = #tpu.dot_dimension_numbers<[1], [0], [0], [1], [0, 0, 1, 1], [], []>, transpose_lhs_hint = false} : vector<512x128xf32>, vector<128x1xf32>, vector<512x1xf32> -> vector<512x1xf32>
    %get3A_50 = arith.constant 0 : index
    %get3A_51 = arith.constant 0 : index
    %get3A_52 = arith.constant 0 : index
    %get3A_53 = vector.load %arg2[%get3A_50, %get3A_51, %get3A_52] : memref<1x128x1024xf32, #tpu.memory_space<vmem>>, vector<1x128x1024xf32>
    %get3A_54 = vector.shape_cast %get3A_53 : vector<1x128x1024xf32> to vector<128x1024xf32>
    %dot_general3A_55 = arith.constant dense<0.000000e+00> : vector<512x128xf32>
    %dot_general3A_56 = tpu.matmul %get3A_29, %get3A_54, %dot_general3A_55 {dimension_numbers = #tpu.dot_dimension_numbers<[1], [1], [0], [0], [0, 0, 1, 0], [], []>, transpose_lhs_hint = false} : vector<512x1024xf32>, vector<128x1024xf32>, vector<512x128xf32> -> vector<512x128xf32>
    %jit3A_57 = arith.constant 0.000000e+00 : f32
    %broadcast_in_dim3A_58 = vector.broadcast %jit3A_57 : f32 to vector<512x128xf32>
    %select_n3A_59 = arith.select %eq3A, %dot_general3A_56, %broadcast_in_dim3A_58 : vector<512x128xi1>, vector<512x128xf32>
    %reduce_sum3A_60 = arith.constant dense<0.000000e+00> : vector<512xf32>
    %reduce_sum3A_61 = vector.multi_reduction <add>, %select_n3A_59, %reduce_sum3A_60 [1] : vector<512x128xf32> to vector<512xf32>
    %broadcast_in_dim3A_62 = vector.shape_cast %reduce_sum3A_61 : vector<512xf32> to vector<512x1xf32>
    %mul3A_63 = arith.mulf %get3A_54, %get3A_54 : vector<128x1024xf32>
    %reduce_sum3A_64 = arith.constant dense<0.000000e+00> : vector<128xf32>
    %reduce_sum3A_65 = vector.multi_reduction <add>, %mul3A_63, %reduce_sum3A_64 [1] : vector<128x1024xf32> to vector<128xf32>
    %broadcast_in_dim3A_66 = vector.shape_cast %reduce_sum3A_65 : vector<128xf32> to vector<128x1xf32>
    %dot_general3A_67 = arith.constant dense<0.000000e+00> : vector<512x1xf32>
    %dot_general3A_68 = tpu.matmul %convert_element_type3A_24, %broadcast_in_dim3A_66, %dot_general3A_67 {dimension_numbers = #tpu.dot_dimension_numbers<[1], [0], [0], [1], [0, 0, 1, 1], [], []>, transpose_lhs_hint = false} : vector<512x128xf32>, vector<128x1xf32>, vector<512x1xf32> -> vector<512x1xf32>
    %get3A_69 = arith.constant 0 : index
    %get3A_70 = arith.constant 0 : index
    %get3A_71 = arith.constant 0 : index
    %get3A_72 = arith.constant 0 : index
    %get3A_73 = vector.load %arg3[%get3A_69, %get3A_70, %get3A_71, %get3A_72] : memref<3x1x128x1024xf32, #tpu.memory_space<vmem>>, vector<1x1x128x1024xf32>
    %get3A_74 = vector.shape_cast %get3A_73 : vector<1x1x128x1024xf32> to vector<128x1024xf32>
    %dot_general3A_75 = arith.constant dense<0.000000e+00> : vector<128x128xf32>
    %dot_general3A_76 = tpu.matmul %get3A_36, %get3A_74, %dot_general3A_75 {dimension_numbers = #tpu.dot_dimension_numbers<[1], [1], [0], [0], [0, 0, 1, 0], [], []>, transpose_lhs_hint = false} : vector<128x1024xf32>, vector<128x1024xf32>, vector<128x128xf32> -> vector<128x128xf32>
    %dot_general3A_77 = arith.constant dense<0.000000e+00> : vector<512x128xf32>
    %dot_general3A_78 = tpu.matmul %convert_element_type3A_24, %dot_general3A_76, %dot_general3A_77 {dimension_numbers = #tpu.dot_dimension_numbers<[1], [0], [0], [1], [0, 0, 1, 1], [], []>, transpose_lhs_hint = false} : vector<512x128xf32>, vector<128x128xf32>, vector<512x128xf32> -> vector<512x128xf32>
    %dot_general3A_79 = arith.constant dense<0.000000e+00> : vector<512x128xf32>
    %dot_general3A_80 = tpu.matmul %get3A_29, %get3A_74, %dot_general3A_79 {dimension_numbers = #tpu.dot_dimension_numbers<[1], [1], [0], [0], [0, 0, 1, 0], [], []>, transpose_lhs_hint = false} : vector<512x1024xf32>, vector<128x1024xf32>, vector<512x128xf32> -> vector<512x128xf32>
    %mul3A_81 = arith.mulf %get3A_74, %get3A_74 : vector<128x1024xf32>
    %dot_general3A_82 = arith.constant dense<0.000000e+00> : vector<1x128xf32>
    %dot_general3A_83 = tpu.matmul %broadcast_in_dim3A_25, %mul3A_81, %dot_general3A_82 {dimension_numbers = #tpu.dot_dimension_numbers<[1], [1], [0], [0], [0, 0, 1, 0], [], []>, transpose_lhs_hint = false} : vector<1x1024xf32>, vector<128x1024xf32>, vector<1x128xf32> -> vector<1x128xf32>
    %sub3A_84 = arith.subf %dot_general3A_80, %dot_general3A_78 : vector<512x128xf32>
    %sub3A_85 = vector.broadcast %broadcast_in_dim3A_43 : vector<512x1xf32> to vector<512x128xf32>
    %sub3A_86 = arith.subf %sub3A_84, %sub3A_85 : vector<512x128xf32>
    %add3A = vector.broadcast %dot_general3A_49 : vector<512x1xf32> to vector<512x128xf32>
    %add3A_87 = arith.addf %sub3A_86, %add3A : vector<512x128xf32>
    %add3A_88 = vector.broadcast %dot_general3A_83 : vector<1x128xf32> to vector<512x128xf32>
    %add3A_89 = vector.broadcast %dot_general3A_49 : vector<512x1xf32> to vector<512x128xf32>
    %add3A_90 = arith.addf %add3A_88, %add3A_89 : vector<512x128xf32>
    %mul3A_91 = arith.constant 2.000000e+00 : f32
    %mul3A_92 = vector.broadcast %mul3A_91 : f32 to vector<512x128xf32>
    %mul3A_93 = arith.mulf %mul3A_92, %dot_general3A_78 : vector<512x128xf32>
    %sub3A_94 = arith.subf %add3A_90, %mul3A_93 : vector<512x128xf32>
    %max3A = arith.constant 0.000000e+00 : f32
    %max3A_95 = vector.broadcast %max3A : f32 to vector<512x128xf32>
    %max3A_96 = arith.maximumf %sub3A_94, %max3A_95 : vector<512x128xf32>
    %sqrt3A = math.sqrt %max3A_96 : vector<512x128xf32>
    %max3A_97 = arith.constant 9.99999993E-9 : f32
    %max3A_98 = vector.broadcast %max3A_97 : f32 to vector<512x128xf32>
    %max3A_99 = arith.maximumf %sqrt3A, %max3A_98 : vector<512x128xf32>
    %add3A_100 = arith.addf %broadcast_in_dim3A_31, %dot_general3A_49 : vector<512x1xf32>
    %mul3A_101 = arith.constant 2.000000e+00 : f32
    %mul3A_102 = vector.broadcast %mul3A_101 : f32 to vector<512x1xf32>
    %mul3A_103 = arith.mulf %mul3A_102, %broadcast_in_dim3A_43 : vector<512x1xf32>
    %sub3A_104 = arith.subf %add3A_100, %mul3A_103 : vector<512x1xf32>
    %max3A_105 = arith.constant 0.000000e+00 : f32
    %max3A_106 = vector.broadcast %max3A_105 : f32 to vector<512x1xf32>
    %max3A_107 = arith.maximumf %sub3A_104, %max3A_106 : vector<512x1xf32>
    %sqrt3A_108 = math.sqrt %max3A_107 : vector<512x1xf32>
    %max3A_109 = arith.constant 9.99999993E-9 : f32
    %max3A_110 = vector.broadcast %max3A_109 : f32 to vector<512x1xf32>
    %max3A_111 = arith.maximumf %sqrt3A_108, %max3A_110 : vector<512x1xf32>
    %mul3A_112 = vector.broadcast %max3A_111 : vector<512x1xf32> to vector<512x128xf32>
    %mul3A_113 = arith.mulf %max3A_99, %mul3A_112 : vector<512x128xf32>
    %div3A_114 = arith.divf %add3A_87, %mul3A_113 : vector<512x128xf32>
    %sub3A_115 = arith.subf %dot_general3A_78, %dot_general3A_80 : vector<512x128xf32>
    %sub3A_116 = vector.broadcast %broadcast_in_dim3A_43 : vector<512x1xf32> to vector<512x128xf32>
    %sub3A_117 = arith.subf %sub3A_115, %sub3A_116 : vector<512x128xf32>
    %add3A_118 = vector.broadcast %broadcast_in_dim3A_31 : vector<512x1xf32> to vector<512x128xf32>
    %add3A_119 = arith.addf %sub3A_117, %add3A_118 : vector<512x128xf32>
    %add3A_120 = arith.addf %dot_general3A_49, %broadcast_in_dim3A_31 : vector<512x1xf32>
    %mul3A_121 = arith.constant 2.000000e+00 : f32
    %mul3A_122 = vector.broadcast %mul3A_121 : f32 to vector<512x1xf32>
    %mul3A_123 = arith.mulf %mul3A_122, %broadcast_in_dim3A_43 : vector<512x1xf32>
    %sub3A_124 = arith.subf %add3A_120, %mul3A_123 : vector<512x1xf32>
    %max3A_125 = arith.constant 0.000000e+00 : f32
    %max3A_126 = vector.broadcast %max3A_125 : f32 to vector<512x1xf32>
    %max3A_127 = arith.maximumf %sub3A_124, %max3A_126 : vector<512x1xf32>
    %sqrt3A_128 = math.sqrt %max3A_127 : vector<512x1xf32>
    %max3A_129 = arith.constant 9.99999993E-9 : f32
    %max3A_130 = vector.broadcast %max3A_129 : f32 to vector<512x1xf32>
    %max3A_131 = arith.maximumf %sqrt3A_128, %max3A_130 : vector<512x1xf32>
    %add3A_132 = vector.broadcast %dot_general3A_83 : vector<1x128xf32> to vector<512x128xf32>
    %add3A_133 = vector.broadcast %broadcast_in_dim3A_31 : vector<512x1xf32> to vector<512x128xf32>
    %add3A_134 = arith.addf %add3A_132, %add3A_133 : vector<512x128xf32>
    %mul3A_135 = arith.constant 2.000000e+00 : f32
    %mul3A_136 = vector.broadcast %mul3A_135 : f32 to vector<512x128xf32>
    %mul3A_137 = arith.mulf %mul3A_136, %dot_general3A_80 : vector<512x128xf32>
    %sub3A_138 = arith.subf %add3A_134, %mul3A_137 : vector<512x128xf32>
    %max3A_139 = arith.constant 9.99999996E-13 : f32
    %max3A_140 = vector.broadcast %max3A_139 : f32 to vector<512x128xf32>
    %max3A_141 = arith.maximumf %sub3A_138, %max3A_140 : vector<512x128xf32>
    %sqrt3A_142 = math.sqrt %max3A_141 : vector<512x128xf32>
    %max3A_143 = arith.constant 9.99999993E-9 : f32
    %max3A_144 = vector.broadcast %max3A_143 : f32 to vector<512x128xf32>
    %max3A_145 = arith.maximumf %sqrt3A_142, %max3A_144 : vector<512x128xf32>
    %mul3A_146 = vector.broadcast %max3A_131 : vector<512x1xf32> to vector<512x128xf32>
    %mul3A_147 = arith.mulf %mul3A_146, %max3A_145 : vector<512x128xf32>
    %div3A_148 = arith.divf %add3A_119, %mul3A_147 : vector<512x128xf32>
    %sub3A_149 = vector.broadcast %broadcast_in_dim3A_43 : vector<512x1xf32> to vector<512x128xf32>
    %sub3A_150 = arith.subf %sub3A_149, %dot_general3A_80 : vector<512x128xf32>
    %sub3A_151 = arith.subf %sub3A_150, %dot_general3A_78 : vector<512x128xf32>
    %add3A_152 = vector.broadcast %dot_general3A_83 : vector<1x128xf32> to vector<512x128xf32>
    %add3A_153 = arith.addf %sub3A_151, %add3A_152 : vector<512x128xf32>
    %add3A_154 = vector.broadcast %dot_general3A_49 : vector<512x1xf32> to vector<512x128xf32>
    %add3A_155 = vector.broadcast %dot_general3A_83 : vector<1x128xf32> to vector<512x128xf32>
    %add3A_156 = arith.addf %add3A_154, %add3A_155 : vector<512x128xf32>
    %mul3A_157 = arith.constant 2.000000e+00 : f32
    %mul3A_158 = vector.broadcast %mul3A_157 : f32 to vector<512x128xf32>
    %mul3A_159 = arith.mulf %mul3A_158, %dot_general3A_78 : vector<512x128xf32>
    %sub3A_160 = arith.subf %add3A_156, %mul3A_159 : vector<512x128xf32>
    %max3A_161 = arith.constant 0.000000e+00 : f32
    %max3A_162 = vector.broadcast %max3A_161 : f32 to vector<512x128xf32>
    %max3A_163 = arith.maximumf %sub3A_160, %max3A_162 : vector<512x128xf32>
    %sqrt3A_164 = math.sqrt %max3A_163 : vector<512x128xf32>
    %max3A_165 = arith.constant 9.99999993E-9 : f32
    %max3A_166 = vector.broadcast %max3A_165 : f32 to vector<512x128xf32>
    %max3A_167 = arith.maximumf %sqrt3A_164, %max3A_166 : vector<512x128xf32>
    %add3A_168 = vector.broadcast %broadcast_in_dim3A_31 : vector<512x1xf32> to vector<512x128xf32>
    %add3A_169 = vector.broadcast %dot_general3A_83 : vector<1x128xf32> to vector<512x128xf32>
    %add3A_170 = arith.addf %add3A_168, %add3A_169 : vector<512x128xf32>
    %mul3A_171 = arith.constant 2.000000e+00 : f32
    %mul3A_172 = vector.broadcast %mul3A_171 : f32 to vector<512x128xf32>
    %mul3A_173 = arith.mulf %mul3A_172, %dot_general3A_80 : vector<512x128xf32>
    %sub3A_174 = arith.subf %add3A_170, %mul3A_173 : vector<512x128xf32>
    %max3A_175 = arith.constant 9.99999996E-13 : f32
    %max3A_176 = vector.broadcast %max3A_175 : f32 to vector<512x128xf32>
    %max3A_177 = arith.maximumf %sub3A_174, %max3A_176 : vector<512x128xf32>
    %sqrt3A_178 = math.sqrt %max3A_177 : vector<512x128xf32>
    %max3A_179 = arith.constant 9.99999993E-9 : f32
    %max3A_180 = vector.broadcast %max3A_179 : f32 to vector<512x128xf32>
    %max3A_181 = arith.maximumf %sqrt3A_178, %max3A_180 : vector<512x128xf32>
    %mul3A_182 = arith.mulf %max3A_167, %max3A_181 : vector<512x128xf32>
    %div3A_183 = arith.divf %add3A_153, %mul3A_182 : vector<512x128xf32>
    %get3A_184 = arith.constant 0 : index
    %get3A_185 = arith.constant 0 : index
    %get3A_186 = arith.constant 0 : index
    %get3A_187 = arith.constant 0 : index
    %get3A_188 = vector.load %arg4[%get3A_184, %get3A_185, %get3A_186, %get3A_187] : memref<3x1x128x1024xf32, #tpu.memory_space<vmem>>, vector<1x1x128x1024xf32>
    %get3A_189 = vector.shape_cast %get3A_188 : vector<1x1x128x1024xf32> to vector<128x1024xf32>
    %dot_general3A_190 = arith.constant dense<0.000000e+00> : vector<128x128xf32>
    %dot_general3A_191 = tpu.matmul %get3A_54, %get3A_189, %dot_general3A_190 {dimension_numbers = #tpu.dot_dimension_numbers<[1], [1], [0], [0], [0, 0, 1, 0], [], []>, transpose_lhs_hint = false} : vector<128x1024xf32>, vector<128x1024xf32>, vector<128x128xf32> -> vector<128x128xf32>
    %dot_general3A_192 = arith.constant dense<0.000000e+00> : vector<512x128xf32>
    %dot_general3A_193 = tpu.matmul %convert_element_type3A_24, %dot_general3A_191, %dot_general3A_192 {dimension_numbers = #tpu.dot_dimension_numbers<[1], [0], [0], [1], [0, 0, 1, 1], [], []>, transpose_lhs_hint = false} : vector<512x128xf32>, vector<128x128xf32>, vector<512x128xf32> -> vector<512x128xf32>
    %dot_general3A_194 = arith.constant dense<0.000000e+00> : vector<512x128xf32>
    %dot_general3A_195 = tpu.matmul %get3A_29, %get3A_189, %dot_general3A_194 {dimension_numbers = #tpu.dot_dimension_numbers<[1], [1], [0], [0], [0, 0, 1, 0], [], []>, transpose_lhs_hint = false} : vector<512x1024xf32>, vector<128x1024xf32>, vector<512x128xf32> -> vector<512x128xf32>
    %mul3A_196 = arith.mulf %get3A_189, %get3A_189 : vector<128x1024xf32>
    %dot_general3A_197 = arith.constant dense<0.000000e+00> : vector<1x128xf32>
    %dot_general3A_198 = tpu.matmul %broadcast_in_dim3A_25, %mul3A_196, %dot_general3A_197 {dimension_numbers = #tpu.dot_dimension_numbers<[1], [1], [0], [0], [0, 0, 1, 0], [], []>, transpose_lhs_hint = false} : vector<1x1024xf32>, vector<128x1024xf32>, vector<1x128xf32> -> vector<1x128xf32>
    %sub3A_199 = arith.subf %dot_general3A_195, %dot_general3A_193 : vector<512x128xf32>
    %sub3A_200 = vector.broadcast %broadcast_in_dim3A_62 : vector<512x1xf32> to vector<512x128xf32>
    %sub3A_201 = arith.subf %sub3A_199, %sub3A_200 : vector<512x128xf32>
    %add3A_202 = vector.broadcast %dot_general3A_68 : vector<512x1xf32> to vector<512x128xf32>
    %add3A_203 = arith.addf %sub3A_201, %add3A_202 : vector<512x128xf32>
    %add3A_204 = vector.broadcast %dot_general3A_198 : vector<1x128xf32> to vector<512x128xf32>
    %add3A_205 = vector.broadcast %dot_general3A_68 : vector<512x1xf32> to vector<512x128xf32>
    %add3A_206 = arith.addf %add3A_204, %add3A_205 : vector<512x128xf32>
    %mul3A_207 = arith.constant 2.000000e+00 : f32
    %mul3A_208 = vector.broadcast %mul3A_207 : f32 to vector<512x128xf32>
    %mul3A_209 = arith.mulf %mul3A_208, %dot_general3A_193 : vector<512x128xf32>
    %sub3A_210 = arith.subf %add3A_206, %mul3A_209 : vector<512x128xf32>
    %max3A_211 = arith.constant 0.000000e+00 : f32
    %max3A_212 = vector.broadcast %max3A_211 : f32 to vector<512x128xf32>
    %max3A_213 = arith.maximumf %sub3A_210, %max3A_212 : vector<512x128xf32>
    %sqrt3A_214 = math.sqrt %max3A_213 : vector<512x128xf32>
    %max3A_215 = arith.constant 9.99999993E-9 : f32
    %max3A_216 = vector.broadcast %max3A_215 : f32 to vector<512x128xf32>
    %max3A_217 = arith.maximumf %sqrt3A_214, %max3A_216 : vector<512x128xf32>
    %add3A_218 = arith.addf %broadcast_in_dim3A_31, %dot_general3A_68 : vector<512x1xf32>
    %mul3A_219 = arith.constant 2.000000e+00 : f32
    %mul3A_220 = vector.broadcast %mul3A_219 : f32 to vector<512x1xf32>
    %mul3A_221 = arith.mulf %mul3A_220, %broadcast_in_dim3A_62 : vector<512x1xf32>
    %sub3A_222 = arith.subf %add3A_218, %mul3A_221 : vector<512x1xf32>
    %max3A_223 = arith.constant 0.000000e+00 : f32
    %max3A_224 = vector.broadcast %max3A_223 : f32 to vector<512x1xf32>
    %max3A_225 = arith.maximumf %sub3A_222, %max3A_224 : vector<512x1xf32>
    %sqrt3A_226 = math.sqrt %max3A_225 : vector<512x1xf32>
    %max3A_227 = arith.constant 9.99999993E-9 : f32
    %max3A_228 = vector.broadcast %max3A_227 : f32 to vector<512x1xf32>
    %max3A_229 = arith.maximumf %sqrt3A_226, %max3A_228 : vector<512x1xf32>
    %mul3A_230 = vector.broadcast %max3A_229 : vector<512x1xf32> to vector<512x128xf32>
    %mul3A_231 = arith.mulf %max3A_217, %mul3A_230 : vector<512x128xf32>
    %div3A_232 = arith.divf %add3A_203, %mul3A_231 : vector<512x128xf32>
    %sub3A_233 = arith.subf %dot_general3A_193, %dot_general3A_195 : vector<512x128xf32>
    %sub3A_234 = vector.broadcast %broadcast_in_dim3A_62 : vector<512x1xf32> to vector<512x128xf32>
    %sub3A_235 = arith.subf %sub3A_233, %sub3A_234 : vector<512x128xf32>
    %add3A_236 = vector.broadcast %broadcast_in_dim3A_31 : vector<512x1xf32> to vector<512x128xf32>
    %add3A_237 = arith.addf %sub3A_235, %add3A_236 : vector<512x128xf32>
    %add3A_238 = arith.addf %dot_general3A_68, %broadcast_in_dim3A_31 : vector<512x1xf32>
    %mul3A_239 = arith.constant 2.000000e+00 : f32
    %mul3A_240 = vector.broadcast %mul3A_239 : f32 to vector<512x1xf32>
    %mul3A_241 = arith.mulf %mul3A_240, %broadcast_in_dim3A_62 : vector<512x1xf32>
    %sub3A_242 = arith.subf %add3A_238, %mul3A_241 : vector<512x1xf32>
    %max3A_243 = arith.constant 0.000000e+00 : f32
    %max3A_244 = vector.broadcast %max3A_243 : f32 to vector<512x1xf32>
    %max3A_245 = arith.maximumf %sub3A_242, %max3A_244 : vector<512x1xf32>
    %sqrt3A_246 = math.sqrt %max3A_245 : vector<512x1xf32>
    %max3A_247 = arith.constant 9.99999993E-9 : f32
    %max3A_248 = vector.broadcast %max3A_247 : f32 to vector<512x1xf32>
    %max3A_249 = arith.maximumf %sqrt3A_246, %max3A_248 : vector<512x1xf32>
    %add3A_250 = vector.broadcast %dot_general3A_198 : vector<1x128xf32> to vector<512x128xf32>
    %add3A_251 = vector.broadcast %broadcast_in_dim3A_31 : vector<512x1xf32> to vector<512x128xf32>
    %add3A_252 = arith.addf %add3A_250, %add3A_251 : vector<512x128xf32>
    %mul3A_253 = arith.constant 2.000000e+00 : f32
    %mul3A_254 = vector.broadcast %mul3A_253 : f32 to vector<512x128xf32>
    %mul3A_255 = arith.mulf %mul3A_254, %dot_general3A_195 : vector<512x128xf32>
    %sub3A_256 = arith.subf %add3A_252, %mul3A_255 : vector<512x128xf32>
    %max3A_257 = arith.constant 9.99999996E-13 : f32
    %max3A_258 = vector.broadcast %max3A_257 : f32 to vector<512x128xf32>
    %max3A_259 = arith.maximumf %sub3A_256, %max3A_258 : vector<512x128xf32>
    %sqrt3A_260 = math.sqrt %max3A_259 : vector<512x128xf32>
    %max3A_261 = arith.constant 9.99999993E-9 : f32
    %max3A_262 = vector.broadcast %max3A_261 : f32 to vector<512x128xf32>
    %max3A_263 = arith.maximumf %sqrt3A_260, %max3A_262 : vector<512x128xf32>
    %mul3A_264 = vector.broadcast %max3A_249 : vector<512x1xf32> to vector<512x128xf32>
    %mul3A_265 = arith.mulf %mul3A_264, %max3A_263 : vector<512x128xf32>
    %div3A_266 = arith.divf %add3A_237, %mul3A_265 : vector<512x128xf32>
    %sub3A_267 = vector.broadcast %broadcast_in_dim3A_62 : vector<512x1xf32> to vector<512x128xf32>
    %sub3A_268 = arith.subf %sub3A_267, %dot_general3A_195 : vector<512x128xf32>
    %sub3A_269 = arith.subf %sub3A_268, %dot_general3A_193 : vector<512x128xf32>
    %add3A_270 = vector.broadcast %dot_general3A_198 : vector<1x128xf32> to vector<512x128xf32>
    %add3A_271 = arith.addf %sub3A_269, %add3A_270 : vector<512x128xf32>
    %add3A_272 = vector.broadcast %dot_general3A_68 : vector<512x1xf32> to vector<512x128xf32>
    %add3A_273 = vector.broadcast %dot_general3A_198 : vector<1x128xf32> to vector<512x128xf32>
    %add3A_274 = arith.addf %add3A_272, %add3A_273 : vector<512x128xf32>
    %mul3A_275 = arith.constant 2.000000e+00 : f32
    %mul3A_276 = vector.broadcast %mul3A_275 : f32 to vector<512x128xf32>
    %mul3A_277 = arith.mulf %mul3A_276, %dot_general3A_193 : vector<512x128xf32>
    %sub3A_278 = arith.subf %add3A_274, %mul3A_277 : vector<512x128xf32>
    %max3A_279 = arith.constant 0.000000e+00 : f32
    %max3A_280 = vector.broadcast %max3A_279 : f32 to vector<512x128xf32>
    %max3A_281 = arith.maximumf %sub3A_278, %max3A_280 : vector<512x128xf32>
    %sqrt3A_282 = math.sqrt %max3A_281 : vector<512x128xf32>
    %max3A_283 = arith.constant 9.99999993E-9 : f32
    %max3A_284 = vector.broadcast %max3A_283 : f32 to vector<512x128xf32>
    %max3A_285 = arith.maximumf %sqrt3A_282, %max3A_284 : vector<512x128xf32>
    %add3A_286 = vector.broadcast %broadcast_in_dim3A_31 : vector<512x1xf32> to vector<512x128xf32>
    %add3A_287 = vector.broadcast %dot_general3A_198 : vector<1x128xf32> to vector<512x128xf32>
    %add3A_288 = arith.addf %add3A_286, %add3A_287 : vector<512x128xf32>
    %mul3A_289 = arith.constant 2.000000e+00 : f32
    %mul3A_290 = vector.broadcast %mul3A_289 : f32 to vector<512x128xf32>
    %mul3A_291 = arith.mulf %mul3A_290, %dot_general3A_195 : vector<512x128xf32>
    %sub3A_292 = arith.subf %add3A_288, %mul3A_291 : vector<512x128xf32>
    %max3A_293 = arith.constant 9.99999996E-13 : f32
    %max3A_294 = vector.broadcast %max3A_293 : f32 to vector<512x128xf32>
    %max3A_295 = arith.maximumf %sub3A_292, %max3A_294 : vector<512x128xf32>
    %sqrt3A_296 = math.sqrt %max3A_295 : vector<512x128xf32>
    %max3A_297 = arith.constant 9.99999993E-9 : f32
    %max3A_298 = vector.broadcast %max3A_297 : f32 to vector<512x128xf32>
    %max3A_299 = arith.maximumf %sqrt3A_296, %max3A_298 : vector<512x128xf32>
    %mul3A_300 = arith.mulf %max3A_285, %max3A_299 : vector<512x128xf32>
    %div3A_301 = arith.divf %add3A_271, %mul3A_300 : vector<512x128xf32>
    %sub3A_302 = arith.subf %div3A_232, %div3A_114 : vector<512x128xf32>
    %abs3A = math.absf %sub3A_302 : vector<512x128xf32>
    %le3A = arith.constant 1.000000e+00 : f32
    %le3A_303 = vector.broadcast %le3A : f32 to vector<512x128xf32>
    %le3A_304 = arith.cmpf ole, %abs3A, %le3A_303 : vector<512x128xf32>
    %mul3A_305 = arith.constant 5.000000e-01 : f32
    %mul3A_306 = vector.broadcast %mul3A_305 : f32 to vector<512x128xf32>
    %mul3A_307 = arith.mulf %mul3A_306, %sub3A_302 : vector<512x128xf32>
    %mul3A_308 = arith.mulf %mul3A_307, %sub3A_302 : vector<512x128xf32>
    %sub3A_309 = arith.constant 5.000000e-01 : f32
    %sub3A_310 = vector.broadcast %sub3A_309 : f32 to vector<512x128xf32>
    %sub3A_311 = arith.subf %abs3A, %sub3A_310 : vector<512x128xf32>
    %mul3A_312 = arith.constant 1.000000e+00 : f32
    %mul3A_313 = vector.broadcast %mul3A_312 : f32 to vector<512x128xf32>
    %mul3A_314 = arith.mulf %mul3A_313, %sub3A_311 : vector<512x128xf32>
    %select_n3A_315 = arith.select %le3A_304, %mul3A_308, %mul3A_314 : vector<512x128xi1>, vector<512x128xf32>
    %reduce_sum3A_316 = vector.shape_cast %select_n3A_315 : vector<512x128xf32> to vector<1x512x128xf32>
    %reduce_sum3A_317 = arith.constant dense<0.000000e+00> : vector<1xf32>
    %reduce_sum3A_318 = vector.multi_reduction <add>, %reduce_sum3A_316, %reduce_sum3A_317 [1, 2] : vector<1x512x128xf32> to vector<1xf32>
    %reduce_sum3A_319 = vector.shape_cast %reduce_sum3A_318 : vector<1xf32> to vector<1x1x1xf32>
    %reduce_sum3A_320 = vector.extract %reduce_sum3A_319[0, 0, 0] : f32 from vector<1x1x1xf32>
    %add3A_321 = arith.constant 0.000000e+00 : f32
    %add3A_322 = arith.addf %add3A_321, %reduce_sum3A_320 : f32
    %sub3A_323 = arith.subf %div3A_266, %div3A_148 : vector<512x128xf32>
    %abs3A_324 = math.absf %sub3A_323 : vector<512x128xf32>
    %le3A_325 = arith.constant 1.000000e+00 : f32
    %le3A_326 = vector.broadcast %le3A_325 : f32 to vector<512x128xf32>
    %le3A_327 = arith.cmpf ole, %abs3A_324, %le3A_326 : vector<512x128xf32>
    %mul3A_328 = arith.constant 5.000000e-01 : f32
    %mul3A_329 = vector.broadcast %mul3A_328 : f32 to vector<512x128xf32>
    %mul3A_330 = arith.mulf %mul3A_329, %sub3A_323 : vector<512x128xf32>
    %mul3A_331 = arith.mulf %mul3A_330, %sub3A_323 : vector<512x128xf32>
    %sub3A_332 = arith.constant 5.000000e-01 : f32
    %sub3A_333 = vector.broadcast %sub3A_332 : f32 to vector<512x128xf32>
    %sub3A_334 = arith.subf %abs3A_324, %sub3A_333 : vector<512x128xf32>
    %mul3A_335 = arith.constant 1.000000e+00 : f32
    %mul3A_336 = vector.broadcast %mul3A_335 : f32 to vector<512x128xf32>
    %mul3A_337 = arith.mulf %mul3A_336, %sub3A_334 : vector<512x128xf32>
    %select_n3A_338 = arith.select %le3A_327, %mul3A_331, %mul3A_337 : vector<512x128xi1>, vector<512x128xf32>
    %reduce_sum3A_339 = vector.shape_cast %select_n3A_338 : vector<512x128xf32> to vector<1x512x128xf32>
    %reduce_sum3A_340 = arith.constant dense<0.000000e+00> : vector<1xf32>
    %reduce_sum3A_341 = vector.multi_reduction <add>, %reduce_sum3A_339, %reduce_sum3A_340 [1, 2] : vector<1x512x128xf32> to vector<1xf32>
    %reduce_sum3A_342 = vector.shape_cast %reduce_sum3A_341 : vector<1xf32> to vector<1x1x1xf32>
    %reduce_sum3A_343 = vector.extract %reduce_sum3A_342[0, 0, 0] : f32 from vector<1x1x1xf32>
    %add3A_344 = arith.addf %add3A_322, %reduce_sum3A_343 : f32
    %sub3A_345 = arith.subf %div3A_301, %div3A_183 : vector<512x128xf32>
    %abs3A_346 = math.absf %sub3A_345 : vector<512x128xf32>
    %le3A_347 = arith.constant 1.000000e+00 : f32
    %le3A_348 = vector.broadcast %le3A_347 : f32 to vector<512x128xf32>
    %le3A_349 = arith.cmpf ole, %abs3A_346, %le3A_348 : vector<512x128xf32>
    %mul3A_350 = arith.constant 5.000000e-01 : f32
    %mul3A_351 = vector.broadcast %mul3A_350 : f32 to vector<512x128xf32>
    %mul3A_352 = arith.mulf %mul3A_351, %sub3A_345 : vector<512x128xf32>
    %mul3A_353 = arith.mulf %mul3A_352, %sub3A_345 : vector<512x128xf32>
    %sub3A_354 = arith.constant 5.000000e-01 : f32
    %sub3A_355 = vector.broadcast %sub3A_354 : f32 to vector<512x128xf32>
    %sub3A_356 = arith.subf %abs3A_346, %sub3A_355 : vector<512x128xf32>
    %mul3A_357 = arith.constant 1.000000e+00 : f32
    %mul3A_358 = vector.broadcast %mul3A_357 : f32 to vector<512x128xf32>
    %mul3A_359 = arith.mulf %mul3A_358, %sub3A_356 : vector<512x128xf32>
    %select_n3A_360 = arith.select %le3A_349, %mul3A_353, %mul3A_359 : vector<512x128xi1>, vector<512x128xf32>
    %reduce_sum3A_361 = vector.shape_cast %select_n3A_360 : vector<512x128xf32> to vector<1x512x128xf32>
    %reduce_sum3A_362 = arith.constant dense<0.000000e+00> : vector<1xf32>
    %reduce_sum3A_363 = vector.multi_reduction <add>, %reduce_sum3A_361, %reduce_sum3A_362 [1, 2] : vector<1x512x128xf32> to vector<1xf32>
    %reduce_sum3A_364 = vector.shape_cast %reduce_sum3A_363 : vector<1xf32> to vector<1x1x1xf32>
    %reduce_sum3A_365 = vector.extract %reduce_sum3A_364[0, 0, 0] : f32 from vector<1x1x1xf32>
    %add3A_366 = arith.addf %add3A_344, %reduce_sum3A_365 : f32
    %get3A_367 = arith.constant 1 : index
    %get3A_368 = arith.constant 0 : index
    %get3A_369 = arith.constant 0 : index
    %get3A_370 = arith.constant 0 : index
    %get3A_371 = vector.load %arg3[%get3A_367, %get3A_368, %get3A_369, %get3A_370] : memref<3x1x128x1024xf32, #tpu.memory_space<vmem>>, vector<1x1x128x1024xf32>
    %get3A_372 = vector.shape_cast %get3A_371 : vector<1x1x128x1024xf32> to vector<128x1024xf32>
    %dot_general3A_373 = arith.constant dense<0.000000e+00> : vector<128x128xf32>
    %dot_general3A_374 = tpu.matmul %get3A_36, %get3A_372, %dot_general3A_373 {dimension_numbers = #tpu.dot_dimension_numbers<[1], [1], [0], [0], [0, 0, 1, 0], [], []>, transpose_lhs_hint = false} : vector<128x1024xf32>, vector<128x1024xf32>, vector<128x128xf32> -> vector<128x128xf32>
    %dot_general3A_375 = arith.constant dense<0.000000e+00> : vector<512x128xf32>
    %dot_general3A_376 = tpu.matmul %convert_element_type3A_24, %dot_general3A_374, %dot_general3A_375 {dimension_numbers = #tpu.dot_dimension_numbers<[1], [0], [0], [1], [0, 0, 1, 1], [], []>, transpose_lhs_hint = false} : vector<512x128xf32>, vector<128x128xf32>, vector<512x128xf32> -> vector<512x128xf32>
    %dot_general3A_377 = arith.constant dense<0.000000e+00> : vector<512x128xf32>
    %dot_general3A_378 = tpu.matmul %get3A_29, %get3A_372, %dot_general3A_377 {dimension_numbers = #tpu.dot_dimension_numbers<[1], [1], [0], [0], [0, 0, 1, 0], [], []>, transpose_lhs_hint = false} : vector<512x1024xf32>, vector<128x1024xf32>, vector<512x128xf32> -> vector<512x128xf32>
    %mul3A_379 = arith.mulf %get3A_372, %get3A_372 : vector<128x1024xf32>
    %dot_general3A_380 = arith.constant dense<0.000000e+00> : vector<1x128xf32>
    %dot_general3A_381 = tpu.matmul %broadcast_in_dim3A_25, %mul3A_379, %dot_general3A_380 {dimension_numbers = #tpu.dot_dimension_numbers<[1], [1], [0], [0], [0, 0, 1, 0], [], []>, transpose_lhs_hint = false} : vector<1x1024xf32>, vector<128x1024xf32>, vector<1x128xf32> -> vector<1x128xf32>
    %sub3A_382 = arith.subf %dot_general3A_378, %dot_general3A_376 : vector<512x128xf32>
    %sub3A_383 = vector.broadcast %broadcast_in_dim3A_43 : vector<512x1xf32> to vector<512x128xf32>
    %sub3A_384 = arith.subf %sub3A_382, %sub3A_383 : vector<512x128xf32>
    %add3A_385 = vector.broadcast %dot_general3A_49 : vector<512x1xf32> to vector<512x128xf32>
    %add3A_386 = arith.addf %sub3A_384, %add3A_385 : vector<512x128xf32>
    %add3A_387 = vector.broadcast %dot_general3A_381 : vector<1x128xf32> to vector<512x128xf32>
    %add3A_388 = vector.broadcast %dot_general3A_49 : vector<512x1xf32> to vector<512x128xf32>
    %add3A_389 = arith.addf %add3A_387, %add3A_388 : vector<512x128xf32>
    %mul3A_390 = arith.constant 2.000000e+00 : f32
    %mul3A_391 = vector.broadcast %mul3A_390 : f32 to vector<512x128xf32>
    %mul3A_392 = arith.mulf %mul3A_391, %dot_general3A_376 : vector<512x128xf32>
    %sub3A_393 = arith.subf %add3A_389, %mul3A_392 : vector<512x128xf32>
    %max3A_394 = arith.constant 0.000000e+00 : f32
    %max3A_395 = vector.broadcast %max3A_394 : f32 to vector<512x128xf32>
    %max3A_396 = arith.maximumf %sub3A_393, %max3A_395 : vector<512x128xf32>
    %sqrt3A_397 = math.sqrt %max3A_396 : vector<512x128xf32>
    %max3A_398 = arith.constant 9.99999993E-9 : f32
    %max3A_399 = vector.broadcast %max3A_398 : f32 to vector<512x128xf32>
    %max3A_400 = arith.maximumf %sqrt3A_397, %max3A_399 : vector<512x128xf32>
    %add3A_401 = arith.addf %broadcast_in_dim3A_31, %dot_general3A_49 : vector<512x1xf32>
    %mul3A_402 = arith.constant 2.000000e+00 : f32
    %mul3A_403 = vector.broadcast %mul3A_402 : f32 to vector<512x1xf32>
    %mul3A_404 = arith.mulf %mul3A_403, %broadcast_in_dim3A_43 : vector<512x1xf32>
    %sub3A_405 = arith.subf %add3A_401, %mul3A_404 : vector<512x1xf32>
    %max3A_406 = arith.constant 0.000000e+00 : f32
    %max3A_407 = vector.broadcast %max3A_406 : f32 to vector<512x1xf32>
    %max3A_408 = arith.maximumf %sub3A_405, %max3A_407 : vector<512x1xf32>
    %sqrt3A_409 = math.sqrt %max3A_408 : vector<512x1xf32>
    %max3A_410 = arith.constant 9.99999993E-9 : f32
    %max3A_411 = vector.broadcast %max3A_410 : f32 to vector<512x1xf32>
    %max3A_412 = arith.maximumf %sqrt3A_409, %max3A_411 : vector<512x1xf32>
    %mul3A_413 = vector.broadcast %max3A_412 : vector<512x1xf32> to vector<512x128xf32>
    %mul3A_414 = arith.mulf %max3A_400, %mul3A_413 : vector<512x128xf32>
    %div3A_415 = arith.divf %add3A_386, %mul3A_414 : vector<512x128xf32>
    %sub3A_416 = arith.subf %dot_general3A_376, %dot_general3A_378 : vector<512x128xf32>
    %sub3A_417 = vector.broadcast %broadcast_in_dim3A_43 : vector<512x1xf32> to vector<512x128xf32>
    %sub3A_418 = arith.subf %sub3A_416, %sub3A_417 : vector<512x128xf32>
    %add3A_419 = vector.broadcast %broadcast_in_dim3A_31 : vector<512x1xf32> to vector<512x128xf32>
    %add3A_420 = arith.addf %sub3A_418, %add3A_419 : vector<512x128xf32>
    %add3A_421 = arith.addf %dot_general3A_49, %broadcast_in_dim3A_31 : vector<512x1xf32>
    %mul3A_422 = arith.constant 2.000000e+00 : f32
    %mul3A_423 = vector.broadcast %mul3A_422 : f32 to vector<512x1xf32>
    %mul3A_424 = arith.mulf %mul3A_423, %broadcast_in_dim3A_43 : vector<512x1xf32>
    %sub3A_425 = arith.subf %add3A_421, %mul3A_424 : vector<512x1xf32>
    %max3A_426 = arith.constant 0.000000e+00 : f32
    %max3A_427 = vector.broadcast %max3A_426 : f32 to vector<512x1xf32>
    %max3A_428 = arith.maximumf %sub3A_425, %max3A_427 : vector<512x1xf32>
    %sqrt3A_429 = math.sqrt %max3A_428 : vector<512x1xf32>
    %max3A_430 = arith.constant 9.99999993E-9 : f32
    %max3A_431 = vector.broadcast %max3A_430 : f32 to vector<512x1xf32>
    %max3A_432 = arith.maximumf %sqrt3A_429, %max3A_431 : vector<512x1xf32>
    %add3A_433 = vector.broadcast %dot_general3A_381 : vector<1x128xf32> to vector<512x128xf32>
    %add3A_434 = vector.broadcast %broadcast_in_dim3A_31 : vector<512x1xf32> to vector<512x128xf32>
    %add3A_435 = arith.addf %add3A_433, %add3A_434 : vector<512x128xf32>
    %mul3A_436 = arith.constant 2.000000e+00 : f32
    %mul3A_437 = vector.broadcast %mul3A_436 : f32 to vector<512x128xf32>
    %mul3A_438 = arith.mulf %mul3A_437, %dot_general3A_378 : vector<512x128xf32>
    %sub3A_439 = arith.subf %add3A_435, %mul3A_438 : vector<512x128xf32>
    %max3A_440 = arith.constant 9.99999996E-13 : f32
    %max3A_441 = vector.broadcast %max3A_440 : f32 to vector<512x128xf32>
    %max3A_442 = arith.maximumf %sub3A_439, %max3A_441 : vector<512x128xf32>
    %sqrt3A_443 = math.sqrt %max3A_442 : vector<512x128xf32>
    %max3A_444 = arith.constant 9.99999993E-9 : f32
    %max3A_445 = vector.broadcast %max3A_444 : f32 to vector<512x128xf32>
    %max3A_446 = arith.maximumf %sqrt3A_443, %max3A_445 : vector<512x128xf32>
    %mul3A_447 = vector.broadcast %max3A_432 : vector<512x1xf32> to vector<512x128xf32>
    %mul3A_448 = arith.mulf %mul3A_447, %max3A_446 : vector<512x128xf32>
    %div3A_449 = arith.divf %add3A_420, %mul3A_448 : vector<512x128xf32>
    %sub3A_450 = vector.broadcast %broadcast_in_dim3A_43 : vector<512x1xf32> to vector<512x128xf32>
    %sub3A_451 = arith.subf %sub3A_450, %dot_general3A_378 : vector<512x128xf32>
    %sub3A_452 = arith.subf %sub3A_451, %dot_general3A_376 : vector<512x128xf32>
    %add3A_453 = vector.broadcast %dot_general3A_381 : vector<1x128xf32> to vector<512x128xf32>
    %add3A_454 = arith.addf %sub3A_452, %add3A_453 : vector<512x128xf32>
    %add3A_455 = vector.broadcast %dot_general3A_49 : vector<512x1xf32> to vector<512x128xf32>
    %add3A_456 = vector.broadcast %dot_general3A_381 : vector<1x128xf32> to vector<512x128xf32>
    %add3A_457 = arith.addf %add3A_455, %add3A_456 : vector<512x128xf32>
    %mul3A_458 = arith.constant 2.000000e+00 : f32
    %mul3A_459 = vector.broadcast %mul3A_458 : f32 to vector<512x128xf32>
    %mul3A_460 = arith.mulf %mul3A_459, %dot_general3A_376 : vector<512x128xf32>
    %sub3A_461 = arith.subf %add3A_457, %mul3A_460 : vector<512x128xf32>
    %max3A_462 = arith.constant 0.000000e+00 : f32
    %max3A_463 = vector.broadcast %max3A_462 : f32 to vector<512x128xf32>
    %max3A_464 = arith.maximumf %sub3A_461, %max3A_463 : vector<512x128xf32>
    %sqrt3A_465 = math.sqrt %max3A_464 : vector<512x128xf32>
    %max3A_466 = arith.constant 9.99999993E-9 : f32
    %max3A_467 = vector.broadcast %max3A_466 : f32 to vector<512x128xf32>
    %max3A_468 = arith.maximumf %sqrt3A_465, %max3A_467 : vector<512x128xf32>
    %add3A_469 = vector.broadcast %broadcast_in_dim3A_31 : vector<512x1xf32> to vector<512x128xf32>
    %add3A_470 = vector.broadcast %dot_general3A_381 : vector<1x128xf32> to vector<512x128xf32>
    %add3A_471 = arith.addf %add3A_469, %add3A_470 : vector<512x128xf32>
    %mul3A_472 = arith.constant 2.000000e+00 : f32
    %mul3A_473 = vector.broadcast %mul3A_472 : f32 to vector<512x128xf32>
    %mul3A_474 = arith.mulf %mul3A_473, %dot_general3A_378 : vector<512x128xf32>
    %sub3A_475 = arith.subf %add3A_471, %mul3A_474 : vector<512x128xf32>
    %max3A_476 = arith.constant 9.99999996E-13 : f32
    %max3A_477 = vector.broadcast %max3A_476 : f32 to vector<512x128xf32>
    %max3A_478 = arith.maximumf %sub3A_475, %max3A_477 : vector<512x128xf32>
    %sqrt3A_479 = math.sqrt %max3A_478 : vector<512x128xf32>
    %max3A_480 = arith.constant 9.99999993E-9 : f32
    %max3A_481 = vector.broadcast %max3A_480 : f32 to vector<512x128xf32>
    %max3A_482 = arith.maximumf %sqrt3A_479, %max3A_481 : vector<512x128xf32>
    %mul3A_483 = arith.mulf %max3A_468, %max3A_482 : vector<512x128xf32>
    %div3A_484 = arith.divf %add3A_454, %mul3A_483 : vector<512x128xf32>
    %get3A_485 = arith.constant 1 : index
    %get3A_486 = arith.constant 0 : index
    %get3A_487 = arith.constant 0 : index
    %get3A_488 = arith.constant 0 : index
    %get3A_489 = vector.load %arg4[%get3A_485, %get3A_486, %get3A_487, %get3A_488] : memref<3x1x128x1024xf32, #tpu.memory_space<vmem>>, vector<1x1x128x1024xf32>
    %get3A_490 = vector.shape_cast %get3A_489 : vector<1x1x128x1024xf32> to vector<128x1024xf32>
    %dot_general3A_491 = arith.constant dense<0.000000e+00> : vector<128x128xf32>
    %dot_general3A_492 = tpu.matmul %get3A_54, %get3A_490, %dot_general3A_491 {dimension_numbers = #tpu.dot_dimension_numbers<[1], [1], [0], [0], [0, 0, 1, 0], [], []>, transpose_lhs_hint = false} : vector<128x1024xf32>, vector<128x1024xf32>, vector<128x128xf32> -> vector<128x128xf32>
    %dot_general3A_493 = arith.constant dense<0.000000e+00> : vector<512x128xf32>
    %dot_general3A_494 = tpu.matmul %convert_element_type3A_24, %dot_general3A_492, %dot_general3A_493 {dimension_numbers = #tpu.dot_dimension_numbers<[1], [0], [0], [1], [0, 0, 1, 1], [], []>, transpose_lhs_hint = false} : vector<512x128xf32>, vector<128x128xf32>, vector<512x128xf32> -> vector<512x128xf32>
    %dot_general3A_495 = arith.constant dense<0.000000e+00> : vector<512x128xf32>
    %dot_general3A_496 = tpu.matmul %get3A_29, %get3A_490, %dot_general3A_495 {dimension_numbers = #tpu.dot_dimension_numbers<[1], [1], [0], [0], [0, 0, 1, 0], [], []>, transpose_lhs_hint = false} : vector<512x1024xf32>, vector<128x1024xf32>, vector<512x128xf32> -> vector<512x128xf32>
    %mul3A_497 = arith.mulf %get3A_490, %get3A_490 : vector<128x1024xf32>
    %dot_general3A_498 = arith.constant dense<0.000000e+00> : vector<1x128xf32>
    %dot_general3A_499 = tpu.matmul %broadcast_in_dim3A_25, %mul3A_497, %dot_general3A_498 {dimension_numbers = #tpu.dot_dimension_numbers<[1], [1], [0], [0], [0, 0, 1, 0], [], []>, transpose_lhs_hint = false} : vector<1x1024xf32>, vector<128x1024xf32>, vector<1x128xf32> -> vector<1x128xf32>
    %sub3A_500 = arith.subf %dot_general3A_496, %dot_general3A_494 : vector<512x128xf32>
    %sub3A_501 = vector.broadcast %broadcast_in_dim3A_62 : vector<512x1xf32> to vector<512x128xf32>
    %sub3A_502 = arith.subf %sub3A_500, %sub3A_501 : vector<512x128xf32>
    %add3A_503 = vector.broadcast %dot_general3A_68 : vector<512x1xf32> to vector<512x128xf32>
    %add3A_504 = arith.addf %sub3A_502, %add3A_503 : vector<512x128xf32>
    %add3A_505 = vector.broadcast %dot_general3A_499 : vector<1x128xf32> to vector<512x128xf32>
    %add3A_506 = vector.broadcast %dot_general3A_68 : vector<512x1xf32> to vector<512x128xf32>
    %add3A_507 = arith.addf %add3A_505, %add3A_506 : vector<512x128xf32>
    %mul3A_508 = arith.constant 2.000000e+00 : f32
    %mul3A_509 = vector.broadcast %mul3A_508 : f32 to vector<512x128xf32>
    %mul3A_510 = arith.mulf %mul3A_509, %dot_general3A_494 : vector<512x128xf32>
    %sub3A_511 = arith.subf %add3A_507, %mul3A_510 : vector<512x128xf32>
    %max3A_512 = arith.constant 0.000000e+00 : f32
    %max3A_513 = vector.broadcast %max3A_512 : f32 to vector<512x128xf32>
    %max3A_514 = arith.maximumf %sub3A_511, %max3A_513 : vector<512x128xf32>
    %sqrt3A_515 = math.sqrt %max3A_514 : vector<512x128xf32>
    %max3A_516 = arith.constant 9.99999993E-9 : f32
    %max3A_517 = vector.broadcast %max3A_516 : f32 to vector<512x128xf32>
    %max3A_518 = arith.maximumf %sqrt3A_515, %max3A_517 : vector<512x128xf32>
    %add3A_519 = arith.addf %broadcast_in_dim3A_31, %dot_general3A_68 : vector<512x1xf32>
    %mul3A_520 = arith.constant 2.000000e+00 : f32
    %mul3A_521 = vector.broadcast %mul3A_520 : f32 to vector<512x1xf32>
    %mul3A_522 = arith.mulf %mul3A_521, %broadcast_in_dim3A_62 : vector<512x1xf32>
    %sub3A_523 = arith.subf %add3A_519, %mul3A_522 : vector<512x1xf32>
    %max3A_524 = arith.constant 0.000000e+00 : f32
    %max3A_525 = vector.broadcast %max3A_524 : f32 to vector<512x1xf32>
    %max3A_526 = arith.maximumf %sub3A_523, %max3A_525 : vector<512x1xf32>
    %sqrt3A_527 = math.sqrt %max3A_526 : vector<512x1xf32>
    %max3A_528 = arith.constant 9.99999993E-9 : f32
    %max3A_529 = vector.broadcast %max3A_528 : f32 to vector<512x1xf32>
    %max3A_530 = arith.maximumf %sqrt3A_527, %max3A_529 : vector<512x1xf32>
    %mul3A_531 = vector.broadcast %max3A_530 : vector<512x1xf32> to vector<512x128xf32>
    %mul3A_532 = arith.mulf %max3A_518, %mul3A_531 : vector<512x128xf32>
    %div3A_533 = arith.divf %add3A_504, %mul3A_532 : vector<512x128xf32>
    %sub3A_534 = arith.subf %dot_general3A_494, %dot_general3A_496 : vector<512x128xf32>
    %sub3A_535 = vector.broadcast %broadcast_in_dim3A_62 : vector<512x1xf32> to vector<512x128xf32>
    %sub3A_536 = arith.subf %sub3A_534, %sub3A_535 : vector<512x128xf32>
    %add3A_537 = vector.broadcast %broadcast_in_dim3A_31 : vector<512x1xf32> to vector<512x128xf32>
    %add3A_538 = arith.addf %sub3A_536, %add3A_537 : vector<512x128xf32>
    %add3A_539 = arith.addf %dot_general3A_68, %broadcast_in_dim3A_31 : vector<512x1xf32>
    %mul3A_540 = arith.constant 2.000000e+00 : f32
    %mul3A_541 = vector.broadcast %mul3A_540 : f32 to vector<512x1xf32>
    %mul3A_542 = arith.mulf %mul3A_541, %broadcast_in_dim3A_62 : vector<512x1xf32>
    %sub3A_543 = arith.subf %add3A_539, %mul3A_542 : vector<512x1xf32>
    %max3A_544 = arith.constant 0.000000e+00 : f32
    %max3A_545 = vector.broadcast %max3A_544 : f32 to vector<512x1xf32>
    %max3A_546 = arith.maximumf %sub3A_543, %max3A_545 : vector<512x1xf32>
    %sqrt3A_547 = math.sqrt %max3A_546 : vector<512x1xf32>
    %max3A_548 = arith.constant 9.99999993E-9 : f32
    %max3A_549 = vector.broadcast %max3A_548 : f32 to vector<512x1xf32>
    %max3A_550 = arith.maximumf %sqrt3A_547, %max3A_549 : vector<512x1xf32>
    %add3A_551 = vector.broadcast %dot_general3A_499 : vector<1x128xf32> to vector<512x128xf32>
    %add3A_552 = vector.broadcast %broadcast_in_dim3A_31 : vector<512x1xf32> to vector<512x128xf32>
    %add3A_553 = arith.addf %add3A_551, %add3A_552 : vector<512x128xf32>
    %mul3A_554 = arith.constant 2.000000e+00 : f32
    %mul3A_555 = vector.broadcast %mul3A_554 : f32 to vector<512x128xf32>
    %mul3A_556 = arith.mulf %mul3A_555, %dot_general3A_496 : vector<512x128xf32>
    %sub3A_557 = arith.subf %add3A_553, %mul3A_556 : vector<512x128xf32>
    %max3A_558 = arith.constant 9.99999996E-13 : f32
    %max3A_559 = vector.broadcast %max3A_558 : f32 to vector<512x128xf32>
    %max3A_560 = arith.maximumf %sub3A_557, %max3A_559 : vector<512x128xf32>
    %sqrt3A_561 = math.sqrt %max3A_560 : vector<512x128xf32>
    %max3A_562 = arith.constant 9.99999993E-9 : f32
    %max3A_563 = vector.broadcast %max3A_562 : f32 to vector<512x128xf32>
    %max3A_564 = arith.maximumf %sqrt3A_561, %max3A_563 : vector<512x128xf32>
    %mul3A_565 = vector.broadcast %max3A_550 : vector<512x1xf32> to vector<512x128xf32>
    %mul3A_566 = arith.mulf %mul3A_565, %max3A_564 : vector<512x128xf32>
    %div3A_567 = arith.divf %add3A_538, %mul3A_566 : vector<512x128xf32>
    %sub3A_568 = vector.broadcast %broadcast_in_dim3A_62 : vector<512x1xf32> to vector<512x128xf32>
    %sub3A_569 = arith.subf %sub3A_568, %dot_general3A_496 : vector<512x128xf32>
    %sub3A_570 = arith.subf %sub3A_569, %dot_general3A_494 : vector<512x128xf32>
    %add3A_571 = vector.broadcast %dot_general3A_499 : vector<1x128xf32> to vector<512x128xf32>
    %add3A_572 = arith.addf %sub3A_570, %add3A_571 : vector<512x128xf32>
    %add3A_573 = vector.broadcast %dot_general3A_68 : vector<512x1xf32> to vector<512x128xf32>
    %add3A_574 = vector.broadcast %dot_general3A_499 : vector<1x128xf32> to vector<512x128xf32>
    %add3A_575 = arith.addf %add3A_573, %add3A_574 : vector<512x128xf32>
    %mul3A_576 = arith.constant 2.000000e+00 : f32
    %mul3A_577 = vector.broadcast %mul3A_576 : f32 to vector<512x128xf32>
    %mul3A_578 = arith.mulf %mul3A_577, %dot_general3A_494 : vector<512x128xf32>
    %sub3A_579 = arith.subf %add3A_575, %mul3A_578 : vector<512x128xf32>
    %max3A_580 = arith.constant 0.000000e+00 : f32
    %max3A_581 = vector.broadcast %max3A_580 : f32 to vector<512x128xf32>
    %max3A_582 = arith.maximumf %sub3A_579, %max3A_581 : vector<512x128xf32>
    %sqrt3A_583 = math.sqrt %max3A_582 : vector<512x128xf32>
    %max3A_584 = arith.constant 9.99999993E-9 : f32
    %max3A_585 = vector.broadcast %max3A_584 : f32 to vector<512x128xf32>
    %max3A_586 = arith.maximumf %sqrt3A_583, %max3A_585 : vector<512x128xf32>
    %add3A_587 = vector.broadcast %broadcast_in_dim3A_31 : vector<512x1xf32> to vector<512x128xf32>
    %add3A_588 = vector.broadcast %dot_general3A_499 : vector<1x128xf32> to vector<512x128xf32>
    %add3A_589 = arith.addf %add3A_587, %add3A_588 : vector<512x128xf32>
    %mul3A_590 = arith.constant 2.000000e+00 : f32
    %mul3A_591 = vector.broadcast %mul3A_590 : f32 to vector<512x128xf32>
    %mul3A_592 = arith.mulf %mul3A_591, %dot_general3A_496 : vector<512x128xf32>
    %sub3A_593 = arith.subf %add3A_589, %mul3A_592 : vector<512x128xf32>
    %max3A_594 = arith.constant 9.99999996E-13 : f32
    %max3A_595 = vector.broadcast %max3A_594 : f32 to vector<512x128xf32>
    %max3A_596 = arith.maximumf %sub3A_593, %max3A_595 : vector<512x128xf32>
    %sqrt3A_597 = math.sqrt %max3A_596 : vector<512x128xf32>
    %max3A_598 = arith.constant 9.99999993E-9 : f32
    %max3A_599 = vector.broadcast %max3A_598 : f32 to vector<512x128xf32>
    %max3A_600 = arith.maximumf %sqrt3A_597, %max3A_599 : vector<512x128xf32>
    %mul3A_601 = arith.mulf %max3A_586, %max3A_600 : vector<512x128xf32>
    %div3A_602 = arith.divf %add3A_572, %mul3A_601 : vector<512x128xf32>
    %sub3A_603 = arith.subf %div3A_533, %div3A_415 : vector<512x128xf32>
    %abs3A_604 = math.absf %sub3A_603 : vector<512x128xf32>
    %le3A_605 = arith.constant 1.000000e+00 : f32
    %le3A_606 = vector.broadcast %le3A_605 : f32 to vector<512x128xf32>
    %le3A_607 = arith.cmpf ole, %abs3A_604, %le3A_606 : vector<512x128xf32>
    %mul3A_608 = arith.constant 5.000000e-01 : f32
    %mul3A_609 = vector.broadcast %mul3A_608 : f32 to vector<512x128xf32>
    %mul3A_610 = arith.mulf %mul3A_609, %sub3A_603 : vector<512x128xf32>
    %mul3A_611 = arith.mulf %mul3A_610, %sub3A_603 : vector<512x128xf32>
    %sub3A_612 = arith.constant 5.000000e-01 : f32
    %sub3A_613 = vector.broadcast %sub3A_612 : f32 to vector<512x128xf32>
    %sub3A_614 = arith.subf %abs3A_604, %sub3A_613 : vector<512x128xf32>
    %mul3A_615 = arith.constant 1.000000e+00 : f32
    %mul3A_616 = vector.broadcast %mul3A_615 : f32 to vector<512x128xf32>
    %mul3A_617 = arith.mulf %mul3A_616, %sub3A_614 : vector<512x128xf32>
    %select_n3A_618 = arith.select %le3A_607, %mul3A_611, %mul3A_617 : vector<512x128xi1>, vector<512x128xf32>
    %reduce_sum3A_619 = vector.shape_cast %select_n3A_618 : vector<512x128xf32> to vector<1x512x128xf32>
    %reduce_sum3A_620 = arith.constant dense<0.000000e+00> : vector<1xf32>
    %reduce_sum3A_621 = vector.multi_reduction <add>, %reduce_sum3A_619, %reduce_sum3A_620 [1, 2] : vector<1x512x128xf32> to vector<1xf32>
    %reduce_sum3A_622 = vector.shape_cast %reduce_sum3A_621 : vector<1xf32> to vector<1x1x1xf32>
    %reduce_sum3A_623 = vector.extract %reduce_sum3A_622[0, 0, 0] : f32 from vector<1x1x1xf32>
    %add3A_624 = arith.addf %add3A_366, %reduce_sum3A_623 : f32
    %sub3A_625 = arith.subf %div3A_567, %div3A_449 : vector<512x128xf32>
    %abs3A_626 = math.absf %sub3A_625 : vector<512x128xf32>
    %le3A_627 = arith.constant 1.000000e+00 : f32
    %le3A_628 = vector.broadcast %le3A_627 : f32 to vector<512x128xf32>
    %le3A_629 = arith.cmpf ole, %abs3A_626, %le3A_628 : vector<512x128xf32>
    %mul3A_630 = arith.constant 5.000000e-01 : f32
    %mul3A_631 = vector.broadcast %mul3A_630 : f32 to vector<512x128xf32>
    %mul3A_632 = arith.mulf %mul3A_631, %sub3A_625 : vector<512x128xf32>
    %mul3A_633 = arith.mulf %mul3A_632, %sub3A_625 : vector<512x128xf32>
    %sub3A_634 = arith.constant 5.000000e-01 : f32
    %sub3A_635 = vector.broadcast %sub3A_634 : f32 to vector<512x128xf32>
    %sub3A_636 = arith.subf %abs3A_626, %sub3A_635 : vector<512x128xf32>
    %mul3A_637 = arith.constant 1.000000e+00 : f32
    %mul3A_638 = vector.broadcast %mul3A_637 : f32 to vector<512x128xf32>
    %mul3A_639 = arith.mulf %mul3A_638, %sub3A_636 : vector<512x128xf32>
    %select_n3A_640 = arith.select %le3A_629, %mul3A_633, %mul3A_639 : vector<512x128xi1>, vector<512x128xf32>
    %reduce_sum3A_641 = vector.shape_cast %select_n3A_640 : vector<512x128xf32> to vector<1x512x128xf32>
    %reduce_sum3A_642 = arith.constant dense<0.000000e+00> : vector<1xf32>
    %reduce_sum3A_643 = vector.multi_reduction <add>, %reduce_sum3A_641, %reduce_sum3A_642 [1, 2] : vector<1x512x128xf32> to vector<1xf32>
    %reduce_sum3A_644 = vector.shape_cast %reduce_sum3A_643 : vector<1xf32> to vector<1x1x1xf32>
    %reduce_sum3A_645 = vector.extract %reduce_sum3A_644[0, 0, 0] : f32 from vector<1x1x1xf32>
    %add3A_646 = arith.addf %add3A_624, %reduce_sum3A_645 : f32
    %sub3A_647 = arith.subf %div3A_602, %div3A_484 : vector<512x128xf32>
    %abs3A_648 = math.absf %sub3A_647 : vector<512x128xf32>
    %le3A_649 = arith.constant 1.000000e+00 : f32
    %le3A_650 = vector.broadcast %le3A_649 : f32 to vector<512x128xf32>
    %le3A_651 = arith.cmpf ole, %abs3A_648, %le3A_650 : vector<512x128xf32>
    %mul3A_652 = arith.constant 5.000000e-01 : f32
    %mul3A_653 = vector.broadcast %mul3A_652 : f32 to vector<512x128xf32>
    %mul3A_654 = arith.mulf %mul3A_653, %sub3A_647 : vector<512x128xf32>
    %mul3A_655 = arith.mulf %mul3A_654, %sub3A_647 : vector<512x128xf32>
    %sub3A_656 = arith.constant 5.000000e-01 : f32
    %sub3A_657 = vector.broadcast %sub3A_656 : f32 to vector<512x128xf32>
    %sub3A_658 = arith.subf %abs3A_648, %sub3A_657 : vector<512x128xf32>
    %mul3A_659 = arith.constant 1.000000e+00 : f32
    %mul3A_660 = vector.broadcast %mul3A_659 : f32 to vector<512x128xf32>
    %mul3A_661 = arith.mulf %mul3A_660, %sub3A_658 : vector<512x128xf32>
    %select_n3A_662 = arith.select %le3A_651, %mul3A_655, %mul3A_661 : vector<512x128xi1>, vector<512x128xf32>
    %reduce_sum3A_663 = vector.shape_cast %select_n3A_662 : vector<512x128xf32> to vector<1x512x128xf32>
    %reduce_sum3A_664 = arith.constant dense<0.000000e+00> : vector<1xf32>
    %reduce_sum3A_665 = vector.multi_reduction <add>, %reduce_sum3A_663, %reduce_sum3A_664 [1, 2] : vector<1x512x128xf32> to vector<1xf32>
    %reduce_sum3A_666 = vector.shape_cast %reduce_sum3A_665 : vector<1xf32> to vector<1x1x1xf32>
    %reduce_sum3A_667 = vector.extract %reduce_sum3A_666[0, 0, 0] : f32 from vector<1x1x1xf32>
    %add3A_668 = arith.addf %add3A_646, %reduce_sum3A_667 : f32
    %get3A_669 = arith.constant 2 : index
    %get3A_670 = arith.constant 0 : index
    %get3A_671 = arith.constant 0 : index
    %get3A_672 = arith.constant 0 : index
    %get3A_673 = vector.load %arg3[%get3A_669, %get3A_670, %get3A_671, %get3A_672] : memref<3x1x128x1024xf32, #tpu.memory_space<vmem>>, vector<1x1x128x1024xf32>
    %get3A_674 = vector.shape_cast %get3A_673 : vector<1x1x128x1024xf32> to vector<128x1024xf32>
    %dot_general3A_675 = arith.constant dense<0.000000e+00> : vector<128x128xf32>
    %dot_general3A_676 = tpu.matmul %get3A_36, %get3A_674, %dot_general3A_675 {dimension_numbers = #tpu.dot_dimension_numbers<[1], [1], [0], [0], [0, 0, 1, 0], [], []>, transpose_lhs_hint = false} : vector<128x1024xf32>, vector<128x1024xf32>, vector<128x128xf32> -> vector<128x128xf32>
    %dot_general3A_677 = arith.constant dense<0.000000e+00> : vector<512x128xf32>
    %dot_general3A_678 = tpu.matmul %convert_element_type3A_24, %dot_general3A_676, %dot_general3A_677 {dimension_numbers = #tpu.dot_dimension_numbers<[1], [0], [0], [1], [0, 0, 1, 1], [], []>, transpose_lhs_hint = false} : vector<512x128xf32>, vector<128x128xf32>, vector<512x128xf32> -> vector<512x128xf32>
    %dot_general3A_679 = arith.constant dense<0.000000e+00> : vector<512x128xf32>
    %dot_general3A_680 = tpu.matmul %get3A_29, %get3A_674, %dot_general3A_679 {dimension_numbers = #tpu.dot_dimension_numbers<[1], [1], [0], [0], [0, 0, 1, 0], [], []>, transpose_lhs_hint = false} : vector<512x1024xf32>, vector<128x1024xf32>, vector<512x128xf32> -> vector<512x128xf32>
    %mul3A_681 = arith.mulf %get3A_674, %get3A_674 : vector<128x1024xf32>
    %dot_general3A_682 = arith.constant dense<0.000000e+00> : vector<1x128xf32>
    %dot_general3A_683 = tpu.matmul %broadcast_in_dim3A_25, %mul3A_681, %dot_general3A_682 {dimension_numbers = #tpu.dot_dimension_numbers<[1], [1], [0], [0], [0, 0, 1, 0], [], []>, transpose_lhs_hint = false} : vector<1x1024xf32>, vector<128x1024xf32>, vector<1x128xf32> -> vector<1x128xf32>
    %sub3A_684 = arith.subf %dot_general3A_680, %dot_general3A_678 : vector<512x128xf32>
    %sub3A_685 = vector.broadcast %broadcast_in_dim3A_43 : vector<512x1xf32> to vector<512x128xf32>
    %sub3A_686 = arith.subf %sub3A_684, %sub3A_685 : vector<512x128xf32>
    %add3A_687 = vector.broadcast %dot_general3A_49 : vector<512x1xf32> to vector<512x128xf32>
    %add3A_688 = arith.addf %sub3A_686, %add3A_687 : vector<512x128xf32>
    %add3A_689 = vector.broadcast %dot_general3A_683 : vector<1x128xf32> to vector<512x128xf32>
    %add3A_690 = vector.broadcast %dot_general3A_49 : vector<512x1xf32> to vector<512x128xf32>
    %add3A_691 = arith.addf %add3A_689, %add3A_690 : vector<512x128xf32>
    %mul3A_692 = arith.constant 2.000000e+00 : f32
    %mul3A_693 = vector.broadcast %mul3A_692 : f32 to vector<512x128xf32>
    %mul3A_694 = arith.mulf %mul3A_693, %dot_general3A_678 : vector<512x128xf32>
    %sub3A_695 = arith.subf %add3A_691, %mul3A_694 : vector<512x128xf32>
    %max3A_696 = arith.constant 0.000000e+00 : f32
    %max3A_697 = vector.broadcast %max3A_696 : f32 to vector<512x128xf32>
    %max3A_698 = arith.maximumf %sub3A_695, %max3A_697 : vector<512x128xf32>
    %sqrt3A_699 = math.sqrt %max3A_698 : vector<512x128xf32>
    %max3A_700 = arith.constant 9.99999993E-9 : f32
    %max3A_701 = vector.broadcast %max3A_700 : f32 to vector<512x128xf32>
    %max3A_702 = arith.maximumf %sqrt3A_699, %max3A_701 : vector<512x128xf32>
    %add3A_703 = arith.addf %broadcast_in_dim3A_31, %dot_general3A_49 : vector<512x1xf32>
    %mul3A_704 = arith.constant 2.000000e+00 : f32
    %mul3A_705 = vector.broadcast %mul3A_704 : f32 to vector<512x1xf32>
    %mul3A_706 = arith.mulf %mul3A_705, %broadcast_in_dim3A_43 : vector<512x1xf32>
    %sub3A_707 = arith.subf %add3A_703, %mul3A_706 : vector<512x1xf32>
    %max3A_708 = arith.constant 0.000000e+00 : f32
    %max3A_709 = vector.broadcast %max3A_708 : f32 to vector<512x1xf32>
    %max3A_710 = arith.maximumf %sub3A_707, %max3A_709 : vector<512x1xf32>
    %sqrt3A_711 = math.sqrt %max3A_710 : vector<512x1xf32>
    %max3A_712 = arith.constant 9.99999993E-9 : f32
    %max3A_713 = vector.broadcast %max3A_712 : f32 to vector<512x1xf32>
    %max3A_714 = arith.maximumf %sqrt3A_711, %max3A_713 : vector<512x1xf32>
    %mul3A_715 = vector.broadcast %max3A_714 : vector<512x1xf32> to vector<512x128xf32>
    %mul3A_716 = arith.mulf %max3A_702, %mul3A_715 : vector<512x128xf32>
    %div3A_717 = arith.divf %add3A_688, %mul3A_716 : vector<512x128xf32>
    %sub3A_718 = arith.subf %dot_general3A_678, %dot_general3A_680 : vector<512x128xf32>
    %sub3A_719 = vector.broadcast %broadcast_in_dim3A_43 : vector<512x1xf32> to vector<512x128xf32>
    %sub3A_720 = arith.subf %sub3A_718, %sub3A_719 : vector<512x128xf32>
    %add3A_721 = vector.broadcast %broadcast_in_dim3A_31 : vector<512x1xf32> to vector<512x128xf32>
    %add3A_722 = arith.addf %sub3A_720, %add3A_721 : vector<512x128xf32>
    %add3A_723 = arith.addf %dot_general3A_49, %broadcast_in_dim3A_31 : vector<512x1xf32>
    %mul3A_724 = arith.constant 2.000000e+00 : f32
    %mul3A_725 = vector.broadcast %mul3A_724 : f32 to vector<512x1xf32>
    %mul3A_726 = arith.mulf %mul3A_725, %broadcast_in_dim3A_43 : vector<512x1xf32>
    %sub3A_727 = arith.subf %add3A_723, %mul3A_726 : vector<512x1xf32>
    %max3A_728 = arith.constant 0.000000e+00 : f32
    %max3A_729 = vector.broadcast %max3A_728 : f32 to vector<512x1xf32>
    %max3A_730 = arith.maximumf %sub3A_727, %max3A_729 : vector<512x1xf32>
    %sqrt3A_731 = math.sqrt %max3A_730 : vector<512x1xf32>
    %max3A_732 = arith.constant 9.99999993E-9 : f32
    %max3A_733 = vector.broadcast %max3A_732 : f32 to vector<512x1xf32>
    %max3A_734 = arith.maximumf %sqrt3A_731, %max3A_733 : vector<512x1xf32>
    %add3A_735 = vector.broadcast %dot_general3A_683 : vector<1x128xf32> to vector<512x128xf32>
    %add3A_736 = vector.broadcast %broadcast_in_dim3A_31 : vector<512x1xf32> to vector<512x128xf32>
    %add3A_737 = arith.addf %add3A_735, %add3A_736 : vector<512x128xf32>
    %mul3A_738 = arith.constant 2.000000e+00 : f32
    %mul3A_739 = vector.broadcast %mul3A_738 : f32 to vector<512x128xf32>
    %mul3A_740 = arith.mulf %mul3A_739, %dot_general3A_680 : vector<512x128xf32>
    %sub3A_741 = arith.subf %add3A_737, %mul3A_740 : vector<512x128xf32>
    %max3A_742 = arith.constant 9.99999996E-13 : f32
    %max3A_743 = vector.broadcast %max3A_742 : f32 to vector<512x128xf32>
    %max3A_744 = arith.maximumf %sub3A_741, %max3A_743 : vector<512x128xf32>
    %sqrt3A_745 = math.sqrt %max3A_744 : vector<512x128xf32>
    %max3A_746 = arith.constant 9.99999993E-9 : f32
    %max3A_747 = vector.broadcast %max3A_746 : f32 to vector<512x128xf32>
    %max3A_748 = arith.maximumf %sqrt3A_745, %max3A_747 : vector<512x128xf32>
    %mul3A_749 = vector.broadcast %max3A_734 : vector<512x1xf32> to vector<512x128xf32>
    %mul3A_750 = arith.mulf %mul3A_749, %max3A_748 : vector<512x128xf32>
    %div3A_751 = arith.divf %add3A_722, %mul3A_750 : vector<512x128xf32>
    %sub3A_752 = vector.broadcast %broadcast_in_dim3A_43 : vector<512x1xf32> to vector<512x128xf32>
    %sub3A_753 = arith.subf %sub3A_752, %dot_general3A_680 : vector<512x128xf32>
    %sub3A_754 = arith.subf %sub3A_753, %dot_general3A_678 : vector<512x128xf32>
    %add3A_755 = vector.broadcast %dot_general3A_683 : vector<1x128xf32> to vector<512x128xf32>
    %add3A_756 = arith.addf %sub3A_754, %add3A_755 : vector<512x128xf32>
    %add3A_757 = vector.broadcast %dot_general3A_49 : vector<512x1xf32> to vector<512x128xf32>
    %add3A_758 = vector.broadcast %dot_general3A_683 : vector<1x128xf32> to vector<512x128xf32>
    %add3A_759 = arith.addf %add3A_757, %add3A_758 : vector<512x128xf32>
    %mul3A_760 = arith.constant 2.000000e+00 : f32
    %mul3A_761 = vector.broadcast %mul3A_760 : f32 to vector<512x128xf32>
    %mul3A_762 = arith.mulf %mul3A_761, %dot_general3A_678 : vector<512x128xf32>
    %sub3A_763 = arith.subf %add3A_759, %mul3A_762 : vector<512x128xf32>
    %max3A_764 = arith.constant 0.000000e+00 : f32
    %max3A_765 = vector.broadcast %max3A_764 : f32 to vector<512x128xf32>
    %max3A_766 = arith.maximumf %sub3A_763, %max3A_765 : vector<512x128xf32>
    %sqrt3A_767 = math.sqrt %max3A_766 : vector<512x128xf32>
    %max3A_768 = arith.constant 9.99999993E-9 : f32
    %max3A_769 = vector.broadcast %max3A_768 : f32 to vector<512x128xf32>
    %max3A_770 = arith.maximumf %sqrt3A_767, %max3A_769 : vector<512x128xf32>
    %add3A_771 = vector.broadcast %broadcast_in_dim3A_31 : vector<512x1xf32> to vector<512x128xf32>
    %add3A_772 = vector.broadcast %dot_general3A_683 : vector<1x128xf32> to vector<512x128xf32>
    %add3A_773 = arith.addf %add3A_771, %add3A_772 : vector<512x128xf32>
    %mul3A_774 = arith.constant 2.000000e+00 : f32
    %mul3A_775 = vector.broadcast %mul3A_774 : f32 to vector<512x128xf32>
    %mul3A_776 = arith.mulf %mul3A_775, %dot_general3A_680 : vector<512x128xf32>
    %sub3A_777 = arith.subf %add3A_773, %mul3A_776 : vector<512x128xf32>
    %max3A_778 = arith.constant 9.99999996E-13 : f32
    %max3A_779 = vector.broadcast %max3A_778 : f32 to vector<512x128xf32>
    %max3A_780 = arith.maximumf %sub3A_777, %max3A_779 : vector<512x128xf32>
    %sqrt3A_781 = math.sqrt %max3A_780 : vector<512x128xf32>
    %max3A_782 = arith.constant 9.99999993E-9 : f32
    %max3A_783 = vector.broadcast %max3A_782 : f32 to vector<512x128xf32>
    %max3A_784 = arith.maximumf %sqrt3A_781, %max3A_783 : vector<512x128xf32>
    %mul3A_785 = arith.mulf %max3A_770, %max3A_784 : vector<512x128xf32>
    %div3A_786 = arith.divf %add3A_756, %mul3A_785 : vector<512x128xf32>
    %get3A_787 = arith.constant 2 : index
    %get3A_788 = arith.constant 0 : index
    %get3A_789 = arith.constant 0 : index
    %get3A_790 = arith.constant 0 : index
    %get3A_791 = vector.load %arg4[%get3A_787, %get3A_788, %get3A_789, %get3A_790] : memref<3x1x128x1024xf32, #tpu.memory_space<vmem>>, vector<1x1x128x1024xf32>
    %get3A_792 = vector.shape_cast %get3A_791 : vector<1x1x128x1024xf32> to vector<128x1024xf32>
    %dot_general3A_793 = arith.constant dense<0.000000e+00> : vector<128x128xf32>
    %dot_general3A_794 = tpu.matmul %get3A_54, %get3A_792, %dot_general3A_793 {dimension_numbers = #tpu.dot_dimension_numbers<[1], [1], [0], [0], [0, 0, 1, 0], [], []>, transpose_lhs_hint = false} : vector<128x1024xf32>, vector<128x1024xf32>, vector<128x128xf32> -> vector<128x128xf32>
    %dot_general3A_795 = arith.constant dense<0.000000e+00> : vector<512x128xf32>
    %dot_general3A_796 = tpu.matmul %convert_element_type3A_24, %dot_general3A_794, %dot_general3A_795 {dimension_numbers = #tpu.dot_dimension_numbers<[1], [0], [0], [1], [0, 0, 1, 1], [], []>, transpose_lhs_hint = false} : vector<512x128xf32>, vector<128x128xf32>, vector<512x128xf32> -> vector<512x128xf32>
    %dot_general3A_797 = arith.constant dense<0.000000e+00> : vector<512x128xf32>
    %dot_general3A_798 = tpu.matmul %get3A_29, %get3A_792, %dot_general3A_797 {dimension_numbers = #tpu.dot_dimension_numbers<[1], [1], [0], [0], [0, 0, 1, 0], [], []>, transpose_lhs_hint = false} : vector<512x1024xf32>, vector<128x1024xf32>, vector<512x128xf32> -> vector<512x128xf32>
    %mul3A_799 = arith.mulf %get3A_792, %get3A_792 : vector<128x1024xf32>
    %dot_general3A_800 = arith.constant dense<0.000000e+00> : vector<1x128xf32>
    %dot_general3A_801 = tpu.matmul %broadcast_in_dim3A_25, %mul3A_799, %dot_general3A_800 {dimension_numbers = #tpu.dot_dimension_numbers<[1], [1], [0], [0], [0, 0, 1, 0], [], []>, transpose_lhs_hint = false} : vector<1x1024xf32>, vector<128x1024xf32>, vector<1x128xf32> -> vector<1x128xf32>
    %sub3A_802 = arith.subf %dot_general3A_798, %dot_general3A_796 : vector<512x128xf32>
    %sub3A_803 = vector.broadcast %broadcast_in_dim3A_62 : vector<512x1xf32> to vector<512x128xf32>
    %sub3A_804 = arith.subf %sub3A_802, %sub3A_803 : vector<512x128xf32>
    %add3A_805 = vector.broadcast %dot_general3A_68 : vector<512x1xf32> to vector<512x128xf32>
    %add3A_806 = arith.addf %sub3A_804, %add3A_805 : vector<512x128xf32>
    %add3A_807 = vector.broadcast %dot_general3A_801 : vector<1x128xf32> to vector<512x128xf32>
    %add3A_808 = vector.broadcast %dot_general3A_68 : vector<512x1xf32> to vector<512x128xf32>
    %add3A_809 = arith.addf %add3A_807, %add3A_808 : vector<512x128xf32>
    %mul3A_810 = arith.constant 2.000000e+00 : f32
    %mul3A_811 = vector.broadcast %mul3A_810 : f32 to vector<512x128xf32>
    %mul3A_812 = arith.mulf %mul3A_811, %dot_general3A_796 : vector<512x128xf32>
    %sub3A_813 = arith.subf %add3A_809, %mul3A_812 : vector<512x128xf32>
    %max3A_814 = arith.constant 0.000000e+00 : f32
    %max3A_815 = vector.broadcast %max3A_814 : f32 to vector<512x128xf32>
    %max3A_816 = arith.maximumf %sub3A_813, %max3A_815 : vector<512x128xf32>
    %sqrt3A_817 = math.sqrt %max3A_816 : vector<512x128xf32>
    %max3A_818 = arith.constant 9.99999993E-9 : f32
    %max3A_819 = vector.broadcast %max3A_818 : f32 to vector<512x128xf32>
    %max3A_820 = arith.maximumf %sqrt3A_817, %max3A_819 : vector<512x128xf32>
    %add3A_821 = arith.addf %broadcast_in_dim3A_31, %dot_general3A_68 : vector<512x1xf32>
    %mul3A_822 = arith.constant 2.000000e+00 : f32
    %mul3A_823 = vector.broadcast %mul3A_822 : f32 to vector<512x1xf32>
    %mul3A_824 = arith.mulf %mul3A_823, %broadcast_in_dim3A_62 : vector<512x1xf32>
    %sub3A_825 = arith.subf %add3A_821, %mul3A_824 : vector<512x1xf32>
    %max3A_826 = arith.constant 0.000000e+00 : f32
    %max3A_827 = vector.broadcast %max3A_826 : f32 to vector<512x1xf32>
    %max3A_828 = arith.maximumf %sub3A_825, %max3A_827 : vector<512x1xf32>
    %sqrt3A_829 = math.sqrt %max3A_828 : vector<512x1xf32>
    %max3A_830 = arith.constant 9.99999993E-9 : f32
    %max3A_831 = vector.broadcast %max3A_830 : f32 to vector<512x1xf32>
    %max3A_832 = arith.maximumf %sqrt3A_829, %max3A_831 : vector<512x1xf32>
    %mul3A_833 = vector.broadcast %max3A_832 : vector<512x1xf32> to vector<512x128xf32>
    %mul3A_834 = arith.mulf %max3A_820, %mul3A_833 : vector<512x128xf32>
    %div3A_835 = arith.divf %add3A_806, %mul3A_834 : vector<512x128xf32>
    %sub3A_836 = arith.subf %dot_general3A_796, %dot_general3A_798 : vector<512x128xf32>
    %sub3A_837 = vector.broadcast %broadcast_in_dim3A_62 : vector<512x1xf32> to vector<512x128xf32>
    %sub3A_838 = arith.subf %sub3A_836, %sub3A_837 : vector<512x128xf32>
    %add3A_839 = vector.broadcast %broadcast_in_dim3A_31 : vector<512x1xf32> to vector<512x128xf32>
    %add3A_840 = arith.addf %sub3A_838, %add3A_839 : vector<512x128xf32>
    %add3A_841 = arith.addf %dot_general3A_68, %broadcast_in_dim3A_31 : vector<512x1xf32>
    %mul3A_842 = arith.constant 2.000000e+00 : f32
    %mul3A_843 = vector.broadcast %mul3A_842 : f32 to vector<512x1xf32>
    %mul3A_844 = arith.mulf %mul3A_843, %broadcast_in_dim3A_62 : vector<512x1xf32>
    %sub3A_845 = arith.subf %add3A_841, %mul3A_844 : vector<512x1xf32>
    %max3A_846 = arith.constant 0.000000e+00 : f32
    %max3A_847 = vector.broadcast %max3A_846 : f32 to vector<512x1xf32>
    %max3A_848 = arith.maximumf %sub3A_845, %max3A_847 : vector<512x1xf32>
    %sqrt3A_849 = math.sqrt %max3A_848 : vector<512x1xf32>
    %max3A_850 = arith.constant 9.99999993E-9 : f32
    %max3A_851 = vector.broadcast %max3A_850 : f32 to vector<512x1xf32>
    %max3A_852 = arith.maximumf %sqrt3A_849, %max3A_851 : vector<512x1xf32>
    %add3A_853 = vector.broadcast %dot_general3A_801 : vector<1x128xf32> to vector<512x128xf32>
    %add3A_854 = vector.broadcast %broadcast_in_dim3A_31 : vector<512x1xf32> to vector<512x128xf32>
    %add3A_855 = arith.addf %add3A_853, %add3A_854 : vector<512x128xf32>
    %mul3A_856 = arith.constant 2.000000e+00 : f32
    %mul3A_857 = vector.broadcast %mul3A_856 : f32 to vector<512x128xf32>
    %mul3A_858 = arith.mulf %mul3A_857, %dot_general3A_798 : vector<512x128xf32>
    %sub3A_859 = arith.subf %add3A_855, %mul3A_858 : vector<512x128xf32>
    %max3A_860 = arith.constant 9.99999996E-13 : f32
    %max3A_861 = vector.broadcast %max3A_860 : f32 to vector<512x128xf32>
    %max3A_862 = arith.maximumf %sub3A_859, %max3A_861 : vector<512x128xf32>
    %sqrt3A_863 = math.sqrt %max3A_862 : vector<512x128xf32>
    %max3A_864 = arith.constant 9.99999993E-9 : f32
    %max3A_865 = vector.broadcast %max3A_864 : f32 to vector<512x128xf32>
    %max3A_866 = arith.maximumf %sqrt3A_863, %max3A_865 : vector<512x128xf32>
    %mul3A_867 = vector.broadcast %max3A_852 : vector<512x1xf32> to vector<512x128xf32>
    %mul3A_868 = arith.mulf %mul3A_867, %max3A_866 : vector<512x128xf32>
    %div3A_869 = arith.divf %add3A_840, %mul3A_868 : vector<512x128xf32>
    %sub3A_870 = vector.broadcast %broadcast_in_dim3A_62 : vector<512x1xf32> to vector<512x128xf32>
    %sub3A_871 = arith.subf %sub3A_870, %dot_general3A_798 : vector<512x128xf32>
    %sub3A_872 = arith.subf %sub3A_871, %dot_general3A_796 : vector<512x128xf32>
    %add3A_873 = vector.broadcast %dot_general3A_801 : vector<1x128xf32> to vector<512x128xf32>
    %add3A_874 = arith.addf %sub3A_872, %add3A_873 : vector<512x128xf32>
    %add3A_875 = vector.broadcast %dot_general3A_68 : vector<512x1xf32> to vector<512x128xf32>
    %add3A_876 = vector.broadcast %dot_general3A_801 : vector<1x128xf32> to vector<512x128xf32>
    %add3A_877 = arith.addf %add3A_875, %add3A_876 : vector<512x128xf32>
    %mul3A_878 = arith.constant 2.000000e+00 : f32
    %mul3A_879 = vector.broadcast %mul3A_878 : f32 to vector<512x128xf32>
    %mul3A_880 = arith.mulf %mul3A_879, %dot_general3A_796 : vector<512x128xf32>
    %sub3A_881 = arith.subf %add3A_877, %mul3A_880 : vector<512x128xf32>
    %max3A_882 = arith.constant 0.000000e+00 : f32
    %max3A_883 = vector.broadcast %max3A_882 : f32 to vector<512x128xf32>
    %max3A_884 = arith.maximumf %sub3A_881, %max3A_883 : vector<512x128xf32>
    %sqrt3A_885 = math.sqrt %max3A_884 : vector<512x128xf32>
    %max3A_886 = arith.constant 9.99999993E-9 : f32
    %max3A_887 = vector.broadcast %max3A_886 : f32 to vector<512x128xf32>
    %max3A_888 = arith.maximumf %sqrt3A_885, %max3A_887 : vector<512x128xf32>
    %add3A_889 = vector.broadcast %broadcast_in_dim3A_31 : vector<512x1xf32> to vector<512x128xf32>
    %add3A_890 = vector.broadcast %dot_general3A_801 : vector<1x128xf32> to vector<512x128xf32>
    %add3A_891 = arith.addf %add3A_889, %add3A_890 : vector<512x128xf32>
    %mul3A_892 = arith.constant 2.000000e+00 : f32
    %mul3A_893 = vector.broadcast %mul3A_892 : f32 to vector<512x128xf32>
    %mul3A_894 = arith.mulf %mul3A_893, %dot_general3A_798 : vector<512x128xf32>
    %sub3A_895 = arith.subf %add3A_891, %mul3A_894 : vector<512x128xf32>
    %max3A_896 = arith.constant 9.99999996E-13 : f32
    %max3A_897 = vector.broadcast %max3A_896 : f32 to vector<512x128xf32>
    %max3A_898 = arith.maximumf %sub3A_895, %max3A_897 : vector<512x128xf32>
    %sqrt3A_899 = math.sqrt %max3A_898 : vector<512x128xf32>
    %max3A_900 = arith.constant 9.99999993E-9 : f32
    %max3A_901 = vector.broadcast %max3A_900 : f32 to vector<512x128xf32>
    %max3A_902 = arith.maximumf %sqrt3A_899, %max3A_901 : vector<512x128xf32>
    %mul3A_903 = arith.mulf %max3A_888, %max3A_902 : vector<512x128xf32>
    %div3A_904 = arith.divf %add3A_874, %mul3A_903 : vector<512x128xf32>
    %sub3A_905 = arith.subf %div3A_835, %div3A_717 : vector<512x128xf32>
    %abs3A_906 = math.absf %sub3A_905 : vector<512x128xf32>
    %le3A_907 = arith.constant 1.000000e+00 : f32
    %le3A_908 = vector.broadcast %le3A_907 : f32 to vector<512x128xf32>
    %le3A_909 = arith.cmpf ole, %abs3A_906, %le3A_908 : vector<512x128xf32>
    %mul3A_910 = arith.constant 5.000000e-01 : f32
    %mul3A_911 = vector.broadcast %mul3A_910 : f32 to vector<512x128xf32>
    %mul3A_912 = arith.mulf %mul3A_911, %sub3A_905 : vector<512x128xf32>
    %mul3A_913 = arith.mulf %mul3A_912, %sub3A_905 : vector<512x128xf32>
    %sub3A_914 = arith.constant 5.000000e-01 : f32
    %sub3A_915 = vector.broadcast %sub3A_914 : f32 to vector<512x128xf32>
    %sub3A_916 = arith.subf %abs3A_906, %sub3A_915 : vector<512x128xf32>
    %mul3A_917 = arith.constant 1.000000e+00 : f32
    %mul3A_918 = vector.broadcast %mul3A_917 : f32 to vector<512x128xf32>
    %mul3A_919 = arith.mulf %mul3A_918, %sub3A_916 : vector<512x128xf32>
    %select_n3A_920 = arith.select %le3A_909, %mul3A_913, %mul3A_919 : vector<512x128xi1>, vector<512x128xf32>
    %reduce_sum3A_921 = vector.shape_cast %select_n3A_920 : vector<512x128xf32> to vector<1x512x128xf32>
    %reduce_sum3A_922 = arith.constant dense<0.000000e+00> : vector<1xf32>
    %reduce_sum3A_923 = vector.multi_reduction <add>, %reduce_sum3A_921, %reduce_sum3A_922 [1, 2] : vector<1x512x128xf32> to vector<1xf32>
    %reduce_sum3A_924 = vector.shape_cast %reduce_sum3A_923 : vector<1xf32> to vector<1x1x1xf32>
    %reduce_sum3A_925 = vector.extract %reduce_sum3A_924[0, 0, 0] : f32 from vector<1x1x1xf32>
    %add3A_926 = arith.addf %add3A_668, %reduce_sum3A_925 : f32
    %sub3A_927 = arith.subf %div3A_869, %div3A_751 : vector<512x128xf32>
    %abs3A_928 = math.absf %sub3A_927 : vector<512x128xf32>
    %le3A_929 = arith.constant 1.000000e+00 : f32
    %le3A_930 = vector.broadcast %le3A_929 : f32 to vector<512x128xf32>
    %le3A_931 = arith.cmpf ole, %abs3A_928, %le3A_930 : vector<512x128xf32>
    %mul3A_932 = arith.constant 5.000000e-01 : f32
    %mul3A_933 = vector.broadcast %mul3A_932 : f32 to vector<512x128xf32>
    %mul3A_934 = arith.mulf %mul3A_933, %sub3A_927 : vector<512x128xf32>
    %mul3A_935 = arith.mulf %mul3A_934, %sub3A_927 : vector<512x128xf32>
    %sub3A_936 = arith.constant 5.000000e-01 : f32
    %sub3A_937 = vector.broadcast %sub3A_936 : f32 to vector<512x128xf32>
    %sub3A_938 = arith.subf %abs3A_928, %sub3A_937 : vector<512x128xf32>
    %mul3A_939 = arith.constant 1.000000e+00 : f32
    %mul3A_940 = vector.broadcast %mul3A_939 : f32 to vector<512x128xf32>
    %mul3A_941 = arith.mulf %mul3A_940, %sub3A_938 : vector<512x128xf32>
    %select_n3A_942 = arith.select %le3A_931, %mul3A_935, %mul3A_941 : vector<512x128xi1>, vector<512x128xf32>
    %reduce_sum3A_943 = vector.shape_cast %select_n3A_942 : vector<512x128xf32> to vector<1x512x128xf32>
    %reduce_sum3A_944 = arith.constant dense<0.000000e+00> : vector<1xf32>
    %reduce_sum3A_945 = vector.multi_reduction <add>, %reduce_sum3A_943, %reduce_sum3A_944 [1, 2] : vector<1x512x128xf32> to vector<1xf32>
    %reduce_sum3A_946 = vector.shape_cast %reduce_sum3A_945 : vector<1xf32> to vector<1x1x1xf32>
    %reduce_sum3A_947 = vector.extract %reduce_sum3A_946[0, 0, 0] : f32 from vector<1x1x1xf32>
    %add3A_948 = arith.addf %add3A_926, %reduce_sum3A_947 : f32
    %sub3A_949 = arith.subf %div3A_904, %div3A_786 : vector<512x128xf32>
    %abs3A_950 = math.absf %sub3A_949 : vector<512x128xf32>
    %le3A_951 = arith.constant 1.000000e+00 : f32
    %le3A_952 = vector.broadcast %le3A_951 : f32 to vector<512x128xf32>
    %le3A_953 = arith.cmpf ole, %abs3A_950, %le3A_952 : vector<512x128xf32>
    %mul3A_954 = arith.constant 5.000000e-01 : f32
    %mul3A_955 = vector.broadcast %mul3A_954 : f32 to vector<512x128xf32>
    %mul3A_956 = arith.mulf %mul3A_955, %sub3A_949 : vector<512x128xf32>
    %mul3A_957 = arith.mulf %mul3A_956, %sub3A_949 : vector<512x128xf32>
    %sub3A_958 = arith.constant 5.000000e-01 : f32
    %sub3A_959 = vector.broadcast %sub3A_958 : f32 to vector<512x128xf32>
    %sub3A_960 = arith.subf %abs3A_950, %sub3A_959 : vector<512x128xf32>
    %mul3A_961 = arith.constant 1.000000e+00 : f32
    %mul3A_962 = vector.broadcast %mul3A_961 : f32 to vector<512x128xf32>
    %mul3A_963 = arith.mulf %mul3A_962, %sub3A_960 : vector<512x128xf32>
    %select_n3A_964 = arith.select %le3A_953, %mul3A_957, %mul3A_963 : vector<512x128xi1>, vector<512x128xf32>
    %reduce_sum3A_965 = vector.shape_cast %select_n3A_964 : vector<512x128xf32> to vector<1x512x128xf32>
    %reduce_sum3A_966 = arith.constant dense<0.000000e+00> : vector<1xf32>
    %reduce_sum3A_967 = vector.multi_reduction <add>, %reduce_sum3A_965, %reduce_sum3A_966 [1, 2] : vector<1x512x128xf32> to vector<1xf32>
    %reduce_sum3A_968 = vector.shape_cast %reduce_sum3A_967 : vector<1xf32> to vector<1x1x1xf32>
    %reduce_sum3A_969 = vector.extract %reduce_sum3A_968[0, 0, 0] : f32 from vector<1x1x1xf32>
    %add3A_970 = arith.addf %add3A_948, %reduce_sum3A_969 : f32
    %div3A_971 = arith.constant 3.932160e+05 : f32
    %div3A_972 = arith.divf %add3A_970, %div3A_971 : f32
    %reshape3A = vector.broadcast %div3A_972 : f32 to vector<1x1xf32>
    %eq3A_973 = arith.constant 0 : i32
    %eq3A_974 = arith.cmpi eq, %arg0, %eq3A_973 : i32
    %convert_element_type3A_975 = arith.extui %eq3A_974 : i1 to i32
    %cond3A = arith.constant 0 : i32
    %cond3A_976 = arith.cmpi ne, %convert_element_type3A_975, %cond3A : i32
    scf.if %cond3A_976 {
      %swap3A = arith.constant 0 : index
      %swap3A_982 = arith.constant 0 : index
      %swap3A_983 = vector.load %arg6[%swap3A, %swap3A_982] : memref<1x1xf32, #tpu.memory_space<vmem>>, vector<1x1xf32>
      tpu.vector_store %arg6[%swap3A, %swap3A_982], %reshape3A {strides = array<i32>} : memref<1x1xf32, #tpu.memory_space<vmem>>, vector<1x1xf32>,
    } else {
    }
    %ne3A_977 = arith.constant 0 : i32
    %ne3A_978 = arith.cmpi ne, %arg0, %ne3A_977 : i32
    %convert_element_type3A_979 = arith.extui %ne3A_978 : i1 to i32
    %cond3A_980 = arith.constant 0 : i32
    %cond3A_981 = arith.cmpi ne, %convert_element_type3A_979, %cond3A_980 : i32
    scf.if %cond3A_981 {
      %get3A_982 = arith.constant 0 : index
      %get3A_983 = arith.constant 0 : index
      %get3A_984 = vector.load %arg6[%get3A_982, %get3A_983] : memref<1x1xf32, #tpu.memory_space<vmem>>, vector<1x1xf32>
      %add3A_985 = arith.addf %get3A_984, %reshape3A : vector<1x1xf32>
      %swap3A = arith.constant 0 : index
      %swap3A_986 = arith.constant 0 : index
      %swap3A_987 = vector.load %arg6[%swap3A, %swap3A_986] : memref<1x1xf32, #tpu.memory_space<vmem>>, vector<1x1xf32>
      tpu.vector_store %arg6[%swap3A, %swap3A_986], %add3A_985 {strides = array<i32>} : memref<1x1xf32, #tpu.memory_space<vmem>>, vector<1x1xf32>,
    } else {
    }
    return
  }
  func.func @transform_0(%arg0: i32) -> (i32, i32, i32) {
    %c0_i32 = arith.constant 0 : i32
    %c0_i32_0 = arith.constant 0 : i32
    %c0_i32_1 = arith.constant 0 : i32
    return %arg0, %c0_i32, %c0_i32_0 : i32, i32, i32
  }
  func.func @transform_1(%arg0: i32) -> (i32, i32, i32) {
    %c0_i32 = arith.constant 0 : i32
    %c0_i32_0 = arith.constant 0 : i32
    %c0_i32_1 = arith.constant 0 : i32
    return %arg0, %c0_i32, %c0_i32_0 : i32, i32, i32
  }
  func.func @transform_2(%arg0: i32) -> (i32, i32, i32, i32) {
    %c0_i32 = arith.constant 0 : i32
    %c0_i32_0 = arith.constant 0 : i32
    %c0_i32_1 = arith.constant 0 : i32
    %c0_i32_2 = arith.constant 0 : i32
    return %c0_i32, %arg0, %c0_i32_0, %c0_i32_1 : i32, i32, i32, i32
  }
  func.func @transform_3(%arg0: i32) -> (i32, i32, i32, i32) {
    %c0_i32 = arith.constant 0 : i32
    %c0_i32_0 = arith.constant 0 : i32
    %c0_i32_1 = arith.constant 0 : i32
    %c0_i32_2 = arith.constant 0 : i32
    return %c0_i32, %arg0, %c0_i32_0, %c0_i32_1 : i32, i32, i32, i32
  }
  func.func @transform_4(%arg0: i32) -> (i32, i32, i32) {
    %c0_i32 = arith.constant 0 : i32
    %c0_i32_0 = arith.constant 0 : i32
    %c0_i32_1 = arith.constant 0 : i32
    return %arg0, %c0_i32, %c0_i32_0 : i32, i32, i32
  }
  func.func @transform_5(%arg0: i32) -> (i32, i32) {
    %c0_i32 = arith.constant 0 : i32
    %c0_i32_0 = arith.constant 0 : i32
    %c0_i32_1 = arith.constant 0 : i32
    return %c0_i32, %c0_i32_0 : i32, i32
  }
}

</mosaic_0001>

<sc_bundles>
// kernel: kernel.10.cloned.1.call-start
scs
__scs_entry_jumppad:
0x0: {  	(pc) =	sbr.rel $0x88, $3  }
0x1: {  	(tag) =	ssettag $0x0;
	lr =	simm.s32 $0x1  }
0x2: {  	[smem:$0x3F9D] =	sst lr;
	_ =	strace $0xD0000000  }
0x3: {  	_ = 	snop  }
0x4: {  	_ = 	snop  }
0x5: {  	_ = 	snop  }
0x6: {  	_ = 	snop  }
0x7: {  	_ = 	snop  }
__scs_overlays_trampoline_lowered:
0x8: {  	[smem:$0x3FAC] =	sst s0  }
0x9: {  	[smem:$0x3FAD] =	sst s1  }
0xa: {  	[smem:$0x3FAE] =	sst s2  }
0xb: {  	[smem:$0x3FAF] =	sst s3  }
0xc: {  	[smem:$0x3FB0] =	sst s4  }
0xd: {  	[smem:$0x3FB1] =	sst s5  }
0xe: {  	[smem:$0x3FB2] =	sst s6  }
0xf: {  	[smem:$0x3FB3] =	sst s7  }
0x10: {  	[smem:$0x3FB4] =	sst s8  }
0x11: {  	[smem:$0x3FB5] =	sst s9;
	s0 =	simm.s32 @!p0 $0x0  }
0x12: {  	s1 =	sld [smem:$0x3F9B];
	s0 =	simm.s32 @p0 $0x1  }
0x13: {  	[smem:$0x3FB6] =	sst s0;
	s0 =	simm.s32 @!p1 $0x0  }
0x14: {  	s2 =	sld [smem:$0x3F9A];
	s0 =	simm.s32 @p1 $0x1  }
0x15: {  	[smem:$0x3FB7] =	sst s0;
	s0 =	simm.s32 @!p2 $0x0  }
0x16: {  	s3 =	sld [smem:$0x3FDB];
	s0 =	simm.s32 @p2 $0x1  }
0x17: {  	s4 =	simm.s32 $0x1BF5;
	[smem:$0x3FB9] =	sst s0  }
0x18: {  	s0 =	sld [smem:$0x3F9C];
	_ =	swait.ge [sflag:s4], $0x0  }
0x19: {  	s7 =	sld [smem:$0x3F9D]  }
0x1a: {  	s8 =	sadd.s32 $0xFFFFE003, lr  }
0x1b: {  	s9 =	sadd.s32 $0xFFFFFEF7, lr;
	s5 =	simm.s32 $0xFFFFFFFF;
	p2 =	slt.u32 s8, $0xFFFFF086  }
0x1c: {  	p1 =	slt.u32 s9, $0xF7A;
	s5 =	simm.s32 @!p2 $0x0  }
0x1d: {  	s5 =	simm.s32 @p1 $0x1;
	p0 =	seq.s32 s7, s2  }
0x1e: {  	s7 =	smul.u32 @!p0 $0xF7A, s2;
	p2 =	seq.s32 @!p0 s5, $0x0  }
0x1f: {  	s9 =	smul.u32 $0xF7A, s1;
	s8 =	simm.s32 @!p0 $0x1BF5;
	p2 =	por !p2, p0  }
0x20: {  	[sflag:s8] =	ssyncset.s32 @!p0 $0xFFFFF086;
	s6 =	sadd.s32 @!p0 s3, s7;
	s7 =	simm.s32 @!p0 $0x108  }
0x21: {  	s3 =	sadd.s32 s3, s9;
	s6 =	sadd.s32 @!p0 $0x88, s6;
	s7 =	simm.s32 @p2 $0x1082  }
0x22: {  	[simem:s7], [sflag:s8] =	dma.local @!p0 [hbm:s6], $0xF7A  }
0x23: {  	s9 =	sor.u32 $0xD0000000, s2;
	s6 =	simm.s32 $0x108;
	_ =	swait.ge @!p0 [sflag:s8], $0x0  }
0x24: {  	s3 =	sadd.s32 $0x88, s3;
	s6 =	simm.s32 @!p1 $0x1082;
	[sflag:s4] =	ssyncset.s32 $0xFFFFF086  }
0x25: {  	[simem:s6], [sflag:s4] =	dma.local [hbm:s3], $0xF7A  }
0x26: {  	[smem:$0x3F9D] =	sst s1;
	(tag) =	ssettag s2;
	_ =	strace s9  }
0x27: {  	s1 =	sld [smem:$0x3FAD]  }
0x28: {  	s2 =	sld [smem:$0x3FAE]  }
0x29: {  	s4 =	sld [smem:$0x3FB0]  }
0x2a: {  	p0 =	seq.s32 s5, $0x0;
	s5 =	sld [smem:$0x3FB1]  }
0x2b: {  	s6 =	sld [smem:$0x3FB2]  }
0x2c: {  	s7 =	sld [smem:$0x3FB3]  }
0x2d: {  	s3 =	simm.s32 $0x108;
	s8 =	sld [smem:$0x3FB4]  }
0x2e: {  	s3 =	simm.s32 @!p0 $0x1082;
	s9 =	sld [smem:$0x3FB5]  }
0x2f: {  	lr =	sadd.s32 s0, s3;
	s0 =	sld [smem:$0x3FAC]  }
0x30: {  	s3 =	sld [smem:$0x3FAF]  }
0x31: {  	[smem:$0x3FB8] =	sst s10  }
0x32: {  	s10 =	sld [smem:$0x3FB6];
	_ =	sdelay $0x3  }
0x33: {  	p0 =	seq.s32 s10, $0x1;
	s10 =	sld [smem:$0x3FB8];
	_ =	sdelay $0x3  }
0x34: {  	[smem:$0x3FB8] =	sst s10  }
0x35: {  	s10 =	sld [smem:$0x3FB7];
	_ =	sdelay $0x3  }
0x36: {  	p1 =	seq.s32 s10, $0x1;
	s10 =	sld [smem:$0x3FB8];
	_ =	sdelay $0x3  }
0x37: {  	[smem:$0x3FB8] =	sst s10  }
0x38: {  	s10 =	sld [smem:$0x3FB9]  }
0x39: {  	_ = 	snop;
	(pc) =	sbr.ind lr, $3  }
0x3a: {  	_ = 	snop  }
0x3b: {  	_ = 	snop  }
0x3c: {  	p2 =	seq.s32 s10, $0x1;
	s10 =	sld [smem:$0x3FB8]  }
0x3d: {  	_ =	shalt  }
0x3e: {  	_ =	shalt  }
0x3f: {  	_ =	shalt  }
0x40: {  	_ =	shalt  }
0x41: {  	_ =	shalt  }
0x42: {  	_ =	shalt  }
0x43: {  	_ =	shalt  }
0x44: {  	_ =	shalt  }
0x45: {  	_ =	shalt  }
0x46: {  	_ =	shalt  }
0x47: {  	_ =	shalt  }
0x48: {  	_ =	shalt  }
0x49: {  	_ =	shalt  }
0x4a: {  	_ =	shalt  }
0x4b: {  	_ =	shalt  }
0x4c: {  	_ =	shalt  }
0x4d: {  	_ =	shalt  }
0x4e: {  	_ =	shalt  }
0x4f: {  	_ =	shalt  }
0x50: {  	_ =	shalt  }
0x51: {  	_ =	shalt  }
0x52: {  	_ =	shalt  }
0x53: {  	_ =	shalt  }
0x54: {  	_ =	shalt  }
0x55: {  	_ =	shalt  }
0x56: {  	_ =	shalt  }
0x57: {  	_ =	shalt  }
0x58: {  	_ =	shalt  }
0x59: {  	_ =	shalt  }
0x5a: {  	_ =	shalt  }
0x5b: {  	_ =	shalt  }
0x5c: {  	_ =	shalt  }
0x5d: {  	_ =	shalt  }
0x5e: {  	_ =	shalt  }
0x5f: {  	_ =	shalt  }
0x60: {  	_ =	shalt  }
0x61: {  	_ =	shalt  }
0x62: {  	_ =	shalt  }
0x63: {  	_ =	shalt  }
0x64: {  	_ =	shalt  }
0x65: {  	_ =	shalt  }
0x66: {  	_ =	shalt  }
0x67: {  	_ =	shalt  }
0x68: {  	_ =	shalt  }
0x69: {  	_ =	shalt  }
0x6a: {  	_ =	shalt  }
0x6b: {  	_ =	shalt  }
0x6c: {  	_ =	shalt  }
0x6d: {  	_ =	shalt  }
0x6e: {  	_ =	shalt  }
0x6f: {  	_ =	shalt  }
0x70: {  	_ =	shalt  }
0x71: {  	_ =	shalt  }
0x72: {  	_ =	shalt  }
0x73: {  	_ =	shalt  }
0x74: {  	_ =	shalt  }
0x75: {  	_ =	shalt  }
0x76: {  	_ =	shalt  }
0x77: {  	_ =	shalt  }
0x78: {  	_ =	shalt  }
0x79: {  	_ =	shalt  }
0x7a: {  	_ =	shalt  }
0x7b: {  	_ =	shalt  }
0x7c: {  	_ =	shalt  }
0x7d: {  	_ =	shalt  }
0x7e: {  	_ =	shalt  }
0x7f: {  	_ =	shalt  }
0x80: {  	_ =	shalt  }
0x81: {  	_ =	shalt  }
0x82: {  	_ =	shalt  }
0x83: {  	_ =	shalt  }
0x84: {  	_ =	shalt  }
0x85: {  	_ =	shalt  }
0x86: {  	_ =	shalt  }
0x87: {  	_ =	shalt  }
.Lfunc_end0:
.L_simem_size_0:
called_computation.1_lowered:
.L_overlay_start_0:
0x88: {  	s2 =	sld [smem:$0x3FD9]  }
0x89: {  	s3 =	sld [smem:$0x3FFE];
	_ =	sdelay $0x1  }
0x8a: {  	s1 =	srdreg.scid  }
0x8b: {  	s0 =	sand.u32 $0x1, s1  }
0x8c: {  	s17 =	sshll.u32 s0, $0xA;
	s2 =	sadd.s32 s3, s2  }
0x8d: {  	s2 =	sadd.s32 s2, s17  }
0x8e: {  	[smem:$0x3FC4] =	sst s2  }
0x8f: {  	_ = 	snop  }
0x90: {  	s18 =	sld [smem:$0x3FC8];
	(tm) =	ssettm $0x1  }
0x91: {  	s19 =	sld [smem:$0x3FFB];
	_ =	sdelay $0x3  }
0x92: {  	_ =	strace s19  }
0x93: {  	s2 =	sld [smem:$0x3FFC];
	_ =	sdelay $0x3  }
0x94: {  	_ =	strace s2  }
0x95: {  	s2 =	sld [smem:$0x3FFD];
	_ =	sdelay $0x3  }
0x96: {  	_ =	strace s2  }
0x97: {  	_ =	strace $0x8FFFFFFF  }
0x98: {  	s20 =	sld [smem:$0x3FDB];
	_ =	sdelay $0x1  }
0x99: {  	s4 =	simm.s32 $_scs_section_size  }
0x9a: {  	s5 =	simm.s32 $_size__tile_overlayer_lowered;
	s6 =	simm.s32 $_tile_overlayer_lowered  }
0x9b: {  	s7 =	simm.s32 $0x1BFF;
	s21 =	sshll.u32 s6, $0x1;
	s4 =	sadd.s32 s4, s20  }
0x9c: {  	s22 =	simm.s32 $0x0;
	s5 =	sshll.u32 s5, $0x1;
	s6 =	sadd.s32 s21, s4  }
0x9d: {  	[timem:s22], [sflag:s7] =	dma.local [hbm:s6], s5  }
0x9e: {  	_ =	swait.ge [sflag:s7], s5  }
0x9f: {  	s5 =	ssub.s32 $0x0, s5;
	[sflag:s7] =	ssyncset.done $0x0  }
0xa0: {  	[sflag:s7] =	ssyncadd.s32 s5;
	_ =	sdelay $0x1  }
0xa1: {  	s23 =	simm.s32 $0x1B8B  }
0xa2: {  	_ =	swait.ge [sflag:s23], $0x1  }
0xa3: {  	[sflag:s23] =	ssyncset.done $0x0  }
0xa4: {  	[sflag:s23] =	ssyncadd.s32 $0xFFFFFFFF  }
0xa5: {  	s5 =	sld [smem:$0x0]  }
0xa6: {  	s6 =	sand.u32 $0xFFFFFFFE, s1  }
0xa7: {  	p0 =	sne.s32 s1, s6  }
0xa8: {  	s6 =	sshll.u32 @p0 s6, $0xE  }
0xa9: {  	s6 =	sadd.s32 @p0 $0x11B8D, s6;
	s7 =	sshll.u32 @p0 s5, $0x11  }
0xaa: {  	s6 =	sor.u32 @p0 s7, s6  }
0xab: {  	[sflag:s6] =	ssyncadd.remote.s32 @p0 $0x1;
	_ =	sdelay $0x1  }
0xac: {  	s6 =	simm.s32 @p0 $0x1B8D  }
0xad: {  	_ =	swait.eq @p0 [sflag:s6], $0x1  }
0xae: {  	[sflag:s6] =	ssyncadd.s32 @p0 $0xFFFFFFFF  }
0xaf: {  	s7 =	sshll.u32 @!p0 s1, $0xE  }
0xb0: {  	s7 =	sor.u32 @!p0 $0x4000, s7;
	s6 =	simm.s32 @!p0 $0x1B8D  }
0xb1: {  	s5 =	sshll.u32 @!p0 s5, $0x11;
	s7 =	sadd.s32 @!p0 $0x11B8D, s7;
	_ =	swait.eq @!p0 [sflag:s6], $0x1  }
0xb2: {  	s5 =	sor.u32 @!p0 s5, s7;
	[sflag:s6] =	ssyncadd.s32 @!p0 $0xFFFFFFFF  }
0xb3: {  	s25 =	simm.s32 $0x1B8E;
	s24 =	sld [smem:$0x3FFE];
	[sflag:s5] =	ssyncadd.remote.s32 @!p0 $0x1  }
0xb4: {  	s26 =	simm.s32 $execute0_lowered;
	[smem:$0x3FD2] =	sst s25  }
0xb5: {  	s6 =	sshll.u32 s26, $0x1;
	_ =	strace $0x80000049;
	[dreg:$0x1] =	wrdreg $0xFFFFFFFF  }
0xb6: {  	s28 =	simm.s32 $_size_execute0_lowered;
	s4 =	sadd.s32 s4, s6;
	[dreg:$0x0] =	wrdreg $0x0  }
0xb7: {  	s6 =	sshll.u32 s28, $0x1;
	[dreg:$0x2] =	wrdreg s4  }
0xb8: {  	[dreg:$0x3] =	wrdreg s6  }
0xb9: {  	[dreg:$0x4] =	wrdreg $0xC0  }
0xba: {  	_ =	task [dreg:s22], $0x5FFFF  }
0xbb: {  	[dreg:$0x1] =	wrdreg $0xFFFFFFFF  }
0xbc: {  	[dreg:$0x0] =	wrdreg $0x60  }
0xbd: {  	[dreg:$0x2] =	wrdreg s18  }
0xbe: {  	[dreg:$0x3] =	wrdreg s24  }
0xbf: {  	[dreg:$0x4] =	wrdreg $0x9  }
0xc0: {  	_ =	task.clear_ibuf [dreg:s22], $0x5FFFF;
	_ =	strace $0x90000049  }
0xc1: {  	s29 =	simm.s32 $0x9;
	_ =	strace $0x8000004B  }
0xc2: {  	_ =	swait.ge [sflag:s29], $0x1  }
0xc3: {  	[sflag:s29] =	ssyncadd.s32 $0xFFFFFFFF  }
0xc4: {  	_ =	strace $0x9000004B  }
0xc5: {  	_ =	sfence  }
0xc6: {  	s30 =	sld [smem:$0x0];
	_ =	sdelay $0x2  }
0xc7: {  	s31 =	sshll.u32 s1, $0xD;
	s1 =	sshrl.u32 s1, $0x2  }
0xc8: {  	s4 =	sand.u32 $0x4000, s31;
	s1 =	sadd.s32 s1, s30  }
0xc9: {  	s0 =	sor.u32 s4, s0;
	s1 =	sshll.u32 s1, $0x11  }
0xca: {  	s0 =	sor.u32 s1, s0  }
0xcb: {  	s0 =	sadd.s32 $0x8F2B, s0  }
0xcc: {  	[sflag:s0] =	ssyncadd.remote.s32 $0x1  }
0xcd: {  	_ =	sfence.sel $0xFFFF  }
0xce: {  	[dreg:$0x0] =	wrdreg $0xFFFFFFFF;
	(pc) =	sbr.abs _section_cstart, $3  }
0xcf: {  	[dreg:$0x1] =	wrdreg $0xFFFFFFFF  }
0xd0: {  	_ =	task.clear_ibuf [dreg:s22], $0x2FFFF;
	_ =	strace $0x9FFFFFFF  }
0xd1: {  	(tm) =	ssettm $0x7FFFFFFF  }
tec
execute0_lowered:
.L_overlay_start_1:
0x0: {  	(tag) =	ssettag $0x1  }
0x1: {  	s5 =	rddreg [dreg:$0x0]  }
0x2: {  	s3 =	rddreg [dreg:$0x1]  }
0x3: {  	s0 =	stileid.u32;
	s1 =	srdreg.scid;
	s9 =	simm.s32 $0x80  }
0x4: {  	s2 =	sshll.u32 s0, $0x1;
	s4 =	sshrl.u32 s0, $0x1;
	s6 =	sand.u32 $0x1, s1  }
0x5: {  	s1 =	rddreg [dreg:$0x2];
	p0 =	sgt.u32 s0, $0x3;
	p2 =	slt.u32 s0, $0x6  }
0x6: {  	s18 =	sadd.s32 $0x22000, s3;
	s2 =	sand.u32 $0x2, s2;
	s7 =	sadd.s32 $0xFFFFFFFE, s4  }
0x7: {  	s9 =	simm.s32 @!p0 $0x3;
	s13 =	sshll.u32 s4, $0xE;
	s19 =	ssub.s32 $0x2, s6  }
0x8: {  	s8 =	sor.u32 s6, s2;
	s16 =	sand.u32 $0x80, s7;
	s17 =	sadd.s32 s13, s3  }
0x9: {  	s6 =	simm.s32 $0x1;
	s14 =	sshrl.u32 s19, $0x1;
	s13 =	simm.s32 $0x100  }
0xa: {  	s2 =	sshrl.u32 s16, $0x7;
	s10 =	sshll.u32 s8, $0x5;
	s14 =	ssub.s32 s19, s14  }
0xb: {  	s22 =	sshll.u32 s8, $0xF;
	s8 =	sshll.u32 s8, $0xC;
	s11 =	sadd.s32 s2, s7  }
0xc: {  	s24 =	sadd.s32 $0x3A000, s17;
	s2 =	simm.s32 $0x0;
	s12 =	sand.u32 $0xFFFFFFFE, s11  }
0xd: {  	s9 =	sor.u32 s9, s10;
	s10 =	sor.u32 $0x10, s10;
	s7 =	ssub.s32 s7, s12  }
0xe: {  	[smem:$0x7FF] =	sst s2;
	s9 =	sshrl.u32 s9, $0x3;
	s12 =	sand.u32 $0xFF, s7  }
0xf: {  	s11 =	sshra.s32 s11, $0x1;
	s25 =	sshll.u32 s10, $0xA;
	p1 =	sne.s32 s12, $0x0  }
0x10: {  	s10 =	sshll.u32 s10, $0x7;
	_ =	strace $0x8000004A;
	p1 =	por !p2, !p1  }
0x11: {  	s9 =	sadd.s32 s9, s3;
	s20 =	sand.u32 $0x1, s7;
	p1 =	por !p1, !p1  }
0x12: {  	s3 =	sshll.u32 s20, $0x11;
	s12 =	simm.s32 $0x2;
	s6 =	simm.s32 @!p1 $0x0  }
0x13: {  	p1 =	slt.u32 s0, $0x4;
	s21 =	ssub.s32 s11, s6;
	s6 =	smov.u32 s20  }
0x14: {  	s11 =	sshll.u32 s21, $0x12;
	s6 =	smov.u32 @p1 s4;
	s16 =	sshll.u32 s21, $0xC  }
0x15: {  	s4 =	sadd.s32 $0x1E00, s9;
	s7 =	sadd.s32 $0x1, s21;
	s9 =	sadd.s32 s10, s24  }
0x16: {  	s10 =	smax.u32 s14, $0x1;
	s14 =	simm.s32 $0x0;
	s11 =	sor.u32 s3, s11  }
0x17: {  	s3 =	simm.s32 $0x1;
	s6 =	smul.u32 $0xAB200, s6;
	s26 =	sadd.s32 $0x1000, s16  }
.Ltmp0:
0x18: {  	s7 =	sand.u32 $0x3, s7;
	s15 =	sor.u32 s22, s11;
	(pc) =	sbr.rel .LBB2_1-.Ltmp0, $4  }
0x19: {  	s11 =	sor.u32 s25, s11;
	s28 =	sand.u32 $0xFFFFC000, s26;
	s29 =	sshll.u32 s7, $0x9  }
0x1a: {  	s7 =	sadd.s32 s8, s24;
	s23 =	sshrl.u32 s15, $0x3;
	s31 =	sor.u32 s29, s28  }
0x1b: {  	s5 =	sadd.s32 s5, s6;
	s30 =	sshrl.u32 s11, $0x3;
	s11 =	sshra.s32 s31, $0x2  }
0x1c: {  	v0 =	vlaneseq.u32;
	vm0 =	vmmov $0xffff;
	s6 =	sadd.s32 s18, s23;
	s8 =	sadd.s32 s18, s30;
	s11 =	sadd.s32 $0x100, s11  }
.LBB2_22:
0x1d: {  	[hbm4b:s19+s2] =	stream.linear.scatter [tilespmem:s18], [sflag:$0x2], $0x80, $0x38;
	[tilespmem:$0x10100] =	vst v63  }
0x1e: {  	s16 =	sadd.s32 s16, s11  }
0x1f: {  	s17 =	sadd.s32 $0x8000, s16  }
0x20: {  	[hbm4b:s15+s2] =	stream.linear.scatter [tilespmem:s17], [sflag:$0x2], $0x80, $0x38;
	[tilespmem:$0x10100] =	vst v63  }
0x21: {  	s19 =	sadd.s32 $0x10, s15;
	s18 =	sadd.s32 $0x9000, s16  }
0x22: {  	[hbm4b:s19+s2] =	stream.linear.scatter [tilespmem:s18], [sflag:$0x2], $0x80, $0x38;
	[tilespmem:$0x10100] =	vst v63  }
0x23: {  	s21 =	sadd.s32 $0x20, s15;
	s20 =	sadd.s32 $0xA000, s16  }
0x24: {  	[hbm4b:s21+s2] =	stream.linear.scatter [tilespmem:s20], [sflag:$0x2], $0x80, $0x38;
	[tilespmem:$0x10100] =	vst v63  }
0x25: {  	s23 =	sadd.s32 $0x30, s15;
	s22 =	sadd.s32 $0xB000, s16  }
0x26: {  	[hbm4b:s23+s2] =	stream.linear.scatter [tilespmem:s22], [sflag:$0x2], $0x80, $0x38;
	[tilespmem:$0x10100] =	vst v63  }
0x27: {  	s25 =	sadd.s32 $0x40, s15;
	s24 =	sadd.s32 $0xC000, s16  }
0x28: {  	[hbm4b:s25+s2] =	stream.linear.scatter [tilespmem:s24], [sflag:$0x2], $0x80, $0x38;
	[tilespmem:$0x10100] =	vst v63  }
0x29: {  	s28 =	sadd.s32 $0x50, s15;
	s26 =	sadd.s32 $0xD000, s16  }
0x2a: {  	[hbm4b:s28+s2] =	stream.linear.scatter [tilespmem:s26], [sflag:$0x2], $0x80, $0x38;
	[tilespmem:$0x10100] =	vst v63  }
0x2b: {  	s30 =	sadd.s32 $0x60, s15;
	s29 =	sadd.s32 $0xE000, s16  }
0x2c: {  	[hbm4b:s30+s2] =	stream.linear.scatter [tilespmem:s29], [sflag:$0x2], $0x80, $0x38;
	[tilespmem:$0x10100] =	vst v63  }
0x2d: {  	s31 =	sadd.s32 $0x70, s15;
	s16 =	sadd.s32 $0xF000, s16  }
0x2e: {  	[hbm4b:s31+s2] =	stream.linear.scatter [tilespmem:s16], [sflag:$0x2], $0x80, $0x38;
	[tilespmem:$0x10100] =	vst v63  }
.LBB2_23:
0x2f: {  	s14 =	sadd.s32 $0x1, s14  }
0x30: {  	p1 =	sne.s32 s14, s10  }
.Ltmp1:
0x31: {  	_ = 	snop;
	(pc) =	sbr.rel @!p1 .LBB2_24-.Ltmp1, $4  }
0x32: {  	_ = 	snop  }
0x33: {  	_ =	swait.ge [sflag:s12], $0x4000  }
0x34: {  	[sflag:s12] =	ssyncset.done $0x0  }
0x35: {  	[sflag:s12] =	ssyncadd.s32 $0xFFFFC000  }
.LBB2_1:
0x36: {  	[tilespmem:s2], [sflag:$0x2] =	stream.linear.gather [hbm4b:s4+s2], $0x20, $0x38;
	[tilespmem:$0x10100] =	vst v63  }
0x37: {  	_ =	swait.ge [sflag:s12], $0x20  }
0x38: {  	[sflag:s12] =	ssyncset.done $0x0  }
0x39: {  	[sflag:s12] =	ssyncadd.s32 $0xFFFFFFE0  }
0x3a: {  	v1 =	vld [tilespmem:$0x0];
	_ =	sdelay $0x4  }
0x3b: {  	v2 =	vshll.u32 v1, $0xC  }
0x3c: {  	v2 =	vperm.xlane v2, v0;
	_ =	sdelay $0x4  }
.Ltmp2:
0x3d: {  	[tilespmem:$0x80] =	vst v1;
	(pc) =	sbr.rel @p0 .LBB2_7-.Ltmp2, $4  }
0x3e: {  	[tilespmem:s13], [sflag:$0x1] =	stream.indirect_vreg.gather [hbm4b:s5+s2], $0x1000, v2, vm0, $0x38;
	[tilespmem:$0x10100] =	vst v63  }
0x3f: {  	_ =	swait.ge [sflag:s3], $0x10000  }
0x40: {  	[sflag:s3] =	ssyncset.done $0x0  }
0x41: {  	[sflag:s3] =	ssyncadd.s32 $0xFFFF0000  }
0x42: {  	s15 =	simm.s32 $0x100  }
0x43: {  	[hbm4b:s7+s2] =	stream.linear.scatter [tilespmem:s15], [sflag:$0x2], $0x80, $0x38;
	[tilespmem:$0x10100] =	vst v63  }
0x44: {  	s20 =	simm.s32 $0x1100;
	s16 =	sadd.s32 $0x10, s7  }
0x45: {  	[hbm4b:s16+s2] =	stream.linear.scatter [tilespmem:s20], [sflag:$0x2], $0x80, $0x38;
	[tilespmem:$0x10100] =	vst v63  }
0x46: {  	s21 =	simm.s32 $0x2100;
	s22 =	sadd.s32 $0x20, s7;
	s23 =	simm.s32 $0x3100  }
0x47: {  	[hbm4b:s22+s2] =	stream.linear.scatter [tilespmem:s21], [sflag:$0x2], $0x80, $0x38;
	[tilespmem:$0x10100] =	vst v63  }
0x48: {  	s24 =	sadd.s32 $0x30, s7;
	s25 =	simm.s32 $0x4100;
	s26 =	sadd.s32 $0x40, s7  }
0x49: {  	[hbm4b:s24+s2] =	stream.linear.scatter [tilespmem:s23], [sflag:$0x2], $0x80, $0x38;
	[tilespmem:$0x10100] =	vst v63  }
0x4a: {  	s28 =	simm.s32 $0x5100;
	s29 =	sadd.s32 $0x50, s7;
	s30 =	simm.s32 $0x6100  }
0x4b: {  	[hbm4b:s26+s2] =	stream.linear.scatter [tilespmem:s25], [sflag:$0x2], $0x80, $0x38;
	[tilespmem:$0x10100] =	vst v63  }
0x4c: {  	s31 =	sadd.s32 $0x60, s7;
	s17 =	simm.s32 $0x1000;
	s18 =	simm.s32 $0x7100  }
0x4d: {  	[hbm4b:s29+s2] =	stream.linear.scatter [tilespmem:s28], [sflag:$0x2], $0x80, $0x38;
	[tilespmem:$0x10100] =	vst v63  }
0x4e: {  	s19 =	sadd.s32 $0x70, s7;
	s15 =	simm.s32 $0x200;
	s16 =	sadd.s32 $0x80, s7  }
0x4f: {  	[hbm4b:s31+s2] =	stream.linear.scatter [tilespmem:s30], [sflag:$0x2], $0x80, $0x38;
	[tilespmem:$0x10100] =	vst v63  }
.LBB2_3:
0x50: {  	[hbm4b:s19+s2] =	stream.linear.scatter [tilespmem:s18], [sflag:$0x2], $0x80, $0x38;
	[tilespmem:$0x10100] =	vst v63  }
0x51: {  	s18 =	smov.u32 s15;
	s15 =	smov.u32 s17  }
0x52: {  	s20 =	sadd.s32 $0x800, s17;
	s15 =	sshra.s32 s15, $0x2;
	s19 =	sadd.s32 $0x100, s18  }
0x53: {  	[hbm4b:s16+s2] =	stream.linear.scatter [tilespmem:s19], [sflag:$0x2], $0x80, $0x38;
	[tilespmem:$0x10100] =	vst v63  }
0x54: {  	p1 =	sne.s32 s17, $0x3800;
	s17 =	sadd.s32 $0x1100, s18;
	s19 =	sadd.s32 $0x10, s16  }
0x55: {  	[hbm4b:s19+s2] =	stream.linear.scatter [tilespmem:s17], [sflag:$0x2], $0x80, $0x38;
	[tilespmem:$0x10100] =	vst v63  }
0x56: {  	s17 =	sadd.s32 $0x2100, s18;
	s19 =	sadd.s32 $0x20, s16  }
0x57: {  	[hbm4b:s19+s2] =	stream.linear.scatter [tilespmem:s17], [sflag:$0x2], $0x80, $0x38;
	[tilespmem:$0x10100] =	vst v63  }
0x58: {  	s17 =	sadd.s32 $0x3100, s18;
	s19 =	sadd.s32 $0x30, s16  }
0x59: {  	[hbm4b:s19+s2] =	stream.linear.scatter [tilespmem:s17], [sflag:$0x2], $0x80, $0x38;
	[tilespmem:$0x10100] =	vst v63  }
0x5a: {  	s17 =	sadd.s32 $0x4100, s18;
	s19 =	sadd.s32 $0x40, s16  }
0x5b: {  	[hbm4b:s19+s2] =	stream.linear.scatter [tilespmem:s17], [sflag:$0x2], $0x80, $0x38;
	[tilespmem:$0x10100] =	vst v63  }
.Ltmp3:
0x5c: {  	s17 =	sadd.s32 $0x5100, s18;
	s19 =	sadd.s32 $0x50, s16;
	(pc) =	sbr.rel @p1 .LBB2_3-.Ltmp3, $4  }
0x5d: {  	[hbm4b:s19+s2] =	stream.linear.scatter [tilespmem:s17], [sflag:$0x2], $0x80, $0x38;
	[tilespmem:$0x10100] =	vst v63  }
0x5e: {  	s17 =	sadd.s32 $0x6100, s18;
	s19 =	sadd.s32 $0x60, s16;
	s18 =	sadd.s32 $0x7100, s18  }
0x5f: {  	[hbm4b:s19+s2] =	stream.linear.scatter [tilespmem:s17], [sflag:$0x2], $0x80, $0x38;
	[tilespmem:$0x10100] =	vst v63  }
0x60: {  	s19 =	sadd.s32 $0x70, s16;
	s16 =	sadd.s32 $0x80, s16;
	s17 =	smov.u32 s20  }
0x61: {  	[hbm4b:s19+s2] =	stream.linear.scatter [tilespmem:s18], [sflag:$0x2], $0x80, $0x38;
	[tilespmem:$0x10100] =	vst v63  }
0x62: {  	s17 =	sadd.s32 $0x100, s15  }
0x63: {  	[hbm4b:s16+s2] =	stream.linear.scatter [tilespmem:s17], [sflag:$0x2], $0x80, $0x38;
	[tilespmem:$0x10100] =	vst v63  }
0x64: {  	s18 =	sadd.s32 $0x1100, s15;
	s19 =	sadd.s32 $0x10, s16  }
0x65: {  	[hbm4b:s19+s2] =	stream.linear.scatter [tilespmem:s18], [sflag:$0x2], $0x80, $0x38;
	[tilespmem:$0x10100] =	vst v63  }
0x66: {  	s20 =	sadd.s32 $0x2100, s15;
	s21 =	sadd.s32 $0x20, s16  }
0x67: {  	[hbm4b:s21+s2] =	stream.linear.scatter [tilespmem:s20], [sflag:$0x2], $0x80, $0x38;
	[tilespmem:$0x10100] =	vst v63  }
0x68: {  	s22 =	sadd.s32 $0x3100, s15;
	s23 =	sadd.s32 $0x30, s16  }
0x69: {  	[hbm4b:s23+s2] =	stream.linear.scatter [tilespmem:s22], [sflag:$0x2], $0x80, $0x38;
	[tilespmem:$0x10100] =	vst v63  }
0x6a: {  	s24 =	sadd.s32 $0x4100, s15;
	s25 =	sadd.s32 $0x40, s16  }
0x6b: {  	[hbm4b:s25+s2] =	stream.linear.scatter [tilespmem:s24], [sflag:$0x2], $0x80, $0x38;
	[tilespmem:$0x10100] =	vst v63  }
0x6c: {  	s26 =	sadd.s32 $0x5100, s15;
	s28 =	sadd.s32 $0x50, s16  }
0x6d: {  	[hbm4b:s28+s2] =	stream.linear.scatter [tilespmem:s26], [sflag:$0x2], $0x80, $0x38;
	[tilespmem:$0x10100] =	vst v63  }
0x6e: {  	s29 =	sadd.s32 $0x6100, s15;
	s30 =	sadd.s32 $0x60, s16  }
0x6f: {  	[hbm4b:s30+s2] =	stream.linear.scatter [tilespmem:s29], [sflag:$0x2], $0x80, $0x38;
	[tilespmem:$0x10100] =	vst v63  }
0x70: {  	s31 =	sadd.s32 $0x7100, s15;
	s17 =	sadd.s32 $0x70, s16  }
0x71: {  	[hbm4b:s17+s2] =	stream.linear.scatter [tilespmem:s31], [sflag:$0x2], $0x80, $0x38;
	[tilespmem:$0x10100] =	vst v63  }
0x72: {  	s16 =	sadd.s32 $0x400, s7;
	s18 =	simm.s32 $0x8100  }
0x73: {  	[hbm4b:s16+s2] =	stream.linear.scatter [tilespmem:s18], [sflag:$0x2], $0x80, $0x38;
	[tilespmem:$0x10100] =	vst v63  }
0x74: {  	s19 =	simm.s32 $0x9100;
	s20 =	sadd.s32 $0x10, s16  }
0x75: {  	[hbm4b:s20+s2] =	stream.linear.scatter [tilespmem:s19], [sflag:$0x2], $0x80, $0x38;
	[tilespmem:$0x10100] =	vst v63  }
0x76: {  	s15 =	simm.s32 $0x200;
	s21 =	simm.s32 $0xA100;
	s22 =	sadd.s32 $0x20, s16  }
0x77: {  	[hbm4b:s22+s2] =	stream.linear.scatter [tilespmem:s21], [sflag:$0x2], $0x80, $0x38;
	[tilespmem:$0x10100] =	vst v63  }
0x78: {  	s23 =	simm.s32 $0xB100;
	s24 =	sadd.s32 $0x30, s16;
	s25 =	simm.s32 $0xC100  }
0x79: {  	[hbm4b:s24+s2] =	stream.linear.scatter [tilespmem:s23], [sflag:$0x2], $0x80, $0x38;
	[tilespmem:$0x10100] =	vst v63  }
0x7a: {  	s26 =	sadd.s32 $0x40, s16;
	s28 =	simm.s32 $0xD100;
	s29 =	sadd.s32 $0x50, s16  }
0x7b: {  	[hbm4b:s26+s2] =	stream.linear.scatter [tilespmem:s25], [sflag:$0x2], $0x80, $0x38;
	[tilespmem:$0x10100] =	vst v63  }
0x7c: {  	s30 =	simm.s32 $0xE100;
	s31 =	sadd.s32 $0x60, s16;
	s17 =	simm.s32 $0x1000  }
0x7d: {  	[hbm4b:s29+s2] =	stream.linear.scatter [tilespmem:s28], [sflag:$0x2], $0x80, $0x38;
	[tilespmem:$0x10100] =	vst v63  }
0x7e: {  	s18 =	simm.s32 $0xF100;
	s19 =	sadd.s32 $0x70, s16;
	s16 =	sadd.s32 $0x80, s16  }
0x7f: {  	[hbm4b:s31+s2] =	stream.linear.scatter [tilespmem:s30], [sflag:$0x2], $0x80, $0x38;
	[tilespmem:$0x10100] =	vst v63  }
.LBB2_5:
0x80: {  	[hbm4b:s19+s2] =	stream.linear.scatter [tilespmem:s18], [sflag:$0x2], $0x80, $0x38;
	[tilespmem:$0x10100] =	vst v63  }
0x81: {  	s18 =	smov.u32 s15;
	s15 =	smov.u32 s17  }
0x82: {  	s20 =	sadd.s32 $0x800, s17;
	s15 =	sshra.s32 s15, $0x2;
	s19 =	sadd.s32 $0x8100, s18  }
0x83: {  	[hbm4b:s16+s2] =	stream.linear.scatter [tilespmem:s19], [sflag:$0x2], $0x80, $0x38;
	[tilespmem:$0x10100] =	vst v63  }
0x84: {  	p1 =	seq.s32 s17, $0x3800;
	s17 =	sadd.s32 $0x9100, s18;
	s19 =	sadd.s32 $0x10, s16  }
0x85: {  	[hbm4b:s19+s2] =	stream.linear.scatter [tilespmem:s17], [sflag:$0x2], $0x80, $0x38;
	[tilespmem:$0x10100] =	vst v63  }
0x86: {  	s17 =	sadd.s32 $0xA100, s18;
	s19 =	sadd.s32 $0x20, s16  }
0x87: {  	[hbm4b:s19+s2] =	stream.linear.scatter [tilespmem:s17], [sflag:$0x2], $0x80, $0x38;
	[tilespmem:$0x10100] =	vst v63  }
0x88: {  	s17 =	sadd.s32 $0xB100, s18;
	s19 =	sadd.s32 $0x30, s16  }
0x89: {  	[hbm4b:s19+s2] =	stream.linear.scatter [tilespmem:s17], [sflag:$0x2], $0x80, $0x38;
	[tilespmem:$0x10100] =	vst v63  }
0x8a: {  	s17 =	sadd.s32 $0xC100, s18;
	s19 =	sadd.s32 $0x40, s16  }
0x8b: {  	[hbm4b:s19+s2] =	stream.linear.scatter [tilespmem:s17], [sflag:$0x2], $0x80, $0x38;
	[tilespmem:$0x10100] =	vst v63  }
.Ltmp4:
0x8c: {  	s17 =	sadd.s32 $0xD100, s18;
	s19 =	sadd.s32 $0x50, s16;
	(pc) =	sbr.rel @!p1 .LBB2_5-.Ltmp4, $4  }
0x8d: {  	[hbm4b:s19+s2] =	stream.linear.scatter [tilespmem:s17], [sflag:$0x2], $0x80, $0x38;
	[tilespmem:$0x10100] =	vst v63  }
0x8e: {  	s17 =	sadd.s32 $0xE100, s18;
	s19 =	sadd.s32 $0x60, s16;
	s18 =	sadd.s32 $0xF100, s18  }
0x8f: {  	[hbm4b:s19+s2] =	stream.linear.scatter [tilespmem:s17], [sflag:$0x2], $0x80, $0x38;
	[tilespmem:$0x10100] =	vst v63  }
0x90: {  	s19 =	sadd.s32 $0x70, s16;
	s16 =	sadd.s32 $0x80, s16;
	s17 =	smov.u32 s20  }
0x91: {  	[hbm4b:s19+s2] =	stream.linear.scatter [tilespmem:s18], [sflag:$0x2], $0x80, $0x38;
	[tilespmem:$0x10100] =	vst v63  }
0x92: {  	s17 =	sadd.s32 $0x8100, s15  }
0x93: {  	[hbm4b:s16+s2] =	stream.linear.scatter [tilespmem:s17], [sflag:$0x2], $0x80, $0x38;
	[tilespmem:$0x10100] =	vst v63  }
0x94: {  	s30 =	sadd.s32 $0x9100, s15;
	s31 =	sadd.s32 $0x10, s16  }
0x95: {  	[hbm4b:s31+s2] =	stream.linear.scatter [tilespmem:s30], [sflag:$0x2], $0x80, $0x38;
	[tilespmem:$0x10100] =	vst v63  }
0x96: {  	s19 =	sadd.s32 $0xA100, s15;
	s20 =	sadd.s32 $0x20, s16  }
0x97: {  	[hbm4b:s20+s2] =	stream.linear.scatter [tilespmem:s19], [sflag:$0x2], $0x80, $0x38;
	[tilespmem:$0x10100] =	vst v63  }
0x98: {  	s21 =	sadd.s32 $0xB100, s15;
	s22 =	sadd.s32 $0x30, s16  }
0x99: {  	[hbm4b:s22+s2] =	stream.linear.scatter [tilespmem:s21], [sflag:$0x2], $0x80, $0x38;
	[tilespmem:$0x10100] =	vst v63  }
0x9a: {  	s23 =	sadd.s32 $0xC100, s15;
	s24 =	sadd.s32 $0x40, s16  }
0x9b: {  	[hbm4b:s24+s2] =	stream.linear.scatter [tilespmem:s23], [sflag:$0x2], $0x80, $0x38;
	[tilespmem:$0x10100] =	vst v63  }
0x9c: {  	s25 =	sadd.s32 $0xD100, s15;
	s26 =	sadd.s32 $0x50, s16  }
0x9d: {  	[hbm4b:s26+s2] =	stream.linear.scatter [tilespmem:s25], [sflag:$0x2], $0x80, $0x38;
	[tilespmem:$0x10100] =	vst v63  }
.Ltmp5:
0x9e: {  	_ = 	snop;
	(pc) =	sbr.rel .LBB2_12-.Ltmp5, $4  }
0x9f: {  	s28 =	sadd.s32 $0xE100, s15;
	s29 =	sadd.s32 $0x60, s16  }
0xa0: {  	[hbm4b:s29+s2] =	stream.linear.scatter [tilespmem:s28], [sflag:$0x2], $0x80, $0x38;
	[tilespmem:$0x10100] =	vst v63  }
0xa1: {  	s30 =	sadd.s32 $0xF100, s15;
	s31 =	sadd.s32 $0x70, s16  }
0xa2: {  	[hbm4b:s31+s2] =	stream.linear.scatter [tilespmem:s30], [sflag:$0x2], $0x80, $0x38;
	[tilespmem:$0x10100] =	vst v63  }
.LBB2_7:
0xa3: {  	s15 =	sadd.s32 $0x0, s11  }
0xa4: {  	[hbm4b:s6+s2] =	stream.linear.scatter [tilespmem:s15], [sflag:$0x2], $0x80, $0x38;
	[tilespmem:$0x10100] =	vst v63  }
0xa5: {  	s17 =	sadd.s32 $0x10, s6;
	s16 =	sadd.s32 $0x1000, s15  }
0xa6: {  	[hbm4b:s17+s2] =	stream.linear.scatter [tilespmem:s16], [sflag:$0x2], $0x80, $0x38;
	[tilespmem:$0x10100] =	vst v63  }
0xa7: {  	s22 =	sadd.s32 $0x20, s6;
	s24 =	sadd.s32 $0x30, s6;
	s21 =	sadd.s32 $0x2000, s15  }
0xa8: {  	[hbm4b:s22+s2] =	stream.linear.scatter [tilespmem:s21], [sflag:$0x2], $0x80, $0x38;
	[tilespmem:$0x10100] =	vst v63  }
0xa9: {  	s26 =	sadd.s32 $0x40, s6;
	s29 =	sadd.s32 $0x50, s6;
	s23 =	sadd.s32 $0x3000, s15  }
0xaa: {  	[hbm4b:s24+s2] =	stream.linear.scatter [tilespmem:s23], [sflag:$0x2], $0x80, $0x38;
	[tilespmem:$0x10100] =	vst v63  }
0xab: {  	s31 =	sadd.s32 $0x60, s6;
	s19 =	sadd.s32 $0x70, s6;
	s25 =	sadd.s32 $0x4000, s15  }
0xac: {  	[hbm4b:s26+s2] =	stream.linear.scatter [tilespmem:s25], [sflag:$0x2], $0x80, $0x38;
	[tilespmem:$0x10100] =	vst v63  }
0xad: {  	s28 =	sadd.s32 $0x5000, s15;
	s30 =	sadd.s32 $0x6000, s15;
	s18 =	sadd.s32 $0x7000, s15  }
0xae: {  	[hbm4b:s29+s2] =	stream.linear.scatter [tilespmem:s28], [sflag:$0x2], $0x80, $0x38;
	[tilespmem:$0x10100] =	vst v63  }
0xaf: {  	s15 =	sadd.s32 $0x80, s6;
	s16 =	simm.s32 $0x200;
	s17 =	simm.s32 $0x1000  }
0xb0: {  	[hbm4b:s31+s2] =	stream.linear.scatter [tilespmem:s30], [sflag:$0x2], $0x80, $0x38;
	[tilespmem:$0x10100] =	vst v63  }
.LBB2_8:
0xb1: {  	[hbm4b:s19+s2] =	stream.linear.scatter [tilespmem:s18], [sflag:$0x2], $0x80, $0x38;
	[tilespmem:$0x10100] =	vst v63  }
0xb2: {  	s18 =	smov.u32 s17  }
0xb3: {  	s20 =	sadd.s32 $0x800, s17;
	s19 =	sadd.s32 s16, s11;
	s16 =	sshra.s32 s18, $0x2  }
0xb4: {  	[hbm4b:s15+s2] =	stream.linear.scatter [tilespmem:s19], [sflag:$0x2], $0x80, $0x38;
	[tilespmem:$0x10100] =	vst v63  }
0xb5: {  	p1 =	sne.s32 s17, $0x3800;
	s17 =	sadd.s32 $0x1000, s19;
	s18 =	sadd.s32 $0x10, s15  }
0xb6: {  	[hbm4b:s18+s2] =	stream.linear.scatter [tilespmem:s17], [sflag:$0x2], $0x80, $0x38;
	[tilespmem:$0x10100] =	vst v63  }
0xb7: {  	s17 =	sadd.s32 $0x2000, s19;
	s18 =	sadd.s32 $0x20, s15  }
0xb8: {  	[hbm4b:s18+s2] =	stream.linear.scatter [tilespmem:s17], [sflag:$0x2], $0x80, $0x38;
	[tilespmem:$0x10100] =	vst v63  }
0xb9: {  	s17 =	sadd.s32 $0x3000, s19;
	s18 =	sadd.s32 $0x30, s15  }
0xba: {  	[hbm4b:s18+s2] =	stream.linear.scatter [tilespmem:s17], [sflag:$0x2], $0x80, $0x38;
	[tilespmem:$0x10100] =	vst v63  }
0xbb: {  	s17 =	sadd.s32 $0x4000, s19;
	s18 =	sadd.s32 $0x40, s15  }
0xbc: {  	[hbm4b:s18+s2] =	stream.linear.scatter [tilespmem:s17], [sflag:$0x2], $0x80, $0x38;
	[tilespmem:$0x10100] =	vst v63  }
0xbd: {  	s17 =	sadd.s32 $0x5000, s19;
	s18 =	sadd.s32 $0x50, s15  }
0xbe: {  	[hbm4b:s18+s2] =	stream.linear.scatter [tilespmem:s17], [sflag:$0x2], $0x80, $0x38;
	[tilespmem:$0x10100] =	vst v63  }
.Ltmp6:
0xbf: {  	_ = 	snop;
	(pc) =	sbr.rel @p1 .LBB2_8-.Ltmp6, $4  }
0xc0: {  	s17 =	sadd.s32 $0x6000, s19;
	s18 =	sadd.s32 $0x60, s15  }
0xc1: {  	[hbm4b:s18+s2] =	stream.linear.scatter [tilespmem:s17], [sflag:$0x2], $0x80, $0x38;
	[tilespmem:$0x10100] =	vst v63  }
0xc2: {  	s18 =	sadd.s32 $0x7000, s19  }
0xc3: {  	s19 =	sadd.s32 $0x70, s15;
	s15 =	sadd.s32 $0x80, s15;
	s17 =	smov.u32 s20  }
0xc4: {  	[hbm4b:s19+s2] =	stream.linear.scatter [tilespmem:s18], [sflag:$0x2], $0x80, $0x38;
	[tilespmem:$0x10100] =	vst v63  }
0xc5: {  	s16 =	sadd.s32 s16, s11  }
0xc6: {  	[hbm4b:s15+s2] =	stream.linear.scatter [tilespmem:s16], [sflag:$0x2], $0x80, $0x38;
	[tilespmem:$0x10100] =	vst v63  }
0xc7: {  	s19 =	sadd.s32 $0x10, s15;
	s17 =	sadd.s32 $0x1000, s16  }
0xc8: {  	[hbm4b:s19+s2] =	stream.linear.scatter [tilespmem:s17], [sflag:$0x2], $0x80, $0x38;
	[tilespmem:$0x10100] =	vst v63  }
0xc9: {  	s21 =	sadd.s32 $0x20, s15;
	s20 =	sadd.s32 $0x2000, s16  }
0xca: {  	[hbm4b:s21+s2] =	stream.linear.scatter [tilespmem:s20], [sflag:$0x2], $0x80, $0x38;
	[tilespmem:$0x10100] =	vst v63  }
0xcb: {  	s23 =	sadd.s32 $0x30, s15;
	s22 =	sadd.s32 $0x3000, s16  }
0xcc: {  	[hbm4b:s23+s2] =	stream.linear.scatter [tilespmem:s22], [sflag:$0x2], $0x80, $0x38;
	[tilespmem:$0x10100] =	vst v63  }
0xcd: {  	s25 =	sadd.s32 $0x40, s15;
	s24 =	sadd.s32 $0x4000, s16  }
0xce: {  	[hbm4b:s25+s2] =	stream.linear.scatter [tilespmem:s24], [sflag:$0x2], $0x80, $0x38;
	[tilespmem:$0x10100] =	vst v63  }
0xcf: {  	s28 =	sadd.s32 $0x50, s15;
	s26 =	sadd.s32 $0x5000, s16  }
0xd0: {  	[hbm4b:s28+s2] =	stream.linear.scatter [tilespmem:s26], [sflag:$0x2], $0x80, $0x38;
	[tilespmem:$0x10100] =	vst v63  }
0xd1: {  	s30 =	sadd.s32 $0x60, s15;
	s29 =	sadd.s32 $0x6000, s16  }
0xd2: {  	[hbm4b:s30+s2] =	stream.linear.scatter [tilespmem:s29], [sflag:$0x2], $0x80, $0x38;
	[tilespmem:$0x10100] =	vst v63  }
0xd3: {  	s31 =	sadd.s32 $0x70, s15;
	s16 =	sadd.s32 $0x7000, s16;
	s15 =	sadd.s32 $0x0, s11  }
0xd4: {  	[hbm4b:s31+s2] =	stream.linear.scatter [tilespmem:s16], [sflag:$0x2], $0x80, $0x38;
	[tilespmem:$0x10100] =	vst v63  }
0xd5: {  	s17 =	sadd.s32 $0x8000, s15;
	s20 =	sadd.s32 $0x400, s6  }
0xd6: {  	[hbm4b:s20+s2] =	stream.linear.scatter [tilespmem:s17], [sflag:$0x2], $0x80, $0x38;
	[tilespmem:$0x10100] =	vst v63  }
0xd7: {  	s18 =	sadd.s32 $0x9000, s15;
	s19 =	sadd.s32 $0x10, s20  }
0xd8: {  	[hbm4b:s19+s2] =	stream.linear.scatter [tilespmem:s18], [sflag:$0x2], $0x80, $0x38;
	[tilespmem:$0x10100] =	vst v63  }
0xd9: {  	s21 =	sadd.s32 $0xA000, s15;
	s22 =	sadd.s32 $0x20, s20;
	s23 =	sadd.s32 $0xB000, s15  }
0xda: {  	[hbm4b:s22+s2] =	stream.linear.scatter [tilespmem:s21], [sflag:$0x2], $0x80, $0x38;
	[tilespmem:$0x10100] =	vst v63  }
0xdb: {  	s24 =	sadd.s32 $0x30, s20;
	s25 =	sadd.s32 $0xC000, s15;
	s26 =	sadd.s32 $0x40, s20  }
0xdc: {  	[hbm4b:s24+s2] =	stream.linear.scatter [tilespmem:s23], [sflag:$0x2], $0x80, $0x38;
	[tilespmem:$0x10100] =	vst v63  }
0xdd: {  	s28 =	sadd.s32 $0xD000, s15;
	s29 =	sadd.s32 $0x50, s20;
	s30 =	sadd.s32 $0xE000, s15  }
0xde: {  	[hbm4b:s26+s2] =	stream.linear.scatter [tilespmem:s25], [sflag:$0x2], $0x80, $0x38;
	[tilespmem:$0x10100] =	vst v63  }
0xdf: {  	s31 =	sadd.s32 $0x60, s20;
	s16 =	simm.s32 $0x200;
	s17 =	simm.s32 $0x1000  }
0xe0: {  	[hbm4b:s29+s2] =	stream.linear.scatter [tilespmem:s28], [sflag:$0x2], $0x80, $0x38;
	[tilespmem:$0x10100] =	vst v63  }
0xe1: {  	s18 =	sadd.s32 $0xF000, s15;
	s19 =	sadd.s32 $0x70, s20;
	s15 =	sadd.s32 $0x80, s20  }
0xe2: {  	[hbm4b:s31+s2] =	stream.linear.scatter [tilespmem:s30], [sflag:$0x2], $0x80, $0x38;
	[tilespmem:$0x10100] =	vst v63  }
.LBB2_10:
0xe3: {  	[hbm4b:s19+s2] =	stream.linear.scatter [tilespmem:s18], [sflag:$0x2], $0x80, $0x38;
	[tilespmem:$0x10100] =	vst v63  }
0xe4: {  	s18 =	smov.u32 s17  }
0xe5: {  	s20 =	sadd.s32 $0x800, s17;
	s19 =	sadd.s32 s16, s11;
	s16 =	sshra.s32 s18, $0x2  }
0xe6: {  	p1 =	sne.s32 s17, $0x3800;
	s17 =	sadd.s32 $0x8000, s19  }
0xe7: {  	[hbm4b:s15+s2] =	stream.linear.scatter [tilespmem:s17], [sflag:$0x2], $0x80, $0x38;
	[tilespmem:$0x10100] =	vst v63  }
0xe8: {  	s18 =	sadd.s32 $0x10, s15;
	s17 =	sadd.s32 $0x9000, s19  }
0xe9: {  	[hbm4b:s18+s2] =	stream.linear.scatter [tilespmem:s17], [sflag:$0x2], $0x80, $0x38;
	[tilespmem:$0x10100] =	vst v63  }
0xea: {  	s17 =	sadd.s32 $0xA000, s19;
	s18 =	sadd.s32 $0x20, s15  }
0xeb: {  	[hbm4b:s18+s2] =	stream.linear.scatter [tilespmem:s17], [sflag:$0x2], $0x80, $0x38;
	[tilespmem:$0x10100] =	vst v63  }
0xec: {  	s17 =	sadd.s32 $0xB000, s19;
	s18 =	sadd.s32 $0x30, s15  }
0xed: {  	[hbm4b:s18+s2] =	stream.linear.scatter [tilespmem:s17], [sflag:$0x2], $0x80, $0x38;
	[tilespmem:$0x10100] =	vst v63  }
0xee: {  	s17 =	sadd.s32 $0xC000, s19;
	s18 =	sadd.s32 $0x40, s15  }
0xef: {  	[hbm4b:s18+s2] =	stream.linear.scatter [tilespmem:s17], [sflag:$0x2], $0x80, $0x38;
	[tilespmem:$0x10100] =	vst v63  }
0xf0: {  	s17 =	sadd.s32 $0xD000, s19;
	s18 =	sadd.s32 $0x50, s15  }
0xf1: {  	[hbm4b:s18+s2] =	stream.linear.scatter [tilespmem:s17], [sflag:$0x2], $0x80, $0x38;
	[tilespmem:$0x10100] =	vst v63  }
.Ltmp7:
0xf2: {  	_ = 	snop;
	(pc) =	sbr.rel @p1 .LBB2_10-.Ltmp7, $4  }
0xf3: {  	s17 =	sadd.s32 $0xE000, s19;
	s18 =	sadd.s32 $0x60, s15  }
0xf4: {  	[hbm4b:s18+s2] =	stream.linear.scatter [tilespmem:s17], [sflag:$0x2], $0x80, $0x38;
	[tilespmem:$0x10100] =	vst v63  }
0xf5: {  	s18 =	sadd.s32 $0xF000, s19  }
0xf6: {  	s19 =	sadd.s32 $0x70, s15;
	s15 =	sadd.s32 $0x80, s15;
	s17 =	smov.u32 s20  }
0xf7: {  	[hbm4b:s19+s2] =	stream.linear.scatter [tilespmem:s18], [sflag:$0x2], $0x80, $0x38;
	[tilespmem:$0x10100] =	vst v63  }
0xf8: {  	s16 =	sadd.s32 s16, s11  }
0xf9: {  	s17 =	sadd.s32 $0x8000, s16  }
0xfa: {  	[hbm4b:s15+s2] =	stream.linear.scatter [tilespmem:s17], [sflag:$0x2], $0x80, $0x38;
	[tilespmem:$0x10100] =	vst v63  }
0xfb: {  	s19 =	sadd.s32 $0x10, s15;
	s18 =	sadd.s32 $0x9000, s16  }
0xfc: {  	[hbm4b:s19+s2] =	stream.linear.scatter [tilespmem:s18], [sflag:$0x2], $0x80, $0x38;
	[tilespmem:$0x10100] =	vst v63  }
0xfd: {  	s21 =	sadd.s32 $0x20, s15;
	s20 =	sadd.s32 $0xA000, s16  }
0xfe: {  	[hbm4b:s21+s2] =	stream.linear.scatter [tilespmem:s20], [sflag:$0x2], $0x80, $0x38;
	[tilespmem:$0x10100] =	vst v63  }
0xff: {  	s23 =	sadd.s32 $0x30, s15;
	s22 =	sadd.s32 $0xB000, s16  }
0x100: {  	[hbm4b:s23+s2] =	stream.linear.scatter [tilespmem:s22], [sflag:$0x2], $0x80, $0x38;
	[tilespmem:$0x10100] =	vst v63  }
0x101: {  	s25 =	sadd.s32 $0x40, s15;
	s24 =	sadd.s32 $0xC000, s16  }
0x102: {  	[hbm4b:s25+s2] =	stream.linear.scatter [tilespmem:s24], [sflag:$0x2], $0x80, $0x38;
	[tilespmem:$0x10100] =	vst v63  }
0x103: {  	s28 =	sadd.s32 $0x50, s15;
	s26 =	sadd.s32 $0xD000, s16  }
0x104: {  	[hbm4b:s28+s2] =	stream.linear.scatter [tilespmem:s26], [sflag:$0x2], $0x80, $0x38;
	[tilespmem:$0x10100] =	vst v63  }
0x105: {  	s30 =	sadd.s32 $0x60, s15;
	s29 =	sadd.s32 $0xE000, s16  }
0x106: {  	[hbm4b:s30+s2] =	stream.linear.scatter [tilespmem:s29], [sflag:$0x2], $0x80, $0x38;
	[tilespmem:$0x10100] =	vst v63  }
0x107: {  	s31 =	sadd.s32 $0x70, s15;
	s16 =	sadd.s32 $0xF000, s16  }
0x108: {  	[hbm4b:s31+s2] =	stream.linear.scatter [tilespmem:s16], [sflag:$0x2], $0x80, $0x38;
	[tilespmem:$0x10100] =	vst v63  }
.LBB2_12:
0x109: {  	_ =	swait.ge [sflag:s12], $0x4000  }
0x10a: {  	[sflag:s12] =	ssyncset.done $0x0  }
0x10b: {  	[sflag:s12] =	ssyncadd.s32 $0xFFFFC000  }
0x10c: {  	v1 =	vld [tilespmem:$0x10];
	_ =	sdelay $0x4  }
0x10d: {  	v2 =	vshll.u32 v1, $0xC  }
0x10e: {  	v2 =	vperm.xlane v2, v0;
	_ =	sdelay $0x4  }
.Ltmp8:
0x10f: {  	[tilespmem:$0x80] =	vst v1;
	(pc) =	sbr.rel @p0 .LBB2_18-.Ltmp8, $4  }
0x110: {  	[tilespmem:s13], [sflag:$0x1] =	stream.indirect_vreg.gather [hbm4b:s5+s2], $0x1000, v2, vm0, $0x38;
	[tilespmem:$0x10100] =	vst v63  }
0x111: {  	_ =	swait.ge [sflag:s3], $0x10000  }
0x112: {  	[sflag:s3] =	ssyncset.done $0x0  }
0x113: {  	[sflag:s3] =	ssyncadd.s32 $0xFFFF0000  }
0x114: {  	s15 =	simm.s32 $0x100  }
0x115: {  	[hbm4b:s9+s2] =	stream.linear.scatter [tilespmem:s15], [sflag:$0x2], $0x80, $0x38;
	[tilespmem:$0x10100] =	vst v63  }
0x116: {  	s20 =	simm.s32 $0x1100;
	s16 =	sadd.s32 $0x10, s9  }
0x117: {  	[hbm4b:s16+s2] =	stream.linear.scatter [tilespmem:s20], [sflag:$0x2], $0x80, $0x38;
	[tilespmem:$0x10100] =	vst v63  }
0x118: {  	s21 =	simm.s32 $0x2100;
	s22 =	sadd.s32 $0x20, s9;
	s23 =	simm.s32 $0x3100  }
0x119: {  	[hbm4b:s22+s2] =	stream.linear.scatter [tilespmem:s21], [sflag:$0x2], $0x80, $0x38;
	[tilespmem:$0x10100] =	vst v63  }
0x11a: {  	s24 =	sadd.s32 $0x30, s9;
	s25 =	simm.s32 $0x4100;
	s26 =	sadd.s32 $0x40, s9  }
0x11b: {  	[hbm4b:s24+s2] =	stream.linear.scatter [tilespmem:s23], [sflag:$0x2], $0x80, $0x38;
	[tilespmem:$0x10100] =	vst v63  }
0x11c: {  	s28 =	simm.s32 $0x5100;
	s29 =	sadd.s32 $0x50, s9;
	s30 =	simm.s32 $0x6100  }
0x11d: {  	[hbm4b:s26+s2] =	stream.linear.scatter [tilespmem:s25], [sflag:$0x2], $0x80, $0x38;
	[tilespmem:$0x10100] =	vst v63  }
0x11e: {  	s31 =	sadd.s32 $0x60, s9;
	s17 =	simm.s32 $0x1000;
	s18 =	simm.s32 $0x7100  }
0x11f: {  	[hbm4b:s29+s2] =	stream.linear.scatter [tilespmem:s28], [sflag:$0x2], $0x80, $0x38;
	[tilespmem:$0x10100] =	vst v63  }
0x120: {  	s19 =	sadd.s32 $0x70, s9;
	s15 =	simm.s32 $0x200;
	s16 =	sadd.s32 $0x80, s9  }
0x121: {  	[hbm4b:s31+s2] =	stream.linear.scatter [tilespmem:s30], [sflag:$0x2], $0x80, $0x38;
	[tilespmem:$0x10100] =	vst v63  }
.LBB2_14:
0x122: {  	[hbm4b:s19+s2] =	stream.linear.scatter [tilespmem:s18], [sflag:$0x2], $0x80, $0x38;
	[tilespmem:$0x10100] =	vst v63  }
0x123: {  	s18 =	smov.u32 s15;
	s15 =	smov.u32 s17  }
0x124: {  	s20 =	sadd.s32 $0x800, s17;
	s15 =	sshra.s32 s15, $0x2;
	s19 =	sadd.s32 $0x100, s18  }
0x125: {  	[hbm4b:s16+s2] =	stream.linear.scatter [tilespmem:s19], [sflag:$0x2], $0x80, $0x38;
	[tilespmem:$0x10100] =	vst v63  }
0x126: {  	p1 =	sne.s32 s17, $0x3800;
	s17 =	sadd.s32 $0x1100, s18;
	s19 =	sadd.s32 $0x10, s16  }
0x127: {  	[hbm4b:s19+s2] =	stream.linear.scatter [tilespmem:s17], [sflag:$0x2], $0x80, $0x38;
	[tilespmem:$0x10100] =	vst v63  }
0x128: {  	s17 =	sadd.s32 $0x2100, s18;
	s19 =	sadd.s32 $0x20, s16  }
0x129: {  	[hbm4b:s19+s2] =	stream.linear.scatter [tilespmem:s17], [sflag:$0x2], $0x80, $0x38;
	[tilespmem:$0x10100] =	vst v63  }
0x12a: {  	s17 =	sadd.s32 $0x3100, s18;
	s19 =	sadd.s32 $0x30, s16  }
0x12b: {  	[hbm4b:s19+s2] =	stream.linear.scatter [tilespmem:s17], [sflag:$0x2], $0x80, $0x38;
	[tilespmem:$0x10100] =	vst v63  }
0x12c: {  	s17 =	sadd.s32 $0x4100, s18;
	s19 =	sadd.s32 $0x40, s16  }
0x12d: {  	[hbm4b:s19+s2] =	stream.linear.scatter [tilespmem:s17], [sflag:$0x2], $0x80, $0x38;
	[tilespmem:$0x10100] =	vst v63  }
.Ltmp9:
0x12e: {  	s17 =	sadd.s32 $0x5100, s18;
	s19 =	sadd.s32 $0x50, s16;
	(pc) =	sbr.rel @p1 .LBB2_14-.Ltmp9, $4  }
0x12f: {  	[hbm4b:s19+s2] =	stream.linear.scatter [tilespmem:s17], [sflag:$0x2], $0x80, $0x38;
	[tilespmem:$0x10100] =	vst v63  }
0x130: {  	s17 =	sadd.s32 $0x6100, s18;
	s19 =	sadd.s32 $0x60, s16;
	s18 =	sadd.s32 $0x7100, s18  }
0x131: {  	[hbm4b:s19+s2] =	stream.linear.scatter [tilespmem:s17], [sflag:$0x2], $0x80, $0x38;
	[tilespmem:$0x10100] =	vst v63  }
0x132: {  	s19 =	sadd.s32 $0x70, s16;
	s16 =	sadd.s32 $0x80, s16;
	s17 =	smov.u32 s20  }
0x133: {  	[hbm4b:s19+s2] =	stream.linear.scatter [tilespmem:s18], [sflag:$0x2], $0x80, $0x38;
	[tilespmem:$0x10100] =	vst v63  }
0x134: {  	s17 =	sadd.s32 $0x100, s15  }
0x135: {  	[hbm4b:s16+s2] =	stream.linear.scatter [tilespmem:s17], [sflag:$0x2], $0x80, $0x38;
	[tilespmem:$0x10100] =	vst v63  }
0x136: {  	s18 =	sadd.s32 $0x1100, s15;
	s19 =	sadd.s32 $0x10, s16  }
0x137: {  	[hbm4b:s19+s2] =	stream.linear.scatter [tilespmem:s18], [sflag:$0x2], $0x80, $0x38;
	[tilespmem:$0x10100] =	vst v63  }
0x138: {  	s20 =	sadd.s32 $0x2100, s15;
	s21 =	sadd.s32 $0x20, s16  }
0x139: {  	[hbm4b:s21+s2] =	stream.linear.scatter [tilespmem:s20], [sflag:$0x2], $0x80, $0x38;
	[tilespmem:$0x10100] =	vst v63  }
0x13a: {  	s22 =	sadd.s32 $0x3100, s15;
	s23 =	sadd.s32 $0x30, s16  }
0x13b: {  	[hbm4b:s23+s2] =	stream.linear.scatter [tilespmem:s22], [sflag:$0x2], $0x80, $0x38;
	[tilespmem:$0x10100] =	vst v63  }
0x13c: {  	s24 =	sadd.s32 $0x4100, s15;
	s25 =	sadd.s32 $0x40, s16  }
0x13d: {  	[hbm4b:s25+s2] =	stream.linear.scatter [tilespmem:s24], [sflag:$0x2], $0x80, $0x38;
	[tilespmem:$0x10100] =	vst v63  }
0x13e: {  	s26 =	sadd.s32 $0x5100, s15;
	s28 =	sadd.s32 $0x50, s16  }
0x13f: {  	[hbm4b:s28+s2] =	stream.linear.scatter [tilespmem:s26], [sflag:$0x2], $0x80, $0x38;
	[tilespmem:$0x10100] =	vst v63  }
0x140: {  	s29 =	sadd.s32 $0x6100, s15;
	s30 =	sadd.s32 $0x60, s16  }
0x141: {  	[hbm4b:s30+s2] =	stream.linear.scatter [tilespmem:s29], [sflag:$0x2], $0x80, $0x38;
	[tilespmem:$0x10100] =	vst v63  }
0x142: {  	s31 =	sadd.s32 $0x7100, s15;
	s17 =	sadd.s32 $0x70, s16  }
0x143: {  	[hbm4b:s17+s2] =	stream.linear.scatter [tilespmem:s31], [sflag:$0x2], $0x80, $0x38;
	[tilespmem:$0x10100] =	vst v63  }
0x144: {  	s16 =	sadd.s32 $0x400, s9;
	s18 =	simm.s32 $0x8100  }
0x145: {  	[hbm4b:s16+s2] =	stream.linear.scatter [tilespmem:s18], [sflag:$0x2], $0x80, $0x38;
	[tilespmem:$0x10100] =	vst v63  }
0x146: {  	s19 =	simm.s32 $0x9100;
	s20 =	sadd.s32 $0x10, s16  }
0x147: {  	[hbm4b:s20+s2] =	stream.linear.scatter [tilespmem:s19], [sflag:$0x2], $0x80, $0x38;
	[tilespmem:$0x10100] =	vst v63  }
0x148: {  	s15 =	simm.s32 $0x200;
	s21 =	simm.s32 $0xA100;
	s22 =	sadd.s32 $0x20, s16  }
0x149: {  	[hbm4b:s22+s2] =	stream.linear.scatter [tilespmem:s21], [sflag:$0x2], $0x80, $0x38;
	[tilespmem:$0x10100] =	vst v63  }
0x14a: {  	s23 =	simm.s32 $0xB100;
	s24 =	sadd.s32 $0x30, s16;
	s25 =	simm.s32 $0xC100  }
0x14b: {  	[hbm4b:s24+s2] =	stream.linear.scatter [tilespmem:s23], [sflag:$0x2], $0x80, $0x38;
	[tilespmem:$0x10100] =	vst v63  }
0x14c: {  	s26 =	sadd.s32 $0x40, s16;
	s28 =	simm.s32 $0xD100;
	s29 =	sadd.s32 $0x50, s16  }
0x14d: {  	[hbm4b:s26+s2] =	stream.linear.scatter [tilespmem:s25], [sflag:$0x2], $0x80, $0x38;
	[tilespmem:$0x10100] =	vst v63  }
0x14e: {  	s30 =	simm.s32 $0xE100;
	s31 =	sadd.s32 $0x60, s16;
	s17 =	simm.s32 $0x1000  }
0x14f: {  	[hbm4b:s29+s2] =	stream.linear.scatter [tilespmem:s28], [sflag:$0x2], $0x80, $0x38;
	[tilespmem:$0x10100] =	vst v63  }
0x150: {  	s18 =	simm.s32 $0xF100;
	s19 =	sadd.s32 $0x70, s16;
	s16 =	sadd.s32 $0x80, s16  }
0x151: {  	[hbm4b:s31+s2] =	stream.linear.scatter [tilespmem:s30], [sflag:$0x2], $0x80, $0x38;
	[tilespmem:$0x10100] =	vst v63  }
.LBB2_16:
0x152: {  	[hbm4b:s19+s2] =	stream.linear.scatter [tilespmem:s18], [sflag:$0x2], $0x80, $0x38;
	[tilespmem:$0x10100] =	vst v63  }
0x153: {  	s18 =	smov.u32 s15;
	s15 =	smov.u32 s17  }
0x154: {  	s20 =	sadd.s32 $0x800, s17;
	s15 =	sshra.s32 s15, $0x2;
	s19 =	sadd.s32 $0x8100, s18  }
0x155: {  	[hbm4b:s16+s2] =	stream.linear.scatter [tilespmem:s19], [sflag:$0x2], $0x80, $0x38;
	[tilespmem:$0x10100] =	vst v63  }
0x156: {  	p1 =	seq.s32 s17, $0x3800;
	s17 =	sadd.s32 $0x9100, s18;
	s19 =	sadd.s32 $0x10, s16  }
0x157: {  	[hbm4b:s19+s2] =	stream.linear.scatter [tilespmem:s17], [sflag:$0x2], $0x80, $0x38;
	[tilespmem:$0x10100] =	vst v63  }
0x158: {  	s17 =	sadd.s32 $0xA100, s18;
	s19 =	sadd.s32 $0x20, s16  }
0x159: {  	[hbm4b:s19+s2] =	stream.linear.scatter [tilespmem:s17], [sflag:$0x2], $0x80, $0x38;
	[tilespmem:$0x10100] =	vst v63  }
0x15a: {  	s17 =	sadd.s32 $0xB100, s18;
	s19 =	sadd.s32 $0x30, s16  }
0x15b: {  	[hbm4b:s19+s2] =	stream.linear.scatter [tilespmem:s17], [sflag:$0x2], $0x80, $0x38;
	[tilespmem:$0x10100] =	vst v63  }
0x15c: {  	s17 =	sadd.s32 $0xC100, s18;
	s19 =	sadd.s32 $0x40, s16  }
0x15d: {  	[hbm4b:s19+s2] =	stream.linear.scatter [tilespmem:s17], [sflag:$0x2], $0x80, $0x38;
	[tilespmem:$0x10100] =	vst v63  }
.Ltmp10:
0x15e: {  	s17 =	sadd.s32 $0xD100, s18;
	s19 =	sadd.s32 $0x50, s16;
	(pc) =	sbr.rel @!p1 .LBB2_16-.Ltmp10, $4  }
0x15f: {  	[hbm4b:s19+s2] =	stream.linear.scatter [tilespmem:s17], [sflag:$0x2], $0x80, $0x38;
	[tilespmem:$0x10100] =	vst v63  }
0x160: {  	s17 =	sadd.s32 $0xE100, s18;
	s19 =	sadd.s32 $0x60, s16;
	s18 =	sadd.s32 $0xF100, s18  }
0x161: {  	[hbm4b:s19+s2] =	stream.linear.scatter [tilespmem:s17], [sflag:$0x2], $0x80, $0x38;
	[tilespmem:$0x10100] =	vst v63  }
0x162: {  	s19 =	sadd.s32 $0x70, s16;
	s16 =	sadd.s32 $0x80, s16;
	s17 =	smov.u32 s20  }
0x163: {  	[hbm4b:s19+s2] =	stream.linear.scatter [tilespmem:s18], [sflag:$0x2], $0x80, $0x38;
	[tilespmem:$0x10100] =	vst v63  }
0x164: {  	s17 =	sadd.s32 $0x8100, s15  }
0x165: {  	[hbm4b:s16+s2] =	stream.linear.scatter [tilespmem:s17], [sflag:$0x2], $0x80, $0x38;
	[tilespmem:$0x10100] =	vst v63  }
0x166: {  	s30 =	sadd.s32 $0x9100, s15;
	s31 =	sadd.s32 $0x10, s16  }
0x167: {  	[hbm4b:s31+s2] =	stream.linear.scatter [tilespmem:s30], [sflag:$0x2], $0x80, $0x38;
	[tilespmem:$0x10100] =	vst v63  }
0x168: {  	s19 =	sadd.s32 $0xA100, s15;
	s20 =	sadd.s32 $0x20, s16  }
0x169: {  	[hbm4b:s20+s2] =	stream.linear.scatter [tilespmem:s19], [sflag:$0x2], $0x80, $0x38;
	[tilespmem:$0x10100] =	vst v63  }
0x16a: {  	s21 =	sadd.s32 $0xB100, s15;
	s22 =	sadd.s32 $0x30, s16  }
0x16b: {  	[hbm4b:s22+s2] =	stream.linear.scatter [tilespmem:s21], [sflag:$0x2], $0x80, $0x38;
	[tilespmem:$0x10100] =	vst v63  }
0x16c: {  	s23 =	sadd.s32 $0xC100, s15;
	s24 =	sadd.s32 $0x40, s16  }
0x16d: {  	[hbm4b:s24+s2] =	stream.linear.scatter [tilespmem:s23], [sflag:$0x2], $0x80, $0x38;
	[tilespmem:$0x10100] =	vst v63  }
0x16e: {  	s25 =	sadd.s32 $0xD100, s15;
	s26 =	sadd.s32 $0x50, s16  }
0x16f: {  	[hbm4b:s26+s2] =	stream.linear.scatter [tilespmem:s25], [sflag:$0x2], $0x80, $0x38;
	[tilespmem:$0x10100] =	vst v63  }
.Ltmp11:
0x170: {  	_ = 	snop;
	(pc) =	sbr.rel .LBB2_23-.Ltmp11, $4  }
0x171: {  	s28 =	sadd.s32 $0xE100, s15;
	s29 =	sadd.s32 $0x60, s16  }
0x172: {  	[hbm4b:s29+s2] =	stream.linear.scatter [tilespmem:s28], [sflag:$0x2], $0x80, $0x38;
	[tilespmem:$0x10100] =	vst v63  }
0x173: {  	s30 =	sadd.s32 $0xF100, s15;
	s31 =	sadd.s32 $0x70, s16  }
0x174: {  	[hbm4b:s31+s2] =	stream.linear.scatter [tilespmem:s30], [sflag:$0x2], $0x80, $0x38;
	[tilespmem:$0x10100] =	vst v63  }
.LBB2_18:
0x175: {  	s15 =	sadd.s32 $0x0, s11  }
0x176: {  	[hbm4b:s8+s2] =	stream.linear.scatter [tilespmem:s15], [sflag:$0x2], $0x80, $0x38;
	[tilespmem:$0x10100] =	vst v63  }
0x177: {  	s17 =	sadd.s32 $0x10, s8;
	s16 =	sadd.s32 $0x1000, s15  }
0x178: {  	[hbm4b:s17+s2] =	stream.linear.scatter [tilespmem:s16], [sflag:$0x2], $0x80, $0x38;
	[tilespmem:$0x10100] =	vst v63  }
0x179: {  	s22 =	sadd.s32 $0x20, s8;
	s24 =	sadd.s32 $0x30, s8;
	s21 =	sadd.s32 $0x2000, s15  }
0x17a: {  	[hbm4b:s22+s2] =	stream.linear.scatter [tilespmem:s21], [sflag:$0x2], $0x80, $0x38;
	[tilespmem:$0x10100] =	vst v63  }
0x17b: {  	s26 =	sadd.s32 $0x40, s8;
	s29 =	sadd.s32 $0x50, s8;
	s23 =	sadd.s32 $0x3000, s15  }
0x17c: {  	[hbm4b:s24+s2] =	stream.linear.scatter [tilespmem:s23], [sflag:$0x2], $0x80, $0x38;
	[tilespmem:$0x10100] =	vst v63  }
0x17d: {  	s31 =	sadd.s32 $0x60, s8;
	s19 =	sadd.s32 $0x70, s8;
	s25 =	sadd.s32 $0x4000, s15  }
0x17e: {  	[hbm4b:s26+s2] =	stream.linear.scatter [tilespmem:s25], [sflag:$0x2], $0x80, $0x38;
	[tilespmem:$0x10100] =	vst v63  }
0x17f: {  	s28 =	sadd.s32 $0x5000, s15;
	s30 =	sadd.s32 $0x6000, s15;
	s18 =	sadd.s32 $0x7000, s15  }
0x180: {  	[hbm4b:s29+s2] =	stream.linear.scatter [tilespmem:s28], [sflag:$0x2], $0x80, $0x38;
	[tilespmem:$0x10100] =	vst v63  }
0x181: {  	s15 =	sadd.s32 $0x80, s8;
	s16 =	simm.s32 $0x200;
	s17 =	simm.s32 $0x1000  }
0x182: {  	[hbm4b:s31+s2] =	stream.linear.scatter [tilespmem:s30], [sflag:$0x2], $0x80, $0x38;
	[tilespmem:$0x10100] =	vst v63  }
.LBB2_19:
0x183: {  	[hbm4b:s19+s2] =	stream.linear.scatter [tilespmem:s18], [sflag:$0x2], $0x80, $0x38;
	[tilespmem:$0x10100] =	vst v63  }
0x184: {  	s18 =	smov.u32 s17  }
0x185: {  	s20 =	sadd.s32 $0x800, s17;
	s19 =	sadd.s32 s16, s11;
	s16 =	sshra.s32 s18, $0x2  }
0x186: {  	[hbm4b:s15+s2] =	stream.linear.scatter [tilespmem:s19], [sflag:$0x2], $0x80, $0x38;
	[tilespmem:$0x10100] =	vst v63  }
0x187: {  	p1 =	sne.s32 s17, $0x3800;
	s17 =	sadd.s32 $0x1000, s19;
	s18 =	sadd.s32 $0x10, s15  }
0x188: {  	[hbm4b:s18+s2] =	stream.linear.scatter [tilespmem:s17], [sflag:$0x2], $0x80, $0x38;
	[tilespmem:$0x10100] =	vst v63  }
0x189: {  	s17 =	sadd.s32 $0x2000, s19;
	s18 =	sadd.s32 $0x20, s15  }
0x18a: {  	[hbm4b:s18+s2] =	stream.linear.scatter [tilespmem:s17], [sflag:$0x2], $0x80, $0x38;
	[tilespmem:$0x10100] =	vst v63  }
0x18b: {  	s17 =	sadd.s32 $0x3000, s19;
	s18 =	sadd.s32 $0x30, s15  }
0x18c: {  	[hbm4b:s18+s2] =	stream.linear.scatter [tilespmem:s17], [sflag:$0x2], $0x80, $0x38;
	[tilespmem:$0x10100] =	vst v63  }
0x18d: {  	s17 =	sadd.s32 $0x4000, s19;
	s18 =	sadd.s32 $0x40, s15  }
0x18e: {  	[hbm4b:s18+s2] =	stream.linear.scatter [tilespmem:s17], [sflag:$0x2], $0x80, $0x38;
	[tilespmem:$0x10100] =	vst v63  }
0x18f: {  	s17 =	sadd.s32 $0x5000, s19;
	s18 =	sadd.s32 $0x50, s15  }
0x190: {  	[hbm4b:s18+s2] =	stream.linear.scatter [tilespmem:s17], [sflag:$0x2], $0x80, $0x38;
	[tilespmem:$0x10100] =	vst v63  }
.Ltmp12:
0x191: {  	_ = 	snop;
	(pc) =	sbr.rel @p1 .LBB2_19-.Ltmp12, $4  }
0x192: {  	s17 =	sadd.s32 $0x6000, s19;
	s18 =	sadd.s32 $0x60, s15  }
0x193: {  	[hbm4b:s18+s2] =	stream.linear.scatter [tilespmem:s17], [sflag:$0x2], $0x80, $0x38;
	[tilespmem:$0x10100] =	vst v63  }
0x194: {  	s18 =	sadd.s32 $0x7000, s19  }
0x195: {  	s19 =	sadd.s32 $0x70, s15;
	s15 =	sadd.s32 $0x80, s15;
	s17 =	smov.u32 s20  }
0x196: {  	[hbm4b:s19+s2] =	stream.linear.scatter [tilespmem:s18], [sflag:$0x2], $0x80, $0x38;
	[tilespmem:$0x10100] =	vst v63  }
0x197: {  	s16 =	sadd.s32 s16, s11  }
0x198: {  	[hbm4b:s15+s2] =	stream.linear.scatter [tilespmem:s16], [sflag:$0x2], $0x80, $0x38;
	[tilespmem:$0x10100] =	vst v63  }
0x199: {  	s19 =	sadd.s32 $0x10, s15;
	s17 =	sadd.s32 $0x1000, s16  }
0x19a: {  	[hbm4b:s19+s2] =	stream.linear.scatter [tilespmem:s17], [sflag:$0x2], $0x80, $0x38;
	[tilespmem:$0x10100] =	vst v63  }
0x19b: {  	s21 =	sadd.s32 $0x20, s15;
	s20 =	sadd.s32 $0x2000, s16  }
0x19c: {  	[hbm4b:s21+s2] =	stream.linear.scatter [tilespmem:s20], [sflag:$0x2], $0x80, $0x38;
	[tilespmem:$0x10100] =	vst v63  }
0x19d: {  	s23 =	sadd.s32 $0x30, s15;
	s22 =	sadd.s32 $0x3000, s16  }
0x19e: {  	[hbm4b:s23+s2] =	stream.linear.scatter [tilespmem:s22], [sflag:$0x2], $0x80, $0x38;
	[tilespmem:$0x10100] =	vst v63  }
0x19f: {  	s25 =	sadd.s32 $0x40, s15;
	s24 =	sadd.s32 $0x4000, s16  }
0x1a0: {  	[hbm4b:s25+s2] =	stream.linear.scatter [tilespmem:s24], [sflag:$0x2], $0x80, $0x38;
	[tilespmem:$0x10100] =	vst v63  }
0x1a1: {  	s28 =	sadd.s32 $0x50, s15;
	s26 =	sadd.s32 $0x5000, s16  }
0x1a2: {  	[hbm4b:s28+s2] =	stream.linear.scatter [tilespmem:s26], [sflag:$0x2], $0x80, $0x38;
	[tilespmem:$0x10100] =	vst v63  }
0x1a3: {  	s30 =	sadd.s32 $0x60, s15;
	s29 =	sadd.s32 $0x6000, s16  }
0x1a4: {  	[hbm4b:s30+s2] =	stream.linear.scatter [tilespmem:s29], [sflag:$0x2], $0x80, $0x38;
	[tilespmem:$0x10100] =	vst v63  }
0x1a5: {  	s31 =	sadd.s32 $0x70, s15;
	s16 =	sadd.s32 $0x7000, s16;
	s15 =	sadd.s32 $0x0, s11  }
0x1a6: {  	[hbm4b:s31+s2] =	stream.linear.scatter [tilespmem:s16], [sflag:$0x2], $0x80, $0x38;
	[tilespmem:$0x10100] =	vst v63  }
0x1a7: {  	s17 =	sadd.s32 $0x8000, s15;
	s20 =	sadd.s32 $0x400, s8  }
0x1a8: {  	[hbm4b:s20+s2] =	stream.linear.scatter [tilespmem:s17], [sflag:$0x2], $0x80, $0x38;
	[tilespmem:$0x10100] =	vst v63  }
0x1a9: {  	s18 =	sadd.s32 $0x9000, s15;
	s19 =	sadd.s32 $0x10, s20  }
0x1aa: {  	[hbm4b:s19+s2] =	stream.linear.scatter [tilespmem:s18], [sflag:$0x2], $0x80, $0x38;
	[tilespmem:$0x10100] =	vst v63  }
0x1ab: {  	s21 =	sadd.s32 $0xA000, s15;
	s22 =	sadd.s32 $0x20, s20;
	s23 =	sadd.s32 $0xB000, s15  }
0x1ac: {  	[hbm4b:s22+s2] =	stream.linear.scatter [tilespmem:s21], [sflag:$0x2], $0x80, $0x38;
	[tilespmem:$0x10100] =	vst v63  }
0x1ad: {  	s24 =	sadd.s32 $0x30, s20;
	s25 =	sadd.s32 $0xC000, s15;
	s26 =	sadd.s32 $0x40, s20  }
0x1ae: {  	[hbm4b:s24+s2] =	stream.linear.scatter [tilespmem:s23], [sflag:$0x2], $0x80, $0x38;
	[tilespmem:$0x10100] =	vst v63  }
0x1af: {  	s28 =	sadd.s32 $0xD000, s15;
	s29 =	sadd.s32 $0x50, s20;
	s30 =	sadd.s32 $0xE000, s15  }
0x1b0: {  	[hbm4b:s26+s2] =	stream.linear.scatter [tilespmem:s25], [sflag:$0x2], $0x80, $0x38;
	[tilespmem:$0x10100] =	vst v63  }
0x1b1: {  	s31 =	sadd.s32 $0x60, s20;
	s16 =	simm.s32 $0x200;
	s17 =	simm.s32 $0x1000  }
0x1b2: {  	[hbm4b:s29+s2] =	stream.linear.scatter [tilespmem:s28], [sflag:$0x2], $0x80, $0x38;
	[tilespmem:$0x10100] =	vst v63  }
0x1b3: {  	s18 =	sadd.s32 $0xF000, s15;
	s19 =	sadd.s32 $0x70, s20;
	s15 =	sadd.s32 $0x80, s20  }
0x1b4: {  	[hbm4b:s31+s2] =	stream.linear.scatter [tilespmem:s30], [sflag:$0x2], $0x80, $0x38;
	[tilespmem:$0x10100] =	vst v63  }
.LBB2_21:
0x1b5: {  	[hbm4b:s19+s2] =	stream.linear.scatter [tilespmem:s18], [sflag:$0x2], $0x80, $0x38;
	[tilespmem:$0x10100] =	vst v63  }
0x1b6: {  	s18 =	smov.u32 s17  }
0x1b7: {  	s20 =	sadd.s32 $0x800, s17;
	s19 =	sadd.s32 s16, s11;
	s16 =	sshra.s32 s18, $0x2  }
0x1b8: {  	p1 =	sne.s32 s17, $0x3800;
	s17 =	sadd.s32 $0x8000, s19  }
0x1b9: {  	[hbm4b:s15+s2] =	stream.linear.scatter [tilespmem:s17], [sflag:$0x2], $0x80, $0x38;
	[tilespmem:$0x10100] =	vst v63  }
0x1ba: {  	s18 =	sadd.s32 $0x10, s15;
	s17 =	sadd.s32 $0x9000, s19  }
0x1bb: {  	[hbm4b:s18+s2] =	stream.linear.scatter [tilespmem:s17], [sflag:$0x2], $0x80, $0x38;
	[tilespmem:$0x10100] =	vst v63  }
0x1bc: {  	s17 =	sadd.s32 $0xA000, s19;
	s18 =	sadd.s32 $0x20, s15  }
0x1bd: {  	[hbm4b:s18+s2] =	stream.linear.scatter [tilespmem:s17], [sflag:$0x2], $0x80, $0x38;
	[tilespmem:$0x10100] =	vst v63  }
0x1be: {  	s17 =	sadd.s32 $0xB000, s19;
	s18 =	sadd.s32 $0x30, s15  }
0x1bf: {  	[hbm4b:s18+s2] =	stream.linear.scatter [tilespmem:s17], [sflag:$0x2], $0x80, $0x38;
	[tilespmem:$0x10100] =	vst v63  }
0x1c0: {  	s17 =	sadd.s32 $0xC000, s19;
	s18 =	sadd.s32 $0x40, s15  }
0x1c1: {  	[hbm4b:s18+s2] =	stream.linear.scatter [tilespmem:s17], [sflag:$0x2], $0x80, $0x38;
	[tilespmem:$0x10100] =	vst v63  }
0x1c2: {  	s17 =	sadd.s32 $0xD000, s19;
	s18 =	sadd.s32 $0x50, s15  }
0x1c3: {  	[hbm4b:s18+s2] =	stream.linear.scatter [tilespmem:s17], [sflag:$0x2], $0x80, $0x38;
	[tilespmem:$0x10100] =	vst v63  }
.Ltmp13:
0x1c4: {  	_ = 	snop;
	(pc) =	sbr.rel @p1 .LBB2_21-.Ltmp13, $4  }
0x1c5: {  	s17 =	sadd.s32 $0xE000, s19;
	s18 =	sadd.s32 $0x60, s15  }
0x1c6: {  	[hbm4b:s18+s2] =	stream.linear.scatter [tilespmem:s17], [sflag:$0x2], $0x80, $0x38;
	[tilespmem:$0x10100] =	vst v63  }
0x1c7: {  	s18 =	sadd.s32 $0xF000, s19  }
0x1c8: {  	s19 =	sadd.s32 $0x70, s15;
	s15 =	sadd.s32 $0x80, s15;
	s17 =	smov.u32 s20  }
.Ltmp14:
0x1c9: {  	_ = 	snop;
	(pc) =	sbr.rel .LBB2_22-.Ltmp14, $1  }
0x1ca: {  	_ =	sdelay $0x3  }
.LBB2_24:
0x1cb: {  	_ =	sfence.sel $0x180000  }
0x1cc: {  	[bflag:$0x0] =	sbarrier.arrive $0xFFFF  }
0x1cd: {  	p0 =	sne.s32 s0, $0x0;
	_ =	strace $0x9000004A  }
0x1ce: {  	s0 =	sadd.s32 @!p0 $0x100000, s1;
	[bflag:$0x2] =	sbarrier.arrive $0xFFFF  }
0x1cf: {  	[sflag:s0] =	ssyncadd.tile.s32 @!p0 $0x1;
	_ =	shalt  }
.Lfunc_end2:
_tile_overlayer_lowered:
.L_overlay_start_2:
0x1d0: {  	(tag) =	ssettag $0x2  }
0x1d1: {  	s0 =	rddreg [dreg:$0x0];
	s2 =	stileid.u32  }
0x1d2: {  	s1 =	rddreg [dreg:$0x1];
	p0 =	sne.s32 s2, $0x0  }
0x1d3: {  	s3 =	rddreg [dreg:$0x2];
	[bflag:$0x3] =	sbarrier.arrive $0xFFFF;
	s2 =	simm.s32 @!p0 $0x1C02  }
0x1d4: {  	[timem:s3], [sflag:s2] =	dma.local @!p0 [hbm:s0], s1  }
0x1d5: {  	s0 =	simm.s32 @!p0 $0x2  }
0x1d6: {  	_ =	swait.ge @!p0 [sflag:s0], s1  }
0x1d7: {  	s1 =	ssub.s32 @!p0 $0x0, s1;
	[sflag:s0] =	ssyncset.done @!p0 $0x0  }
0x1d8: {  	[sflag:s0] =	ssyncadd.s32 @!p0 s1  }
0x1d9: {  	[bflag:$0x3] =	sbarrier.arrive $0xFFFF  }
0x1da: {  	_ =	shalt  }

// kernel: kernel.13.cloned.1.call-start
scs
__scs_entry_jumppad:
0x0: {  	(pc) =	sbr.rel $0x88, $3  }
0x1: {  	(tag) =	ssettag $0x0;
	lr =	simm.s32 $0x1  }
0x2: {  	[smem:$0x3F9D] =	sst lr;
	_ =	strace $0xD0000000  }
0x3: {  	_ = 	snop  }
0x4: {  	_ = 	snop  }
0x5: {  	_ = 	snop  }
0x6: {  	_ = 	snop  }
0x7: {  	_ = 	snop  }
__scs_overlays_trampoline_lowered:
0x8: {  	[smem:$0x3FAC] =	sst s0  }
0x9: {  	[smem:$0x3FAD] =	sst s1  }
0xa: {  	[smem:$0x3FAE] =	sst s2  }
0xb: {  	[smem:$0x3FAF] =	sst s3  }
0xc: {  	[smem:$0x3FB0] =	sst s4  }
0xd: {  	[smem:$0x3FB1] =	sst s5  }
0xe: {  	[smem:$0x3FB2] =	sst s6  }
0xf: {  	[smem:$0x3FB3] =	sst s7  }
0x10: {  	[smem:$0x3FB4] =	sst s8  }
0x11: {  	[smem:$0x3FB5] =	sst s9;
	s0 =	simm.s32 @!p0 $0x0  }
0x12: {  	s1 =	sld [smem:$0x3F9B];
	s0 =	simm.s32 @p0 $0x1  }
0x13: {  	[smem:$0x3FB6] =	sst s0;
	s0 =	simm.s32 @!p1 $0x0  }
0x14: {  	s2 =	sld [smem:$0x3F9A];
	s0 =	simm.s32 @p1 $0x1  }
0x15: {  	[smem:$0x3FB7] =	sst s0;
	s0 =	simm.s32 @!p2 $0x0  }
0x16: {  	s3 =	sld [smem:$0x3FDB];
	s0 =	simm.s32 @p2 $0x1  }
0x17: {  	s4 =	simm.s32 $0x1BF5;
	[smem:$0x3FB9] =	sst s0  }
0x18: {  	s0 =	sld [smem:$0x3F9C];
	_ =	swait.ge [sflag:s4], $0x0  }
0x19: {  	s7 =	sld [smem:$0x3F9D]  }
0x1a: {  	s8 =	sadd.s32 $0xFFFFE003, lr  }
0x1b: {  	s9 =	sadd.s32 $0xFFFFFEF7, lr;
	s5 =	simm.s32 $0xFFFFFFFF;
	p2 =	slt.u32 s8, $0xFFFFF086  }
0x1c: {  	p1 =	slt.u32 s9, $0xF7A;
	s5 =	simm.s32 @!p2 $0x0  }
0x1d: {  	s5 =	simm.s32 @p1 $0x1;
	p0 =	seq.s32 s7, s2  }
0x1e: {  	s7 =	smul.u32 @!p0 $0xF7A, s2;
	p2 =	seq.s32 @!p0 s5, $0x0  }
0x1f: {  	s9 =	smul.u32 $0xF7A, s1;
	s8 =	simm.s32 @!p0 $0x1BF5;
	p2 =	por !p2, p0  }
0x20: {  	[sflag:s8] =	ssyncset.s32 @!p0 $0xFFFFF086;
	s6 =	sadd.s32 @!p0 s3, s7;
	s7 =	simm.s32 @!p0 $0x108  }
0x21: {  	s3 =	sadd.s32 s3, s9;
	s6 =	sadd.s32 @!p0 $0x88, s6;
	s7 =	simm.s32 @p2 $0x1082  }
0x22: {  	[simem:s7], [sflag:s8] =	dma.local @!p0 [hbm:s6], $0xF7A  }
0x23: {  	s9 =	sor.u32 $0xD0000000, s2;
	s6 =	simm.s32 $0x108;
	_ =	swait.ge @!p0 [sflag:s8], $0x0  }
0x24: {  	s3 =	sadd.s32 $0x88, s3;
	s6 =	simm.s32 @!p1 $0x1082;
	[sflag:s4] =	ssyncset.s32 $0xFFFFF086  }
0x25: {  	[simem:s6], [sflag:s4] =	dma.local [hbm:s3], $0xF7A  }
0x26: {  	[smem:$0x3F9D] =	sst s1;
	(tag) =	ssettag s2;
	_ =	strace s9  }
0x27: {  	s1 =	sld [smem:$0x3FAD]  }
0x28: {  	s2 =	sld [smem:$0x3FAE]  }
0x29: {  	s4 =	sld [smem:$0x3FB0]  }
0x2a: {  	p0 =	seq.s32 s5, $0x0;
	s5 =	sld [smem:$0x3FB1]  }
0x2b: {  	s6 =	sld [smem:$0x3FB2]  }
0x2c: {  	s7 =	sld [smem:$0x3FB3]  }
0x2d: {  	s3 =	simm.s32 $0x108;
	s8 =	sld [smem:$0x3FB4]  }
0x2e: {  	s3 =	simm.s32 @!p0 $0x1082;
	s9 =	sld [smem:$0x3FB5]  }
0x2f: {  	lr =	sadd.s32 s0, s3;
	s0 =	sld [smem:$0x3FAC]  }
0x30: {  	s3 =	sld [smem:$0x3FAF]  }
0x31: {  	[smem:$0x3FB8] =	sst s10  }
0x32: {  	s10 =	sld [smem:$0x3FB6];
	_ =	sdelay $0x3  }
0x33: {  	p0 =	seq.s32 s10, $0x1;
	s10 =	sld [smem:$0x3FB8];
	_ =	sdelay $0x3  }
0x34: {  	[smem:$0x3FB8] =	sst s10  }
0x35: {  	s10 =	sld [smem:$0x3FB7];
	_ =	sdelay $0x3  }
0x36: {  	p1 =	seq.s32 s10, $0x1;
	s10 =	sld [smem:$0x3FB8];
	_ =	sdelay $0x3  }
0x37: {  	[smem:$0x3FB8] =	sst s10  }
0x38: {  	s10 =	sld [smem:$0x3FB9]  }
0x39: {  	_ = 	snop;
	(pc) =	sbr.ind lr, $3  }
0x3a: {  	_ = 	snop  }
0x3b: {  	_ = 	snop  }
0x3c: {  	p2 =	seq.s32 s10, $0x1;
	s10 =	sld [smem:$0x3FB8]  }
0x3d: {  	_ =	shalt  }
0x3e: {  	_ =	shalt  }
0x3f: {  	_ =	shalt  }
0x40: {  	_ =	shalt  }
0x41: {  	_ =	shalt  }
0x42: {  	_ =	shalt  }
0x43: {  	_ =	shalt  }
0x44: {  	_ =	shalt  }
0x45: {  	_ =	shalt  }
0x46: {  	_ =	shalt  }
0x47: {  	_ =	shalt  }
0x48: {  	_ =	shalt  }
0x49: {  	_ =	shalt  }
0x4a: {  	_ =	shalt  }
0x4b: {  	_ =	shalt  }
0x4c: {  	_ =	shalt  }
0x4d: {  	_ =	shalt  }
0x4e: {  	_ =	shalt  }
0x4f: {  	_ =	shalt  }
0x50: {  	_ =	shalt  }
0x51: {  	_ =	shalt  }
0x52: {  	_ =	shalt  }
0x53: {  	_ =	shalt  }
0x54: {  	_ =	shalt  }
0x55: {  	_ =	shalt  }
0x56: {  	_ =	shalt  }
0x57: {  	_ =	shalt  }
0x58: {  	_ =	shalt  }
0x59: {  	_ =	shalt  }
0x5a: {  	_ =	shalt  }
0x5b: {  	_ =	shalt  }
0x5c: {  	_ =	shalt  }
0x5d: {  	_ =	shalt  }
0x5e: {  	_ =	shalt  }
0x5f: {  	_ =	shalt  }
0x60: {  	_ =	shalt  }
0x61: {  	_ =	shalt  }
0x62: {  	_ =	shalt  }
0x63: {  	_ =	shalt  }
0x64: {  	_ =	shalt  }
0x65: {  	_ =	shalt  }
0x66: {  	_ =	shalt  }
0x67: {  	_ =	shalt  }
0x68: {  	_ =	shalt  }
0x69: {  	_ =	shalt  }
0x6a: {  	_ =	shalt  }
0x6b: {  	_ =	shalt  }
0x6c: {  	_ =	shalt  }
0x6d: {  	_ =	shalt  }
0x6e: {  	_ =	shalt  }
0x6f: {  	_ =	shalt  }
0x70: {  	_ =	shalt  }
0x71: {  	_ =	shalt  }
0x72: {  	_ =	shalt  }
0x73: {  	_ =	shalt  }
0x74: {  	_ =	shalt  }
0x75: {  	_ =	shalt  }
0x76: {  	_ =	shalt  }
0x77: {  	_ =	shalt  }
0x78: {  	_ =	shalt  }
0x79: {  	_ =	shalt  }
0x7a: {  	_ =	shalt  }
0x7b: {  	_ =	shalt  }
0x7c: {  	_ =	shalt  }
0x7d: {  	_ =	shalt  }
0x7e: {  	_ =	shalt  }
0x7f: {  	_ =	shalt  }
0x80: {  	_ =	shalt  }
0x81: {  	_ =	shalt  }
0x82: {  	_ =	shalt  }
0x83: {  	_ =	shalt  }
0x84: {  	_ =	shalt  }
0x85: {  	_ =	shalt  }
0x86: {  	_ =	shalt  }
0x87: {  	_ =	shalt  }
.Lfunc_end0:
.L_simem_size_0:
called_computation.2_lowered:
.L_overlay_start_0:
0x88: {  	s2 =	sld [smem:$0x3FD9]  }
0x89: {  	s3 =	sld [smem:$0x3FFE];
	_ =	sdelay $0x1  }
0x8a: {  	s1 =	srdreg.scid  }
0x8b: {  	s0 =	sand.u32 $0x1, s1  }
0x8c: {  	s17 =	sshll.u32 s0, $0xA;
	s2 =	sadd.s32 s3, s2  }
0x8d: {  	s2 =	sadd.s32 s2, s17  }
0x8e: {  	[smem:$0x3FC4] =	sst s2  }
0x8f: {  	_ = 	snop  }
0x90: {  	s18 =	sld [smem:$0x3FC9];
	(tm) =	ssettm $0x1  }
0x91: {  	s19 =	sld [smem:$0x3FFB];
	_ =	sdelay $0x3  }
0x92: {  	_ =	strace s19  }
0x93: {  	s2 =	sld [smem:$0x3FFC];
	_ =	sdelay $0x3  }
0x94: {  	_ =	strace s2  }
0x95: {  	s2 =	sld [smem:$0x3FFD];
	_ =	sdelay $0x3  }
0x96: {  	_ =	strace s2  }
0x97: {  	_ =	strace $0x8FFFFFFF  }
0x98: {  	s20 =	sld [smem:$0x3FDB];
	_ =	sdelay $0x1  }
0x99: {  	s4 =	simm.s32 $_scs_section_size  }
0x9a: {  	s5 =	simm.s32 $_size__tile_overlayer_lowered;
	s6 =	simm.s32 $_tile_overlayer_lowered  }
0x9b: {  	s7 =	simm.s32 $0x1BFF;
	s21 =	sshll.u32 s6, $0x1;
	s4 =	sadd.s32 s4, s20  }
0x9c: {  	s22 =	simm.s32 $0x0;
	s5 =	sshll.u32 s5, $0x1;
	s6 =	sadd.s32 s21, s4  }
0x9d: {  	[timem:s22], [sflag:s7] =	dma.local [hbm:s6], s5  }
0x9e: {  	_ =	swait.ge [sflag:s7], s5  }
0x9f: {  	s5 =	ssub.s32 $0x0, s5;
	[sflag:s7] =	ssyncset.done $0x0  }
0xa0: {  	[sflag:s7] =	ssyncadd.s32 s5;
	_ =	sdelay $0x1  }
0xa1: {  	s23 =	simm.s32 $0x1B8B  }
0xa2: {  	_ =	swait.ge [sflag:s23], $0x1  }
0xa3: {  	[sflag:s23] =	ssyncset.done $0x0  }
0xa4: {  	[sflag:s23] =	ssyncadd.s32 $0xFFFFFFFF  }
0xa5: {  	s5 =	sld [smem:$0x0]  }
0xa6: {  	s6 =	sand.u32 $0xFFFFFFFE, s1  }
0xa7: {  	p0 =	sne.s32 s1, s6  }
0xa8: {  	s6 =	sshll.u32 @p0 s6, $0xE  }
0xa9: {  	s6 =	sadd.s32 @p0 $0x11B8D, s6;
	s7 =	sshll.u32 @p0 s5, $0x11  }
0xaa: {  	s6 =	sor.u32 @p0 s7, s6  }
0xab: {  	[sflag:s6] =	ssyncadd.remote.s32 @p0 $0x1;
	_ =	sdelay $0x1  }
0xac: {  	s6 =	simm.s32 @p0 $0x1B8D  }
0xad: {  	_ =	swait.eq @p0 [sflag:s6], $0x1  }
0xae: {  	[sflag:s6] =	ssyncadd.s32 @p0 $0xFFFFFFFF  }
0xaf: {  	s7 =	sshll.u32 @!p0 s1, $0xE  }
0xb0: {  	s7 =	sor.u32 @!p0 $0x4000, s7;
	s6 =	simm.s32 @!p0 $0x1B8D  }
0xb1: {  	s5 =	sshll.u32 @!p0 s5, $0x11;
	s7 =	sadd.s32 @!p0 $0x11B8D, s7;
	_ =	swait.eq @!p0 [sflag:s6], $0x1  }
0xb2: {  	s5 =	sor.u32 @!p0 s5, s7;
	[sflag:s6] =	ssyncadd.s32 @!p0 $0xFFFFFFFF  }
0xb3: {  	s25 =	simm.s32 $0x1B8E;
	s24 =	sld [smem:$0x3FFE];
	[sflag:s5] =	ssyncadd.remote.s32 @!p0 $0x1  }
0xb4: {  	s26 =	simm.s32 $execute0_lowered;
	[smem:$0x3FD2] =	sst s25  }
0xb5: {  	s6 =	sshll.u32 s26, $0x1;
	_ =	strace $0x8000004C;
	[dreg:$0x1] =	wrdreg $0xFFFFFFFF  }
0xb6: {  	s28 =	simm.s32 $_size_execute0_lowered;
	s4 =	sadd.s32 s4, s6;
	[dreg:$0x0] =	wrdreg $0x0  }
0xb7: {  	s6 =	sshll.u32 s28, $0x1;
	[dreg:$0x2] =	wrdreg s4  }
0xb8: {  	[dreg:$0x3] =	wrdreg s6  }
0xb9: {  	[dreg:$0x4] =	wrdreg $0xC0  }
0xba: {  	_ =	task [dreg:s22], $0x5FFFF  }
0xbb: {  	[dreg:$0x1] =	wrdreg $0xFFFFFFFF  }
0xbc: {  	[dreg:$0x0] =	wrdreg $0x60  }
0xbd: {  	[dreg:$0x2] =	wrdreg s24  }
0xbe: {  	[dreg:$0x3] =	wrdreg s18  }
0xbf: {  	[dreg:$0x4] =	wrdreg $0xA  }
0xc0: {  	_ =	task.clear_ibuf [dreg:s22], $0x5FFFF;
	_ =	strace $0x9000004C  }
0xc1: {  	s29 =	simm.s32 $0xA;
	_ =	strace $0x8000004E  }
0xc2: {  	_ =	swait.ge [sflag:s29], $0x1  }
0xc3: {  	[sflag:s29] =	ssyncadd.s32 $0xFFFFFFFF  }
0xc4: {  	_ =	strace $0x9000004E  }
0xc5: {  	_ =	sfence  }
0xc6: {  	s30 =	sld [smem:$0x0];
	_ =	sdelay $0x2  }
0xc7: {  	s31 =	sshll.u32 s1, $0xD;
	s1 =	sshrl.u32 s1, $0x2  }
0xc8: {  	s4 =	sand.u32 $0x4000, s31;
	s1 =	sadd.s32 s1, s30  }
0xc9: {  	s0 =	sor.u32 s4, s0;
	s1 =	sshll.u32 s1, $0x11  }
0xca: {  	s0 =	sor.u32 s1, s0  }
0xcb: {  	s0 =	sadd.s32 $0x8F2B, s0  }
0xcc: {  	[sflag:s0] =	ssyncadd.remote.s32 $0x1  }
0xcd: {  	_ =	sfence.sel $0xFFFF  }
0xce: {  	[dreg:$0x0] =	wrdreg $0xFFFFFFFF;
	(pc) =	sbr.abs _section_cstart, $3  }
0xcf: {  	[dreg:$0x1] =	wrdreg $0xFFFFFFFF  }
0xd0: {  	_ =	task.clear_ibuf [dreg:s22], $0x2FFFF;
	_ =	strace $0x9FFFFFFF  }
0xd1: {  	(tm) =	ssettm $0x7FFFFFFF  }
tec
execute0_lowered:
.L_overlay_start_1:
0x0: {  	(tag) =	ssettag $0x1  }
0x1: {  	s3 =	rddreg [dreg:$0x0]  }
0x2: {  	s4 =	rddreg [dreg:$0x1]  }
0x3: {  	s0 =	rddreg [dreg:$0x2]  }
0x4: {  	s5 =	srdreg.scid;
	s1 =	stileid.u32;
	s2 =	simm.s32 $0x0  }
0x5: {  	s10 =	simm.s32 $0x880;
	s12 =	simm.s32 $0x1080;
	s14 =	simm.s32 $0x1880  }
0x6: {  	s15 =	simm.s32 $0x2080;
	s16 =	simm.s32 $0x2880;
	s17 =	simm.s32 $0x3080  }
0x7: {  	s18 =	simm.s32 $0x3880;
	s19 =	simm.s32 $0x4080;
	s20 =	simm.s32 $0x4880  }
0x8: {  	s21 =	simm.s32 $0x5080;
	s22 =	simm.s32 $0x5880;
	s23 =	simm.s32 $0x6080  }
0x9: {  	s24 =	simm.s32 $0x6880;
	s25 =	simm.s32 $0x7080;
	s26 =	simm.s32 $0x7880  }
0xa: {  	s28 =	simm.s32 $0x1;
	s5 =	sand.u32 $0x1, s5;
	s6 =	sshll.u32 s1, $0x1  }
0xb: {  	[smem:$0x7FF] =	sst s2;
	s8 =	sshrl.u32 s1, $0x3;
	s6 =	sor.u32 s5, s6  }
0xc: {  	_ =	strace $0x8000004D;
	s5 =	ssub.s32 $0x2, s5;
	s8 =	smul.u32 $0x156400, s8  }
0xd: {  	s7 =	sshll.u32 s6, $0x2;
	s6 =	sshll.u32 s6, $0xC;
	s9 =	sshrl.u32 s5, $0x1  }
0xe: {  	s7 =	sadd.s32 s7, s3;
	s6 =	sadd.s32 s6, s3;
	s9 =	ssub.s32 s5, s9  }
0xf: {  	v2 =	vlaneseq.u32;
	s4 =	sadd.s32 s4, s8;
	s8 =	simm.s32 $0x80;
	s3 =	sadd.s32 $0x2000, s7  }
0x10: {  	vm0 =	vmmov $0xffff;
	v1 =	vshrl.u32 v2, $0x3;
	s5 =	sadd.s32 $0x42000, s6;
	s6 =	smax.u32 s9, $0x1;
	s7 =	simm.s32 $0x2  }
0x11: {  	v0 =	vand.u32 $0x7, v2;
	v2 =	vor.u32 $0x8, v2;
	v1 =	vmul.u32 $0x8, v1;
	s9 =	sadd.s32 $0x100, s4;
	s11 =	sadd.s32 $0x200, s4;
	s13 =	sadd.s32 $0x300, s4  }
.LBB2_1:
0x12: {  	[tilespmem:s2], [sflag:$0x2] =	stream.linear.gather [hbm4b:s3+s2], $0x20, $0x38;
	[tilespmem:$0x8080] =	vst v63  }
0x13: {  	_ =	swait.ge [sflag:s7], $0x20  }
0x14: {  	[sflag:s7] =	ssyncset.done $0x0  }
0x15: {  	[sflag:s7] =	ssyncadd.s32 $0xFFFFFFE0  }
0x16: {  	v3 =	vld [tilespmem:$0x0];
	_ =	sdelay $0x4  }
0x17: {  	v4 =	vshll.u32 v3, $0x3  }
0x18: {  	v3 =	vand.u32 $0x7, v3;
	v4 =	vand.u32 $0xFFFFFFC0, v4  }
0x19: {  	v3 =	vor.u32 v3, v4  }
0x1a: {  	v4 =	vperm.xlane v3, v0;
	_ =	sdelay $0x1  }
0x1b: {  	v4 =	vadd.s32 v1, v4;
	_ =	sdelay $0x4  }
0x1c: {  	[tilespmem:s8], [sflag:$0x1] =	stream.indirect_vreg.gather [hbm4b:s4+s2], $0x80, v4, vm0, $0xb8;
	[tilespmem:$0x8080] =	vst v63  }
0x1d: {  	v3 =	vperm.xlane v3, v2  }
0x1e: {  	[tilespmem:s10], [sflag:$0x1] =	stream.indirect_vreg.gather [hbm4b:s9+s2], $0x80, v4, vm0, $0xb8;
	[tilespmem:$0x8080] =	vst v63  }
0x1f: {  	v3 =	vadd.s32 v1, v3  }
0x20: {  	[tilespmem:s12], [sflag:$0x1] =	stream.indirect_vreg.gather [hbm4b:s11+s2], $0x80, v4, vm0, $0xb8;
	[tilespmem:$0x8080] =	vst v63  }
0x21: {  	_ = 	snop  }
0x22: {  	[tilespmem:s14], [sflag:$0x1] =	stream.indirect_vreg.gather [hbm4b:s13+s2], $0x80, v4, vm0, $0xb8;
	[tilespmem:$0x8080] =	vst v63  }
0x23: {  	_ = 	snop  }
0x24: {  	[tilespmem:s15], [sflag:$0x1] =	stream.indirect_vreg.gather [hbm4b:s4+s2], $0x80, v3, vm0, $0xb8;
	[tilespmem:$0x8080] =	vst v63  }
0x25: {  	_ = 	snop  }
0x26: {  	[tilespmem:s16], [sflag:$0x1] =	stream.indirect_vreg.gather [hbm4b:s9+s2], $0x80, v3, vm0, $0xb8;
	[tilespmem:$0x8080] =	vst v63  }
0x27: {  	_ = 	snop  }
0x28: {  	[tilespmem:s17], [sflag:$0x1] =	stream.indirect_vreg.gather [hbm4b:s11+s2], $0x80, v3, vm0, $0xb8;
	[tilespmem:$0x8080] =	vst v63  }
0x29: {  	_ = 	snop  }
0x2a: {  	[tilespmem:s18], [sflag:$0x1] =	stream.indirect_vreg.gather [hbm4b:s13+s2], $0x80, v3, vm0, $0xb8;
	[tilespmem:$0x8080] =	vst v63  }
0x2b: {  	v3 =	vld [tilespmem:$0x10];
	_ =	sdelay $0x4  }
0x2c: {  	v63 =	vshll.u32 v3, $0x3  }
0x2d: {  	v3 =	vand.u32 $0x7, v3;
	v4 =	vand.u32 $0xFFFFFFC0, v63  }
0x2e: {  	v3 =	vor.u32 v3, v4  }
0x2f: {  	v4 =	vperm.xlane v3, v0;
	_ =	sdelay $0x1  }
0x30: {  	v4 =	vadd.s32 v1, v4;
	_ =	sdelay $0x4  }
0x31: {  	[tilespmem:s19], [sflag:$0x1] =	stream.indirect_vreg.gather [hbm4b:s4+s2], $0x80, v4, vm0, $0xb8;
	[tilespmem:$0x8080] =	vst v63  }
0x32: {  	v3 =	vperm.xlane v3, v2  }
0x33: {  	[tilespmem:s20], [sflag:$0x1] =	stream.indirect_vreg.gather [hbm4b:s9+s2], $0x80, v4, vm0, $0xb8;
	[tilespmem:$0x8080] =	vst v63  }
0x34: {  	v3 =	vadd.s32 v1, v3  }
0x35: {  	[tilespmem:s21], [sflag:$0x1] =	stream.indirect_vreg.gather [hbm4b:s11+s2], $0x80, v4, vm0, $0xb8;
	[tilespmem:$0x8080] =	vst v63  }
0x36: {  	_ = 	snop  }
0x37: {  	[tilespmem:s22], [sflag:$0x1] =	stream.indirect_vreg.gather [hbm4b:s13+s2], $0x80, v4, vm0, $0xb8;
	[tilespmem:$0x8080] =	vst v63  }
0x38: {  	_ = 	snop  }
0x39: {  	[tilespmem:s23], [sflag:$0x1] =	stream.indirect_vreg.gather [hbm4b:s4+s2], $0x80, v3, vm0, $0xb8;
	[tilespmem:$0x8080] =	vst v63  }
0x3a: {  	_ = 	snop  }
0x3b: {  	[tilespmem:s24], [sflag:$0x1] =	stream.indirect_vreg.gather [hbm4b:s9+s2], $0x80, v3, vm0, $0xb8;
	[tilespmem:$0x8080] =	vst v63  }
0x3c: {  	_ = 	snop  }
0x3d: {  	[tilespmem:s25], [sflag:$0x1] =	stream.indirect_vreg.gather [hbm4b:s11+s2], $0x80, v3, vm0, $0xb8;
	[tilespmem:$0x8080] =	vst v63  }
0x3e: {  	_ = 	snop  }
0x3f: {  	[tilespmem:s26], [sflag:$0x1] =	stream.indirect_vreg.gather [hbm4b:s13+s2], $0x80, v3, vm0, $0xb8;
	[tilespmem:$0x8080] =	vst v63  }
0x40: {  	_ =	swait.ge [sflag:s28], $0x8000  }
0x41: {  	p0 =	sne.s32 s6, $0x1;
	[sflag:s28] =	ssyncset.done $0x0  }
.Ltmp0:
0x42: {  	[sflag:s28] =	ssyncadd.s32 $0xFFFF8000;
	(pc) =	sbr.rel @p0 .LBB2_1-.Ltmp0, $4  }
0x43: {  	[hbm4b:s5+s2] =	stream.linear.scatter [tilespmem:s8], [sflag:$0x2], $0x8000, $0x38;
	[tilespmem:$0x8080] =	vst v63  }
0x44: {  	_ =	swait.ge [sflag:s7], $0x8000  }
0x45: {  	[sflag:s7] =	ssyncset.done $0x0  }
0x46: {  	s6 =	sadd.s32 $0xFFFFFFFF, s6;
	[sflag:s7] =	ssyncadd.s32 $0xFFFF8000  }
0x47: {  	_ =	sfence.sel $0x180000  }
0x48: {  	[bflag:$0x0] =	sbarrier.arrive $0xFFFF  }
0x49: {  	p0 =	sne.s32 s1, $0x0;
	_ =	strace $0x9000004D  }
0x4a: {  	s0 =	sadd.s32 @!p0 $0x100000, s0;
	[bflag:$0x2] =	sbarrier.arrive $0xFFFF  }
0x4b: {  	[sflag:s0] =	ssyncadd.tile.s32 @!p0 $0x1;
	_ =	shalt  }
.Lfunc_end2:
_tile_overlayer_lowered:
.L_overlay_start_2:
0x4c: {  	(tag) =	ssettag $0x2  }
0x4d: {  	s0 =	rddreg [dreg:$0x0];
	s2 =	stileid.u32  }
0x4e: {  	s1 =	rddreg [dreg:$0x1];
	p0 =	sne.s32 s2, $0x0  }
0x4f: {  	s3 =	rddreg [dreg:$0x2];
	[bflag:$0x3] =	sbarrier.arrive $0xFFFF;
	s2 =	simm.s32 @!p0 $0x1C02  }
0x50: {  	[timem:s3], [sflag:s2] =	dma.local @!p0 [hbm:s0], s1  }
0x51: {  	s0 =	simm.s32 @!p0 $0x2  }
0x52: {  	_ =	swait.ge @!p0 [sflag:s0], s1  }
0x53: {  	s1 =	ssub.s32 @!p0 $0x0, s1;
	[sflag:s0] =	ssyncset.done @!p0 $0x0  }
0x54: {  	[sflag:s0] =	ssyncadd.s32 @!p0 s1  }
0x55: {  	[bflag:$0x3] =	sbarrier.arrive $0xFFFF  }
0x56: {  	_ =	shalt  }

// kernel: kernel.7.cloned.1.call-start
scs
__scs_entry_jumppad:
0x0: {  	(pc) =	sbr.rel $0x88, $3  }
0x1: {  	(tag) =	ssettag $0x0;
	lr =	simm.s32 $0x1  }
0x2: {  	[smem:$0x3F9D] =	sst lr;
	_ =	strace $0xD0000000  }
0x3: {  	_ = 	snop  }
0x4: {  	_ = 	snop  }
0x5: {  	_ = 	snop  }
0x6: {  	_ = 	snop  }
0x7: {  	_ = 	snop  }
__scs_overlays_trampoline_lowered:
0x8: {  	[smem:$0x3FAC] =	sst s0  }
0x9: {  	[smem:$0x3FAD] =	sst s1  }
0xa: {  	[smem:$0x3FAE] =	sst s2  }
0xb: {  	[smem:$0x3FAF] =	sst s3  }
0xc: {  	[smem:$0x3FB0] =	sst s4  }
0xd: {  	[smem:$0x3FB1] =	sst s5  }
0xe: {  	[smem:$0x3FB2] =	sst s6  }
0xf: {  	[smem:$0x3FB3] =	sst s7  }
0x10: {  	[smem:$0x3FB4] =	sst s8  }
0x11: {  	[smem:$0x3FB5] =	sst s9;
	s0 =	simm.s32 @!p0 $0x0  }
0x12: {  	s1 =	sld [smem:$0x3F9B];
	s0 =	simm.s32 @p0 $0x1  }
0x13: {  	[smem:$0x3FB6] =	sst s0;
	s0 =	simm.s32 @!p1 $0x0  }
0x14: {  	s2 =	sld [smem:$0x3F9A];
	s0 =	simm.s32 @p1 $0x1  }
0x15: {  	[smem:$0x3FB7] =	sst s0;
	s0 =	simm.s32 @!p2 $0x0  }
0x16: {  	s3 =	sld [smem:$0x3FDB];
	s0 =	simm.s32 @p2 $0x1  }
0x17: {  	s4 =	simm.s32 $0x1BF5;
	[smem:$0x3FB9] =	sst s0  }
0x18: {  	s0 =	sld [smem:$0x3F9C];
	_ =	swait.ge [sflag:s4], $0x0  }
0x19: {  	s7 =	sld [smem:$0x3F9D]  }
0x1a: {  	s8 =	sadd.s32 $0xFFFFE003, lr  }
0x1b: {  	s9 =	sadd.s32 $0xFFFFFEF7, lr;
	s5 =	simm.s32 $0xFFFFFFFF;
	p2 =	slt.u32 s8, $0xFFFFF086  }
0x1c: {  	p1 =	slt.u32 s9, $0xF7A;
	s5 =	simm.s32 @!p2 $0x0  }
0x1d: {  	s5 =	simm.s32 @p1 $0x1;
	p0 =	seq.s32 s7, s2  }
0x1e: {  	s7 =	smul.u32 @!p0 $0xF7A, s2;
	p2 =	seq.s32 @!p0 s5, $0x0  }
0x1f: {  	s9 =	smul.u32 $0xF7A, s1;
	s8 =	simm.s32 @!p0 $0x1BF5;
	p2 =	por !p2, p0  }
0x20: {  	[sflag:s8] =	ssyncset.s32 @!p0 $0xFFFFF086;
	s6 =	sadd.s32 @!p0 s3, s7;
	s7 =	simm.s32 @!p0 $0x108  }
0x21: {  	s3 =	sadd.s32 s3, s9;
	s6 =	sadd.s32 @!p0 $0x88, s6;
	s7 =	simm.s32 @p2 $0x1082  }
0x22: {  	[simem:s7], [sflag:s8] =	dma.local @!p0 [hbm:s6], $0xF7A  }
0x23: {  	s9 =	sor.u32 $0xD0000000, s2;
	s6 =	simm.s32 $0x108;
	_ =	swait.ge @!p0 [sflag:s8], $0x0  }
0x24: {  	s3 =	sadd.s32 $0x88, s3;
	s6 =	simm.s32 @!p1 $0x1082;
	[sflag:s4] =	ssyncset.s32 $0xFFFFF086  }
0x25: {  	[simem:s6], [sflag:s4] =	dma.local [hbm:s3], $0xF7A  }
0x26: {  	[smem:$0x3F9D] =	sst s1;
	(tag) =	ssettag s2;
	_ =	strace s9  }
0x27: {  	s1 =	sld [smem:$0x3FAD]  }
0x28: {  	s2 =	sld [smem:$0x3FAE]  }
0x29: {  	s4 =	sld [smem:$0x3FB0]  }
0x2a: {  	p0 =	seq.s32 s5, $0x0;
	s5 =	sld [smem:$0x3FB1]  }
0x2b: {  	s6 =	sld [smem:$0x3FB2]  }
0x2c: {  	s7 =	sld [smem:$0x3FB3]  }
0x2d: {  	s3 =	simm.s32 $0x108;
	s8 =	sld [smem:$0x3FB4]  }
0x2e: {  	s3 =	simm.s32 @!p0 $0x1082;
	s9 =	sld [smem:$0x3FB5]  }
0x2f: {  	lr =	sadd.s32 s0, s3;
	s0 =	sld [smem:$0x3FAC]  }
0x30: {  	s3 =	sld [smem:$0x3FAF]  }
0x31: {  	[smem:$0x3FB8] =	sst s10  }
0x32: {  	s10 =	sld [smem:$0x3FB6];
	_ =	sdelay $0x3  }
0x33: {  	p0 =	seq.s32 s10, $0x1;
	s10 =	sld [smem:$0x3FB8];
	_ =	sdelay $0x3  }
0x34: {  	[smem:$0x3FB8] =	sst s10  }
0x35: {  	s10 =	sld [smem:$0x3FB7];
	_ =	sdelay $0x3  }
0x36: {  	p1 =	seq.s32 s10, $0x1;
	s10 =	sld [smem:$0x3FB8];
	_ =	sdelay $0x3  }
0x37: {  	[smem:$0x3FB8] =	sst s10  }
0x38: {  	s10 =	sld [smem:$0x3FB9]  }
0x39: {  	_ = 	snop;
	(pc) =	sbr.ind lr, $3  }
0x3a: {  	_ = 	snop  }
0x3b: {  	_ = 	snop  }
0x3c: {  	p2 =	seq.s32 s10, $0x1;
	s10 =	sld [smem:$0x3FB8]  }
0x3d: {  	_ =	shalt  }
0x3e: {  	_ =	shalt  }
0x3f: {  	_ =	shalt  }
0x40: {  	_ =	shalt  }
0x41: {  	_ =	shalt  }
0x42: {  	_ =	shalt  }
0x43: {  	_ =	shalt  }
0x44: {  	_ =	shalt  }
0x45: {  	_ =	shalt  }
0x46: {  	_ =	shalt  }
0x47: {  	_ =	shalt  }
0x48: {  	_ =	shalt  }
0x49: {  	_ =	shalt  }
0x4a: {  	_ =	shalt  }
0x4b: {  	_ =	shalt  }
0x4c: {  	_ =	shalt  }
0x4d: {  	_ =	shalt  }
0x4e: {  	_ =	shalt  }
0x4f: {  	_ =	shalt  }
0x50: {  	_ =	shalt  }
0x51: {  	_ =	shalt  }
0x52: {  	_ =	shalt  }
0x53: {  	_ =	shalt  }
0x54: {  	_ =	shalt  }
0x55: {  	_ =	shalt  }
0x56: {  	_ =	shalt  }
0x57: {  	_ =	shalt  }
0x58: {  	_ =	shalt  }
0x59: {  	_ =	shalt  }
0x5a: {  	_ =	shalt  }
0x5b: {  	_ =	shalt  }
0x5c: {  	_ =	shalt  }
0x5d: {  	_ =	shalt  }
0x5e: {  	_ =	shalt  }
0x5f: {  	_ =	shalt  }
0x60: {  	_ =	shalt  }
0x61: {  	_ =	shalt  }
0x62: {  	_ =	shalt  }
0x63: {  	_ =	shalt  }
0x64: {  	_ =	shalt  }
0x65: {  	_ =	shalt  }
0x66: {  	_ =	shalt  }
0x67: {  	_ =	shalt  }
0x68: {  	_ =	shalt  }
0x69: {  	_ =	shalt  }
0x6a: {  	_ =	shalt  }
0x6b: {  	_ =	shalt  }
0x6c: {  	_ =	shalt  }
0x6d: {  	_ =	shalt  }
0x6e: {  	_ =	shalt  }
0x6f: {  	_ =	shalt  }
0x70: {  	_ =	shalt  }
0x71: {  	_ =	shalt  }
0x72: {  	_ =	shalt  }
0x73: {  	_ =	shalt  }
0x74: {  	_ =	shalt  }
0x75: {  	_ =	shalt  }
0x76: {  	_ =	shalt  }
0x77: {  	_ =	shalt  }
0x78: {  	_ =	shalt  }
0x79: {  	_ =	shalt  }
0x7a: {  	_ =	shalt  }
0x7b: {  	_ =	shalt  }
0x7c: {  	_ =	shalt  }
0x7d: {  	_ =	shalt  }
0x7e: {  	_ =	shalt  }
0x7f: {  	_ =	shalt  }
0x80: {  	_ =	shalt  }
0x81: {  	_ =	shalt  }
0x82: {  	_ =	shalt  }
0x83: {  	_ =	shalt  }
0x84: {  	_ =	shalt  }
0x85: {  	_ =	shalt  }
0x86: {  	_ =	shalt  }
0x87: {  	_ =	shalt  }
.Lfunc_end0:
.L_simem_size_0:
called_computation_lowered:
.L_overlay_start_0:
0x88: {  	s2 =	sld [smem:$0x3FD9]  }
0x89: {  	s3 =	sld [smem:$0x3FFE];
	_ =	sdelay $0x1  }
0x8a: {  	s1 =	srdreg.scid  }
0x8b: {  	s0 =	sand.u32 $0x1, s1  }
0x8c: {  	s17 =	sshll.u32 s0, $0xA;
	s2 =	sadd.s32 s3, s2  }
0x8d: {  	s2 =	sadd.s32 s2, s17  }
0x8e: {  	[smem:$0x3FC4] =	sst s2  }
0x8f: {  	_ = 	snop  }
0x90: {  	s2 =	sld [smem:$0x3FC9];
	(tm) =	ssettm $0x1  }
0x91: {  	s18 =	sld [smem:$0x3FFB];
	_ =	sdelay $0x3  }
0x92: {  	_ =	strace s18  }
0x93: {  	s3 =	sld [smem:$0x3FFC];
	_ =	sdelay $0x3  }
0x94: {  	_ =	strace s3  }
0x95: {  	s3 =	sld [smem:$0x3FFD];
	_ =	sdelay $0x3  }
0x96: {  	_ =	strace s3  }
0x97: {  	_ =	strace $0x8FFFFFFF  }
0x98: {  	s19 =	sld [smem:$0x3FDB];
	_ =	sdelay $0x1  }
0x99: {  	s4 =	simm.s32 $_scs_section_size  }
0x9a: {  	s5 =	simm.s32 $_size__tile_overlayer_lowered;
	s6 =	simm.s32 $_tile_overlayer_lowered  }
0x9b: {  	s22 =	simm.s32 $0x1BFF;
	s21 =	sshll.u32 s6, $0x1;
	s3 =	sadd.s32 s4, s19  }
0x9c: {  	s7 =	simm.s32 $0x0;
	s20 =	sshll.u32 s5, $0x1;
	s5 =	sadd.s32 s21, s3  }
0x9d: {  	[timem:s7], [sflag:s22] =	dma.local [hbm:s5], s20  }
0x9e: {  	_ =	swait.ge [sflag:s22], s20  }
0x9f: {  	s4 =	ssub.s32 $0x0, s20;
	[sflag:s22] =	ssyncset.done $0x0  }
0xa0: {  	[sflag:s22] =	ssyncadd.s32 s4;
	_ =	sdelay $0x1  }
0xa1: {  	s23 =	simm.s32 $0x1B8B  }
0xa2: {  	_ =	swait.ge [sflag:s23], $0x1  }
0xa3: {  	[sflag:s23] =	ssyncset.done $0x0  }
0xa4: {  	s25 =	simm.s32 $0x1B8E;
	s24 =	sld [smem:$0x3FFE];
	[sflag:s23] =	ssyncadd.s32 $0xFFFFFFFF  }
0xa5: {  	s26 =	simm.s32 $execute0_lowered;
	[smem:$0x3FD2] =	sst s25  }
0xa6: {  	s5 =	sshll.u32 s26, $0x1;
	_ =	strace $0x80000046;
	[dreg:$0x1] =	wrdreg $0xFFFFFFFF  }
0xa7: {  	s28 =	simm.s32 $_size_execute0_lowered;
	s3 =	sadd.s32 s3, s5;
	[dreg:$0x0] =	wrdreg $0x0  }
0xa8: {  	s5 =	sshll.u32 s28, $0x1;
	[dreg:$0x2] =	wrdreg s3  }
0xa9: {  	[dreg:$0x3] =	wrdreg s5  }
0xaa: {  	[dreg:$0x4] =	wrdreg $0xC0  }
0xab: {  	_ =	task [dreg:s7], $0x5FFFF  }
0xac: {  	[dreg:$0x1] =	wrdreg $0xFFFFFFFF  }
0xad: {  	[dreg:$0x0] =	wrdreg $0x60  }
0xae: {  	[dreg:$0x2] =	wrdreg s2  }
0xaf: {  	[dreg:$0x3] =	wrdreg s24  }
0xb0: {  	[dreg:$0x4] =	wrdreg $0xA  }
0xb1: {  	_ =	task.clear_ibuf [dreg:s7], $0x5FFFF;
	_ =	strace $0x90000046  }
0xb2: {  	s29 =	simm.s32 $0xA;
	_ =	strace $0x80000048  }
0xb3: {  	_ =	swait.ge [sflag:s29], $0x1  }
0xb4: {  	[sflag:s29] =	ssyncadd.s32 $0xFFFFFFFF  }
0xb5: {  	_ =	strace $0x90000048  }
0xb6: {  	_ =	sfence  }
0xb7: {  	s30 =	sld [smem:$0x0];
	_ =	sdelay $0x2  }
0xb8: {  	s31 =	sshll.u32 s1, $0xD;
	s1 =	sshrl.u32 s1, $0x2  }
0xb9: {  	s3 =	sand.u32 $0x4000, s31;
	s1 =	sadd.s32 s1, s30  }
0xba: {  	s0 =	sor.u32 s3, s0;
	s1 =	sshll.u32 s1, $0x11  }
0xbb: {  	s0 =	sor.u32 s1, s0  }
0xbc: {  	s0 =	sadd.s32 $0x8F2B, s0  }
0xbd: {  	[sflag:s0] =	ssyncadd.remote.s32 $0x1  }
0xbe: {  	_ =	sfence.sel $0xFFFF  }
0xbf: {  	[dreg:$0x0] =	wrdreg $0xFFFFFFFF;
	(pc) =	sbr.abs _section_cstart, $3  }
0xc0: {  	[dreg:$0x1] =	wrdreg $0xFFFFFFFF  }
0xc1: {  	_ =	task.clear_ibuf [dreg:s7], $0x2FFFF;
	_ =	strace $0x9FFFFFFF  }
0xc2: {  	(tm) =	ssettm $0x7FFFFFFF  }
0xc3: {  	_ =	shalt  }
tec
execute0_lowered:
.L_overlay_start_1:
0x0: {  	(tag) =	ssettag $0x1  }
0x1: {  	s5 =	rddreg [dreg:$0x0]  }
0x2: {  	s0 =	stileid.u32;
	s6 =	rddreg [dreg:$0x1];
	s2 =	simm.s32 $0x0  }
0x3: {  	s8 =	srdreg.scid;
	s12 =	simm.s32 $0x80;
	s15 =	simm.s32 $0x1900  }
0x4: {  	s16 =	simm.s32 $0x2100;
	s17 =	simm.s32 $0x2900;
	s28 =	simm.s32 $0x7900  }
0x5: {  	s4 =	sshrl.u32 s0, $0x1;
	[smem:$0x7FF] =	sst s2;
	s8 =	sand.u32 $0x1, s8  }
0x6: {  	s10 =	sshll.u32 s0, $0x1;
	p1 =	slt.u32 s0, $0x6;
	s3 =	sadd.s32 $0xFFFFFFFE, s4  }
0x7: {  	s18 =	sand.u32 $0x2, s10;
	s22 =	sshll.u32 s4, $0xE;
	s1 =	sand.u32 $0x80, s3  }
0x8: {  	s10 =	simm.s32 $0x1;
	s24 =	sadd.s32 s22, s6;
	s7 =	sshrl.u32 s1, $0x7  }
0x9: {  	s22 =	simm.s32 $0x5100;
	s1 =	rddreg [dreg:$0x2];
	s7 =	sadd.s32 s7, s3  }
0xa: {  	_ =	strace $0x80000047;
	s9 =	sand.u32 $0xFFFFFFFE, s7;
	s7 =	sshra.s32 s7, $0x1  }
0xb: {  	s3 =	ssub.s32 s3, s9;
	s9 =	sor.u32 s8, s18;
	s8 =	ssub.s32 $0x2, s8  }
0xc: {  	s18 =	simm.s32 $0x3100;
	p0 =	sne.s32 s3, $0x0;
	s11 =	sshll.u32 s9, $0x5  }
0xd: {  	s13 =	sand.u32 $0x1, s3;
	s21 =	sshll.u32 s9, $0xF;
	s29 =	sshrl.u32 s8, $0x1  }
0xe: {  	s31 =	sshll.u32 s9, $0xC;
	p0 =	por !p1, !p0;
	p1 =	sgt.u32 s0, $0x3  }
0xf: {  	s9 =	simm.s32 $0x100;
	p0 =	por !p0, !p0;
	s12 =	simm.s32 @!p1 $0x3  }
0x10: {  	s20 =	sshll.u32 s13, $0x11;
	s10 =	simm.s32 @!p0 $0x0;
	s11 =	sor.u32 s12, s11  }
0x11: {  	p0 =	slt.u32 s0, $0x4;
	s7 =	ssub.s32 s7, s10;
	s11 =	sshrl.u32 s11, $0x3  }
0x12: {  	s13 =	smov.u32 @p0 s4;
	s19 =	sshll.u32 s7, $0x12;
	s23 =	sadd.s32 s11, s6  }
0x13: {  	s26 =	sshll.u32 s7, $0x1;
	s30 =	smul.u32 $0x156400, s13;
	s7 =	ssub.s32 s8, s29  }
0x14: {  	s8 =	sadd.s32 s31, s24;
	s11 =	simm.s32 $0x900;
	s13 =	simm.s32 $0x1100  }
0x15: {  	s24 =	simm.s32 $0x6100;
	s3 =	sor.u32 s20, s19;
	s19 =	sadd.s32 $0x2, s26  }
0x16: {  	s4 =	sadd.s32 $0x1E00, s23;
	s8 =	sadd.s32 $0x2000, s8;
	s7 =	smax.u32 s7, $0x1  }
0x17: {  	s20 =	simm.s32 $0x4100;
	s23 =	simm.s32 $0x5900;
	s26 =	simm.s32 $0x7100  }
0x18: {  	s3 =	sor.u32 s21, s3;
	s19 =	simm.s32 @p0 $0x0;
	s5 =	sadd.s32 s5, s30  }
0x19: {  	s21 =	simm.s32 $0x4900;
	s25 =	sshrl.u32 s3, $0x3;
	s3 =	simm.s32 $0x1  }
0x1a: {  	v4 =	vlaneseq.u32;
	vm0 =	vmmov $0xffff;
	s10 =	sadd.s32 $0x100, s5;
	s12 =	sadd.s32 $0x200, s5;
	s6 =	sadd.s32 s25, s6  }
0x1b: {  	v2 =	vand.u32 $0x7, v4;
	v3 =	vshrl.u32 v4, $0x3;
	s14 =	sadd.s32 $0x300, s5;
	v0 =	vmov s19;
	s19 =	simm.s32 $0x3900;
	s6 =	sadd.s32 $0xA000, s6  }
0x1c: {  	v4 =	vor.u32 $0x8, v4;
	v3 =	vmul.u32 $0x8, v3;
	v1 =	vand.u32 $0x6, v0;
	s25 =	simm.s32 $0x6900;
	s6 =	smov.u32 @p0 s8;
	s8 =	simm.s32 $0x2  }
.LBB2_1:
0x1d: {  	[tilespmem:s2], [sflag:$0x2] =	stream.linear.gather [hbm4b:s4+s2], $0x20, $0x38;
	[tilespmem:$0x8100] =	vst v63  }
0x1e: {  	_ =	swait.ge [sflag:s8], $0x20  }
0x1f: {  	[sflag:s8] =	ssyncset.done $0x0  }
0x20: {  	[sflag:s8] =	ssyncadd.s32 $0xFFFFFFE0  }
0x21: {  	v5 =	vld [tilespmem:$0x0];
	_ =	sdelay $0x4  }
0x22: {  	v5 =	vshll.u32 v5, $0x3  }
0x23: {  	v5 =	vadd.s32 v0, v5  }
0x24: {  	v6 =	vshll.u32 v5, $0x3  }
0x25: {  	v6 =	vand.u32 $0xFFFFFFC0, v6  }
0x26: {  	v7 =	vld [tilespmem:$0x10];
	v6 =	vor.u32 v1, v6  }
0x27: {  	v8 =	vperm.xlane v6, v2;
	_ =	sdelay $0x1  }
0x28: {  	v8 =	vadd.s32 v3, v8;
	_ =	sdelay $0x1  }
0x29: {  	v7 =	vshll.u32 v7, $0x3  }
0x2a: {  	[tilespmem:$0x80] =	vst v5;
	v5 =	vadd.s32 v0, v7  }
0x2b: {  	[tilespmem:$0x90] =	vst v5  }
0x2c: {  	[tilespmem:s9], [sflag:$0x1] =	stream.indirect_vreg.gather [hbm4b:s5+s2], $0x80, v8, vm0, $0xb8;
	[tilespmem:$0x8100] =	vst v63  }
0x2d: {  	v5 =	vperm.xlane v6, v4  }
0x2e: {  	[tilespmem:s11], [sflag:$0x1] =	stream.indirect_vreg.gather [hbm4b:s10+s2], $0x80, v8, vm0, $0xb8;
	[tilespmem:$0x8100] =	vst v63  }
0x2f: {  	v5 =	vadd.s32 v3, v5  }
0x30: {  	[tilespmem:s13], [sflag:$0x1] =	stream.indirect_vreg.gather [hbm4b:s12+s2], $0x80, v8, vm0, $0xb8;
	[tilespmem:$0x8100] =	vst v63  }
0x31: {  	_ = 	snop  }
0x32: {  	[tilespmem:s15], [sflag:$0x1] =	stream.indirect_vreg.gather [hbm4b:s14+s2], $0x80, v8, vm0, $0xb8;
	[tilespmem:$0x8100] =	vst v63  }
0x33: {  	_ = 	snop  }
0x34: {  	[tilespmem:s16], [sflag:$0x1] =	stream.indirect_vreg.gather [hbm4b:s5+s2], $0x80, v5, vm0, $0xb8;
	[tilespmem:$0x8100] =	vst v63  }
0x35: {  	_ = 	snop  }
0x36: {  	[tilespmem:s17], [sflag:$0x1] =	stream.indirect_vreg.gather [hbm4b:s10+s2], $0x80, v5, vm0, $0xb8;
	[tilespmem:$0x8100] =	vst v63  }
0x37: {  	_ = 	snop  }
0x38: {  	[tilespmem:s18], [sflag:$0x1] =	stream.indirect_vreg.gather [hbm4b:s12+s2], $0x80, v5, vm0, $0xb8;
	[tilespmem:$0x8100] =	vst v63  }
0x39: {  	_ = 	snop  }
0x3a: {  	[tilespmem:s19], [sflag:$0x1] =	stream.indirect_vreg.gather [hbm4b:s14+s2], $0x80, v5, vm0, $0xb8;
	[tilespmem:$0x8100] =	vst v63  }
0x3b: {  	v5 =	vld [tilespmem:$0x90];
	_ =	sdelay $0x4  }
0x3c: {  	v6 =	vshll.u32 v5, $0x3  }
0x3d: {  	v5 =	vand.u32 $0x7, v5;
	v6 =	vand.u32 $0xFFFFFFC0, v6  }
0x3e: {  	v5 =	vor.u32 v5, v6  }
0x3f: {  	v6 =	vperm.xlane v5, v2;
	_ =	sdelay $0x1  }
0x40: {  	v6 =	vadd.s32 v3, v6;
	_ =	sdelay $0x4  }
0x41: {  	[tilespmem:s20], [sflag:$0x1] =	stream.indirect_vreg.gather [hbm4b:s5+s2], $0x80, v6, vm0, $0xb8;
	[tilespmem:$0x8100] =	vst v63  }
0x42: {  	v5 =	vperm.xlane v5, v4  }
0x43: {  	[tilespmem:s21], [sflag:$0x1] =	stream.indirect_vreg.gather [hbm4b:s10+s2], $0x80, v6, vm0, $0xb8;
	[tilespmem:$0x8100] =	vst v63  }
0x44: {  	v5 =	vadd.s32 v3, v5  }
0x45: {  	[tilespmem:s22], [sflag:$0x1] =	stream.indirect_vreg.gather [hbm4b:s12+s2], $0x80, v6, vm0, $0xb8;
	[tilespmem:$0x8100] =	vst v63  }
0x46: {  	_ = 	snop  }
0x47: {  	[tilespmem:s23], [sflag:$0x1] =	stream.indirect_vreg.gather [hbm4b:s14+s2], $0x80, v6, vm0, $0xb8;
	[tilespmem:$0x8100] =	vst v63  }
0x48: {  	_ = 	snop  }
0x49: {  	[tilespmem:s24], [sflag:$0x1] =	stream.indirect_vreg.gather [hbm4b:s5+s2], $0x80, v5, vm0, $0xb8;
	[tilespmem:$0x8100] =	vst v63  }
0x4a: {  	_ = 	snop  }
0x4b: {  	[tilespmem:s25], [sflag:$0x1] =	stream.indirect_vreg.gather [hbm4b:s10+s2], $0x80, v5, vm0, $0xb8;
	[tilespmem:$0x8100] =	vst v63  }
0x4c: {  	_ = 	snop  }
0x4d: {  	[tilespmem:s26], [sflag:$0x1] =	stream.indirect_vreg.gather [hbm4b:s12+s2], $0x80, v5, vm0, $0xb8;
	[tilespmem:$0x8100] =	vst v63  }
0x4e: {  	_ = 	snop  }
0x4f: {  	[tilespmem:s28], [sflag:$0x1] =	stream.indirect_vreg.gather [hbm4b:s14+s2], $0x80, v5, vm0, $0xb8;
	[tilespmem:$0x8100] =	vst v63  }
0x50: {  	_ =	swait.ge [sflag:s3], $0x8000  }
0x51: {  	p0 =	sne.s32 s7, $0x1;
	[sflag:s3] =	ssyncset.done $0x0  }
.Ltmp0:
0x52: {  	[sflag:s3] =	ssyncadd.s32 $0xFFFF8000;
	(pc) =	sbr.rel @p0 .LBB2_1-.Ltmp0, $4  }
0x53: {  	[hbm4b:s6+s2] =	stream.linear.scatter [tilespmem:s9], [sflag:$0x2], $0x8000, $0x38;
	[tilespmem:$0x8100] =	vst v63  }
0x54: {  	_ =	swait.ge [sflag:s8], $0x8000  }
0x55: {  	[sflag:s8] =	ssyncset.done $0x0  }
0x56: {  	s7 =	sadd.s32 $0xFFFFFFFF, s7;
	[sflag:s8] =	ssyncadd.s32 $0xFFFF8000  }
0x57: {  	_ =	sfence.sel $0x180000  }
0x58: {  	[bflag:$0x0] =	sbarrier.arrive $0xFFFF  }
0x59: {  	p0 =	sne.s32 s0, $0x0;
	_ =	strace $0x90000047  }
0x5a: {  	s0 =	sadd.s32 @!p0 $0x100000, s1;
	[bflag:$0x2] =	sbarrier.arrive $0xFFFF  }
0x5b: {  	[sflag:s0] =	ssyncadd.tile.s32 @!p0 $0x1;
	_ =	shalt  }
.Lfunc_end2:
_tile_overlayer_lowered:
.L_overlay_start_2:
0x5c: {  	(tag) =	ssettag $0x2  }
0x5d: {  	s0 =	rddreg [dreg:$0x0];
	s2 =	stileid.u32  }
0x5e: {  	s1 =	rddreg [dreg:$0x1];
	p0 =	sne.s32 s2, $0x0  }
0x5f: {  	s3 =	rddreg [dreg:$0x2];
	[bflag:$0x3] =	sbarrier.arrive $0xFFFF;
	s2 =	simm.s32 @!p0 $0x1C02  }
0x60: {  	[timem:s3], [sflag:s2] =	dma.local @!p0 [hbm:s0], s1  }
0x61: {  	s0 =	simm.s32 @!p0 $0x2  }
0x62: {  	_ =	swait.ge @!p0 [sflag:s0], s1  }
0x63: {  	s1 =	ssub.s32 @!p0 $0x0, s1;
	[sflag:s0] =	ssyncset.done @!p0 $0x0  }
0x64: {  	[sflag:s0] =	ssyncadd.s32 @!p0 s1  }
0x65: {  	[bflag:$0x3] =	sbarrier.arrive $0xFFFF  }
0x66: {  	_ =	shalt  }

</sc_bundles>
